<compile_context>
chip_gen: v7x
topology: tpu7x:2x2x1
jax: 0.10.2.dev20260603
libtpu: 0.0.44.dev20260713+nightly
codegen_flags: <defaults>
</compile_context>

<pallas_src>
import functools

import jax
import jax.numpy as jnp
from jax import lax
from jax.experimental import pallas as pl
from jax.experimental.pallas import tpu as pltpu
from jax.experimental.pallas import tpu_sc as plsc

BSZ, T, C = 4, 4096, 1024
D = 1024
K = 2048
DS = 2
N = T // DS
M = BSZ * N

H = 4
MH = M // H
BM = 512
BK = 512

NCCH = 8
NC = 2
NS = 16
NW = NC * NS
RW = DS * MH // NW
CH = 64


def _lut_body(embed_ref, wout_ref, bout_ref, lut_ref, en_ref):
    e = embed_ref[:]
    lut_ref[:] = lax.dot_general(
        e, wout_ref[:], (((1,), (1,)), ((), ())),
        preferred_element_type=jnp.float32) + bout_ref[:]
    en_ref[:] = jnp.sum(e * e, axis=1)


def _dist_body(*refs):
    (x_refs, (wf_ref, bin_ref, embed_ref, en_ref),
     (idx_ref, loss_ref), (acc_ref,)) = (refs[:NCCH], refs[NCCH:NCCH + 4],
                                         refs[NCCH + 4:NCCH + 6],
                                         refs[NCCH + 6:])
    i = pl.program_id(0)
    xw = jnp.concatenate(
        [r[0, 0::2, :] for r in x_refs] + [r[0, 1::2, :] for r in x_refs],
        axis=1)
    z = lax.dot_general(
        xw, wf_ref[:], (((1,), (1,)), ((), ())),
        preferred_element_type=jnp.float32) + bin_ref[:]
    s = lax.dot_general(
        z, embed_ref[:], (((1,), (1,)), ((), ())),
        preferred_element_type=jnp.float32)
    zn = jnp.sum(z * z, axis=1, keepdims=True)
    dist = (zn - 2.0 * s) + en_ref[:][None, :]
    idx_ref[:] = jnp.argmin(dist, axis=1).astype(jnp.int32)
    mind = jnp.min(dist, axis=1)

    @pl.when(i == 0)
    def _():
        acc_ref[0] = 0.0

    acc_ref[0] += jnp.sum(mind)

    @pl.when(i == pl.num_programs(0) - 1)
    def _():
        loss_ref[0, 0] = acc_ref[0] / (M * D)


@functools.lru_cache(maxsize=None)
def _make_gather(h):
    mesh = plsc.VectorSubcoreMesh(core_axis_name="c", subcore_axis_name="s")
    out_type = (jax.ShapeDtypeStruct((BSZ * T, C), jnp.float32)
                if h == 0 else ())

    @functools.partial(
        pl.kernel, mesh=mesh,
        out_type=out_type,
        scratch_types=[
            pltpu.VMEM((CH,), jnp.int32),
            pltpu.VMEM((CH, C), jnp.float32),
            pltpu.SemaphoreType.DMA,
        ],
    )
    def gather(lut_hbm, idx2_hbm, out_hbm, idx_v, rows_v, sem):
        wid = lax.axis_index("s") * NC + lax.axis_index("c")
        src = wid * RW

        def step(j, carry):
            off = src + j * CH
            pltpu.sync_copy(idx2_hbm.at[pl.ds(off, CH)], idx_v)
            pltpu.async_copy(lut_hbm.at[idx_v], rows_v, sem).wait()
            pltpu.sync_copy(rows_v, out_hbm.at[pl.ds(h * DS * MH + off, CH)])
            return carry

        lax.fori_loop(0, RW // CH, step, 0)

    return gather


def _dist_call(h, x, wf, b_in2, embed, en):
    blocks_per_chunk = MH // BM
    bpb = N // BM

    def x_map(c):
        def m(i, h=h, c=c):
            g = h * blocks_per_chunk + i
            return (g // bpb, g % bpb, c)
        return m

    x_specs = [pl.BlockSpec((1, DS * BM, C // NCCH), x_map(c))
               for c in range(NCCH)]
    return pl.pallas_call(
        _dist_body,
        grid=(blocks_per_chunk,),
        in_specs=x_specs + [
            pl.BlockSpec((D, DS * C), lambda i: (0, 0)),
            pl.BlockSpec((1, D), lambda i: (0, 0)),
            pl.BlockSpec((K, D), lambda i: (0, 0)),
            pl.BlockSpec((K,), lambda i: (0,)),
        ],
        out_specs=[
            pl.BlockSpec((BM,), lambda i: (i,)),
            pl.BlockSpec((1, 1), lambda i: (0, 0),
                         memory_space=pltpu.SMEM),
        ],
        out_shape=[
            jax.ShapeDtypeStruct((MH,), jnp.int32),
            jax.ShapeDtypeStruct((1, 1), jnp.float32),
        ],
        scratch_shapes=[pltpu.SMEM((1,), jnp.float32)],
    )(*([x] * NCCH), wf, b_in2, embed, en)


def kernel(x, W_in, b_in, embed, W_out, b_out):
    wf = W_in.transpose(0, 2, 1).reshape(D, DS * C)
    wout = W_out[:, :, 0]
    b_in2 = b_in.reshape(1, D)

    lut, en = pl.pallas_call(
        _lut_body,
        grid=(K // BK,),
        in_specs=[
            pl.BlockSpec((BK, D), lambda i: (i, 0)),
            pl.BlockSpec((C, D), lambda i: (0, 0)),
            pl.BlockSpec((1, C), lambda i: (0, 0)),
        ],
        out_specs=[
            pl.BlockSpec((BK, C), lambda i: (i, 0)),
            pl.BlockSpec((BK,), lambda i: (i,)),
        ],
        out_shape=[
            jax.ShapeDtypeStruct((K, C), jnp.float32),
            jax.ShapeDtypeStruct((K,), jnp.float32),
        ],
    )(embed, wout, b_out.reshape(1, C))

    loss = jnp.zeros((), jnp.float32)
    out_ref = None
    for h in range(H):
        idx_h, part_h = _dist_call(h, x, wf, b_in2, embed, en)
        idx2_h = jnp.repeat(idx_h, DS)
        if h == 0:
            out0 = _make_gather(0)(lut, idx2_h)
            out_ref = jax.new_ref(out0)
        else:
            _make_gather(h)(lut, idx2_h, out_ref)
        loss = loss + part_h.reshape(())

    return (out_ref[...].reshape(BSZ, T, C), loss)

# --- scband reference (transcript-rebuilt; emitter-appended) ---
"""Pipeline reference for scband-vqencoder-25915832664381 (READ-ONLY COPY).

The authoritative reference and input builder live on the scoring server;
editing this copy changes nothing except your own understanding.
"""

import jax, jax.numpy as jnp
import numpy as np

B, T, C = 4, 4096, 1024
D = 1024          # vq_channels
K = 2048          # codebook_size
DS = 2            # downsample

def setup_inputs(seed: int = 0) -> dict:
    key = jax.random.key(seed)
    k1, k2, k3, k4, k5, k6 = jax.random.split(key, 6)
    x = jax.random.normal(k1, (B, T, C), dtype=jnp.float32)
    # Conv1d(in_channels=C, out_channels=D, kernel_size=DS, stride=DS): weight [O, I, W]
    W_in = jax.random.normal(k2, (D, C, DS), dtype=jnp.float32) * np.float32(1.0 / np.sqrt(C * DS))
    b_in = jax.random.normal(k3, (D,), dtype=jnp.float32) * 0.01
    # VQ codebook embed [K, D]
    embed = jax.random.normal(k4, (K, D), dtype=jnp.float32)
    # Conv1d(D, C, kernel_size=1): weight [C, D, 1]
    W_out = jax.random.normal(k5, (C, D, 1), dtype=jnp.float32) * np.float32(1.0 / np.sqrt(D))
    b_out = jax.random.normal(k6, (C,), dtype=jnp.float32) * 0.01
    return {"x": x, "W_in": W_in, "b_in": b_in, "embed": embed, "W_out": W_out, "b_out": b_out}

def reference(x, W_in, b_in, embed, W_out, b_out):
    # x: [B, T, C] -> x.mT: [B, C, T]
    xt = jnp.swapaxes(x, 1, 2)
    # conv_in: kernel=DS, stride=DS -> [B, D, N] with N = T // DS
    h = jax.lax.conv_general_dilated(
        xt, W_in, window_strides=(DS,), padding='VALID',
        dimension_numbers=('NCH', 'OIH', 'NCH'))
    h = h + b_in[None, :, None]
    # VectorQuantize with channel_last=False: operate on [B, N, D]
    z = jnp.swapaxes(h, 1, 2)                      # [B, N, D]
    flat = z.reshape(-1, D)                        # [B*N, D]
    # squared euclidean distance to codebook
    dist = (jnp.sum(flat * flat, axis=1, keepdims=True)
            - 2.0 * flat @ embed.T
            + jnp.sum(embed * embed, axis=1)[None, :])  # [B*N, K]
    idx = jnp.argmin(dist, axis=1)                 # [B*N]
    q = jnp.take(embed, idx, axis=0).reshape(z.shape)  # [B, N, D]
    # commitment loss (commitment_weight = 1.0)
    loss = jnp.mean((jax.lax.stop_gradient(q) - z) ** 2)
    # straight-through estimator
    q_st = z + jax.lax.stop_gradient(q - z)
    qc = jnp.swapaxes(q_st, 1, 2)                  # [B, D, N]
    # Upsample nearest scale_factor=DS
    up = jnp.repeat(qc, DS, axis=2)                # [B, D, T]
    # conv_out 1x1: D -> C
    out = jax.lax.conv_general_dilated(
        up, W_out, window_strides=(1,), padding='VALID',
        dimension_numbers=('NCH', 'OIH', 'NCH'))
    out = out + b_out[None, :, None]
    out = jnp.swapaxes(out, 1, 2)                  # [B, T, C]
    return (out, loss)

if __name__ == "__main__":
    import jax
    _d = setup_inputs()
    print(jax.jit(kernel)(*tuple(_d.values())))

</pallas_src>

<mosaic_0001>
#map = affine_map<(d0, d1) -> (0, 0)>
#map1 = affine_map<(d0, d1) -> (0)>
module attributes {stable_mosaic.version = 14 : i64} {
  func.func @gather(%arg0: i32, %arg1: i32, %arg2: memref<2048x1024xf32, #tpu.memory_space<hbm>>, %arg3: memref<4096xi32, #tpu.memory_space<hbm>>, %arg4: memref<16384x1024xf32, #tpu.memory_space<hbm>>, %arg5: memref<64xi32, #tpu.memory_space<vmem>>, %arg6: memref<64x1024xf32, #tpu.memory_space<vmem>>, %arg7: memref<!tpu.dma_semaphore, #tpu.memory_space<semaphore_mem>>) attributes {dimension_semantics = [#tpu.dimension_semantics<core_parallel>, #tpu.dimension_semantics<subcore_parallel>], iteration_bounds = array<i64: 2, 16>, scalar_prefetch = 0 : i64, scratch_operands = 3 : i64, tpu.core_type = #tpu.core_type<sc_vector_subcore>, window_params = [{transform_indices = #map}, {transform_indices = #map1}, {transform_indices = #map}]} {
    %mul3A = arith.constant 2 : i32
    %mul3A_0 = arith.muli %arg1, %mul3A : i32
    %add3A = arith.addi %mul3A_0, %arg0 : i32
    %mul3A_1 = arith.constant 128 : i32
    %mul3A_2 = arith.muli %add3A, %mul3A_1 : i32
    %scan3A = arith.constant 0 : i32
    %scan3A_3 = arith.constant 0 : i32
    %scan3A_4 = arith.constant 2 : i32
    %scan3A_5 = arith.addi %scan3A_3, %scan3A_4 : i32
    %scan3A_6 = arith.constant 1 : i32
    scf.for %scan3A_8 = %scan3A_3 to %scan3A_5 step %scan3A_6  : i32 {
      %mul3A_9 = arith.constant 64 : i32
      %mul3A_10 = arith.muli %scan3A_8, %mul3A_9 : i32
      %add3A_11 = arith.addi %mul3A_2, %mul3A_10 : i32
      "tpu.region"() ({
        %run_scoped3A = tpu.sem_alloc : memref<!tpu.dma_semaphore, #tpu.memory_space<semaphore_mem>>
        %dma_start3A_18 = tpu.memref_slice %arg3[%add3A_11] : memref<4096xi32, #tpu.memory_space<hbm>> -> memref<64xi32, #tpu.memory_space<hbm>>
        %dma_start3A_19 = tpu.memref_slice %arg3[%add3A_11] : memref<4096xi32, #tpu.memory_space<hbm>> -> memref<64xi32, #tpu.memory_space<hbm>>
        tpu.enqueue_dma source(%dma_start3A_19 : memref<64xi32, #tpu.memory_space<hbm>>) target(%arg5 : memref<64xi32, #tpu.memory_space<vmem>>) target_semaphore(%run_scoped3A : memref<!tpu.dma_semaphore, #tpu.memory_space<semaphore_mem>>)
        %dma_wait3A_20 = tpu.memref_slice %arg3[%add3A_11] : memref<4096xi32, #tpu.memory_space<hbm>> -> memref<64xi32, #tpu.memory_space<hbm>>
        %dma_wait3A_21 = tpu.memref_slice %arg3[%add3A_11] : memref<4096xi32, #tpu.memory_space<hbm>> -> memref<64xi32, #tpu.memory_space<hbm>>
        tpu.wait_dma2 semaphore(%run_scoped3A : memref<!tpu.dma_semaphore, #tpu.memory_space<semaphore_mem>>) src(%dma_wait3A_21 : memref<64xi32, #tpu.memory_space<hbm>>) dst(%arg5 : memref<64xi32, #tpu.memory_space<vmem>>)
        tpu.yield
      }) : () -> ()
      %dma_start3A = arith.constant 0 : i32
      %dma_start3A_12 = arith.constant 0 : i32
      %dma_start3A_13 = tpu.memref_slice %arg2[%dma_start3A, %dma_start3A_12] : memref<2048x1024xf32, #tpu.memory_space<hbm>> -> memref<2048x1024xf32, #tpu.memory_space<hbm>>
      tpu.enqueue_indirect_dma source(%dma_start3A_13 : memref<2048x1024xf32, #tpu.memory_space<hbm>>) target(%arg6 : memref<64x1024xf32, #tpu.memory_space<vmem>>) offsets(%arg5 : memref<64xi32, #tpu.memory_space<vmem>>) semaphore(%arg7 : memref<!tpu.dma_semaphore, #tpu.memory_space<semaphore_mem>>)
      %dma_wait3A = arith.constant 0 : i32
      %dma_wait3A_14 = arith.constant 0 : i32
      %dma_wait3A_15 = tpu.memref_slice %arg2[%dma_wait3A, %dma_wait3A_14] : memref<2048x1024xf32, #tpu.memory_space<hbm>> -> memref<2048x1024xf32, #tpu.memory_space<hbm>>
      tpu.wait_indirect_dma semaphore(%arg7 : memref<!tpu.dma_semaphore, #tpu.memory_space<semaphore_mem>>) src(%dma_wait3A_15 : memref<2048x1024xf32, #tpu.memory_space<hbm>>) dst(%arg6 : memref<64x1024xf32, #tpu.memory_space<vmem>>)
      %add3A_16 = arith.constant 0 : i32
      %add3A_17 = arith.addi %add3A_16, %add3A_11 : i32
      "tpu.region"() ({
        %run_scoped3A = tpu.sem_alloc : memref<!tpu.dma_semaphore, #tpu.memory_space<semaphore_mem>>
        %dma_start3A_18 = arith.constant 0 : i32
        %dma_start3A_19 = tpu.memref_slice %arg4[%add3A_17, %dma_start3A_18] : memref<16384x1024xf32, #tpu.memory_space<hbm>> -> memref<64x1024xf32, #tpu.memory_space<hbm>>
        %dma_start3A_20 = arith.constant 0 : i32
        %dma_start3A_21 = tpu.memref_slice %arg4[%add3A_17, %dma_start3A_20] : memref<16384x1024xf32, #tpu.memory_space<hbm>> -> memref<64x1024xf32, #tpu.memory_space<hbm>>
        tpu.enqueue_dma source(%arg6 : memref<64x1024xf32, #tpu.memory_space<vmem>>) target(%dma_start3A_21 : memref<64x1024xf32, #tpu.memory_space<hbm>>) target_semaphore(%run_scoped3A : memref<!tpu.dma_semaphore, #tpu.memory_space<semaphore_mem>>)
        %dma_wait3A_22 = arith.constant 0 : i32
        %dma_wait3A_23 = tpu.memref_slice %arg4[%add3A_17, %dma_wait3A_22] : memref<16384x1024xf32, #tpu.memory_space<hbm>> -> memref<64x1024xf32, #tpu.memory_space<hbm>>
        %dma_wait3A_24 = arith.constant 0 : i32
        %dma_wait3A_25 = tpu.memref_slice %arg4[%add3A_17, %dma_wait3A_24] : memref<16384x1024xf32, #tpu.memory_space<hbm>> -> memref<64x1024xf32, #tpu.memory_space<hbm>>
        tpu.wait_dma2 semaphore(%run_scoped3A : memref<!tpu.dma_semaphore, #tpu.memory_space<semaphore_mem>>) src(%arg6 : memref<64x1024xf32, #tpu.memory_space<vmem>>) dst(%dma_wait3A_25 : memref<64x1024xf32, #tpu.memory_space<hbm>>)
        tpu.yield
      }) : () -> ()
    }
    %scan3A_7 = arith.constant 2 : i32
    return
  }
}

#map = affine_map<(d0, d1) -> (0, 0)>
#map1 = affine_map<(d0, d1) -> (0)>
module attributes {stable_mosaic.version = 14 : i64} {
  func.func @new_body(%arg0: i32, %arg1: i32, %arg2: memref<2048x1024xf32, #tpu.memory_space<hbm>>, %arg3: memref<4096xi32, #tpu.memory_space<hbm>>, %arg4: memref<16384x1024xf32, #tpu.memory_space<hbm>>, %arg5: memref<16384x1024xf32, #tpu.memory_space<hbm>>, %arg6: memref<64xi32, #tpu.memory_space<vmem>>, %arg7: memref<64x1024xf32, #tpu.memory_space<vmem>>, %arg8: memref<!tpu.dma_semaphore, #tpu.memory_space<semaphore_mem>>) attributes {dimension_semantics = [#tpu.dimension_semantics<core_parallel>, #tpu.dimension_semantics<subcore_parallel>], iteration_bounds = array<i64: 2, 16>, scalar_prefetch = 0 : i64, scratch_operands = 3 : i64, tpu.core_type = #tpu.core_type<sc_vector_subcore>, window_params = [{transform_indices = #map}, {transform_indices = #map1}, {transform_indices = #map}, {transform_indices = #map}]} {
    %mul3A = arith.constant 2 : i32
    %mul3A_0 = arith.muli %arg1, %mul3A : i32
    %add3A = arith.addi %mul3A_0, %arg0 : i32
    %mul3A_1 = arith.constant 128 : i32
    %mul3A_2 = arith.muli %add3A, %mul3A_1 : i32
    %scan3A = arith.constant 0 : i32
    %scan3A_3 = arith.constant 0 : i32
    %scan3A_4 = arith.constant 2 : i32
    %scan3A_5 = arith.addi %scan3A_3, %scan3A_4 : i32
    %scan3A_6 = arith.constant 1 : i32
    scf.for %scan3A_8 = %scan3A_3 to %scan3A_5 step %scan3A_6  : i32 {
      %mul3A_9 = arith.constant 64 : i32
      %mul3A_10 = arith.muli %scan3A_8, %mul3A_9 : i32
      %add3A_11 = arith.addi %mul3A_2, %mul3A_10 : i32
      "tpu.region"() ({
        %run_scoped3A = tpu.sem_alloc : memref<!tpu.dma_semaphore, #tpu.memory_space<semaphore_mem>>
        %dma_start3A_18 = tpu.memref_slice %arg3[%add3A_11] : memref<4096xi32, #tpu.memory_space<hbm>> -> memref<64xi32, #tpu.memory_space<hbm>>
        %dma_start3A_19 = tpu.memref_slice %arg3[%add3A_11] : memref<4096xi32, #tpu.memory_space<hbm>> -> memref<64xi32, #tpu.memory_space<hbm>>
        tpu.enqueue_dma source(%dma_start3A_19 : memref<64xi32, #tpu.memory_space<hbm>>) target(%arg6 : memref<64xi32, #tpu.memory_space<vmem>>) target_semaphore(%run_scoped3A : memref<!tpu.dma_semaphore, #tpu.memory_space<semaphore_mem>>)
        %dma_wait3A_20 = tpu.memref_slice %arg3[%add3A_11] : memref<4096xi32, #tpu.memory_space<hbm>> -> memref<64xi32, #tpu.memory_space<hbm>>
        %dma_wait3A_21 = tpu.memref_slice %arg3[%add3A_11] : memref<4096xi32, #tpu.memory_space<hbm>> -> memref<64xi32, #tpu.memory_space<hbm>>
        tpu.wait_dma2 semaphore(%run_scoped3A : memref<!tpu.dma_semaphore, #tpu.memory_space<semaphore_mem>>) src(%dma_wait3A_21 : memref<64xi32, #tpu.memory_space<hbm>>) dst(%arg6 : memref<64xi32, #tpu.memory_space<vmem>>)
        tpu.yield
      }) : () -> ()
      %dma_start3A = arith.constant 0 : i32
      %dma_start3A_12 = arith.constant 0 : i32
      %dma_start3A_13 = tpu.memref_slice %arg2[%dma_start3A, %dma_start3A_12] : memref<2048x1024xf32, #tpu.memory_space<hbm>> -> memref<2048x1024xf32, #tpu.memory_space<hbm>>
      tpu.enqueue_indirect_dma source(%dma_start3A_13 : memref<2048x1024xf32, #tpu.memory_space<hbm>>) target(%arg7 : memref<64x1024xf32, #tpu.memory_space<vmem>>) offsets(%arg6 : memref<64xi32, #tpu.memory_space<vmem>>) semaphore(%arg8 : memref<!tpu.dma_semaphore, #tpu.memory_space<semaphore_mem>>)
      %dma_wait3A = arith.constant 0 : i32
      %dma_wait3A_14 = arith.constant 0 : i32
      %dma_wait3A_15 = tpu.memref_slice %arg2[%dma_wait3A, %dma_wait3A_14] : memref<2048x1024xf32, #tpu.memory_space<hbm>> -> memref<2048x1024xf32, #tpu.memory_space<hbm>>
      tpu.wait_indirect_dma semaphore(%arg8 : memref<!tpu.dma_semaphore, #tpu.memory_space<semaphore_mem>>) src(%dma_wait3A_15 : memref<2048x1024xf32, #tpu.memory_space<hbm>>) dst(%arg7 : memref<64x1024xf32, #tpu.memory_space<vmem>>)
      %add3A_16 = arith.constant 4096 : i32
      %add3A_17 = arith.addi %add3A_16, %add3A_11 : i32
      "tpu.region"() ({
        %run_scoped3A = tpu.sem_alloc : memref<!tpu.dma_semaphore, #tpu.memory_space<semaphore_mem>>
        %dma_start3A_18 = arith.constant 0 : i32
        %dma_start3A_19 = tpu.memref_slice %arg4[%add3A_17, %dma_start3A_18] : memref<16384x1024xf32, #tpu.memory_space<hbm>> -> memref<64x1024xf32, #tpu.memory_space<hbm>>
        %dma_start3A_20 = arith.constant 0 : i32
        %dma_start3A_21 = tpu.memref_slice %arg4[%add3A_17, %dma_start3A_20] : memref<16384x1024xf32, #tpu.memory_space<hbm>> -> memref<64x1024xf32, #tpu.memory_space<hbm>>
        tpu.enqueue_dma source(%arg7 : memref<64x1024xf32, #tpu.memory_space<vmem>>) target(%dma_start3A_21 : memref<64x1024xf32, #tpu.memory_space<hbm>>) target_semaphore(%run_scoped3A : memref<!tpu.dma_semaphore, #tpu.memory_space<semaphore_mem>>)
        %dma_wait3A_22 = arith.constant 0 : i32
        %dma_wait3A_23 = tpu.memref_slice %arg4[%add3A_17, %dma_wait3A_22] : memref<16384x1024xf32, #tpu.memory_space<hbm>> -> memref<64x1024xf32, #tpu.memory_space<hbm>>
        %dma_wait3A_24 = arith.constant 0 : i32
        %dma_wait3A_25 = tpu.memref_slice %arg4[%add3A_17, %dma_wait3A_24] : memref<16384x1024xf32, #tpu.memory_space<hbm>> -> memref<64x1024xf32, #tpu.memory_space<hbm>>
        tpu.wait_dma2 semaphore(%run_scoped3A : memref<!tpu.dma_semaphore, #tpu.memory_space<semaphore_mem>>) src(%arg7 : memref<64x1024xf32, #tpu.memory_space<vmem>>) dst(%dma_wait3A_25 : memref<64x1024xf32, #tpu.memory_space<hbm>>)
        tpu.yield
      }) : () -> ()
    }
    %scan3A_7 = arith.constant 2 : i32
    return
  }
}

#map = affine_map<(d0, d1) -> (0, 0)>
#map1 = affine_map<(d0, d1) -> (0)>
module attributes {stable_mosaic.version = 14 : i64} {
  func.func @new_body(%arg0: i32, %arg1: i32, %arg2: memref<2048x1024xf32, #tpu.memory_space<hbm>>, %arg3: memref<4096xi32, #tpu.memory_space<hbm>>, %arg4: memref<16384x1024xf32, #tpu.memory_space<hbm>>, %arg5: memref<16384x1024xf32, #tpu.memory_space<hbm>>, %arg6: memref<64xi32, #tpu.memory_space<vmem>>, %arg7: memref<64x1024xf32, #tpu.memory_space<vmem>>, %arg8: memref<!tpu.dma_semaphore, #tpu.memory_space<semaphore_mem>>) attributes {dimension_semantics = [#tpu.dimension_semantics<core_parallel>, #tpu.dimension_semantics<subcore_parallel>], iteration_bounds = array<i64: 2, 16>, scalar_prefetch = 0 : i64, scratch_operands = 3 : i64, tpu.core_type = #tpu.core_type<sc_vector_subcore>, window_params = [{transform_indices = #map}, {transform_indices = #map1}, {transform_indices = #map}, {transform_indices = #map}]} {
    %mul3A = arith.constant 2 : i32
    %mul3A_0 = arith.muli %arg1, %mul3A : i32
    %add3A = arith.addi %mul3A_0, %arg0 : i32
    %mul3A_1 = arith.constant 128 : i32
    %mul3A_2 = arith.muli %add3A, %mul3A_1 : i32
    %scan3A = arith.constant 0 : i32
    %scan3A_3 = arith.constant 0 : i32
    %scan3A_4 = arith.constant 2 : i32
    %scan3A_5 = arith.addi %scan3A_3, %scan3A_4 : i32
    %scan3A_6 = arith.constant 1 : i32
    scf.for %scan3A_8 = %scan3A_3 to %scan3A_5 step %scan3A_6  : i32 {
      %mul3A_9 = arith.constant 64 : i32
      %mul3A_10 = arith.muli %scan3A_8, %mul3A_9 : i32
      %add3A_11 = arith.addi %mul3A_2, %mul3A_10 : i32
      "tpu.region"() ({
        %run_scoped3A = tpu.sem_alloc : memref<!tpu.dma_semaphore, #tpu.memory_space<semaphore_mem>>
        %dma_start3A_18 = tpu.memref_slice %arg3[%add3A_11] : memref<4096xi32, #tpu.memory_space<hbm>> -> memref<64xi32, #tpu.memory_space<hbm>>
        %dma_start3A_19 = tpu.memref_slice %arg3[%add3A_11] : memref<4096xi32, #tpu.memory_space<hbm>> -> memref<64xi32, #tpu.memory_space<hbm>>
        tpu.enqueue_dma source(%dma_start3A_19 : memref<64xi32, #tpu.memory_space<hbm>>) target(%arg6 : memref<64xi32, #tpu.memory_space<vmem>>) target_semaphore(%run_scoped3A : memref<!tpu.dma_semaphore, #tpu.memory_space<semaphore_mem>>)
        %dma_wait3A_20 = tpu.memref_slice %arg3[%add3A_11] : memref<4096xi32, #tpu.memory_space<hbm>> -> memref<64xi32, #tpu.memory_space<hbm>>
        %dma_wait3A_21 = tpu.memref_slice %arg3[%add3A_11] : memref<4096xi32, #tpu.memory_space<hbm>> -> memref<64xi32, #tpu.memory_space<hbm>>
        tpu.wait_dma2 semaphore(%run_scoped3A : memref<!tpu.dma_semaphore, #tpu.memory_space<semaphore_mem>>) src(%dma_wait3A_21 : memref<64xi32, #tpu.memory_space<hbm>>) dst(%arg6 : memref<64xi32, #tpu.memory_space<vmem>>)
        tpu.yield
      }) : () -> ()
      %dma_start3A = arith.constant 0 : i32
      %dma_start3A_12 = arith.constant 0 : i32
      %dma_start3A_13 = tpu.memref_slice %arg2[%dma_start3A, %dma_start3A_12] : memref<2048x1024xf32, #tpu.memory_space<hbm>> -> memref<2048x1024xf32, #tpu.memory_space<hbm>>
      tpu.enqueue_indirect_dma source(%dma_start3A_13 : memref<2048x1024xf32, #tpu.memory_space<hbm>>) target(%arg7 : memref<64x1024xf32, #tpu.memory_space<vmem>>) offsets(%arg6 : memref<64xi32, #tpu.memory_space<vmem>>) semaphore(%arg8 : memref<!tpu.dma_semaphore, #tpu.memory_space<semaphore_mem>>)
      %dma_wait3A = arith.constant 0 : i32
      %dma_wait3A_14 = arith.constant 0 : i32
      %dma_wait3A_15 = tpu.memref_slice %arg2[%dma_wait3A, %dma_wait3A_14] : memref<2048x1024xf32, #tpu.memory_space<hbm>> -> memref<2048x1024xf32, #tpu.memory_space<hbm>>
      tpu.wait_indirect_dma semaphore(%arg8 : memref<!tpu.dma_semaphore, #tpu.memory_space<semaphore_mem>>) src(%dma_wait3A_15 : memref<2048x1024xf32, #tpu.memory_space<hbm>>) dst(%arg7 : memref<64x1024xf32, #tpu.memory_space<vmem>>)
      %add3A_16 = arith.constant 8192 : i32
      %add3A_17 = arith.addi %add3A_16, %add3A_11 : i32
      "tpu.region"() ({
        %run_scoped3A = tpu.sem_alloc : memref<!tpu.dma_semaphore, #tpu.memory_space<semaphore_mem>>
        %dma_start3A_18 = arith.constant 0 : i32
        %dma_start3A_19 = tpu.memref_slice %arg4[%add3A_17, %dma_start3A_18] : memref<16384x1024xf32, #tpu.memory_space<hbm>> -> memref<64x1024xf32, #tpu.memory_space<hbm>>
        %dma_start3A_20 = arith.constant 0 : i32
        %dma_start3A_21 = tpu.memref_slice %arg4[%add3A_17, %dma_start3A_20] : memref<16384x1024xf32, #tpu.memory_space<hbm>> -> memref<64x1024xf32, #tpu.memory_space<hbm>>
        tpu.enqueue_dma source(%arg7 : memref<64x1024xf32, #tpu.memory_space<vmem>>) target(%dma_start3A_21 : memref<64x1024xf32, #tpu.memory_space<hbm>>) target_semaphore(%run_scoped3A : memref<!tpu.dma_semaphore, #tpu.memory_space<semaphore_mem>>)
        %dma_wait3A_22 = arith.constant 0 : i32
        %dma_wait3A_23 = tpu.memref_slice %arg4[%add3A_17, %dma_wait3A_22] : memref<16384x1024xf32, #tpu.memory_space<hbm>> -> memref<64x1024xf32, #tpu.memory_space<hbm>>
        %dma_wait3A_24 = arith.constant 0 : i32
        %dma_wait3A_25 = tpu.memref_slice %arg4[%add3A_17, %dma_wait3A_24] : memref<16384x1024xf32, #tpu.memory_space<hbm>> -> memref<64x1024xf32, #tpu.memory_space<hbm>>
        tpu.wait_dma2 semaphore(%run_scoped3A : memref<!tpu.dma_semaphore, #tpu.memory_space<semaphore_mem>>) src(%arg7 : memref<64x1024xf32, #tpu.memory_space<vmem>>) dst(%dma_wait3A_25 : memref<64x1024xf32, #tpu.memory_space<hbm>>)
        tpu.yield
      }) : () -> ()
    }
    %scan3A_7 = arith.constant 2 : i32
    return
  }
}

#map = affine_map<(d0, d1) -> (0, 0)>
#map1 = affine_map<(d0, d1) -> (0)>
module attributes {stable_mosaic.version = 14 : i64} {
  func.func @new_body(%arg0: i32, %arg1: i32, %arg2: memref<2048x1024xf32, #tpu.memory_space<hbm>>, %arg3: memref<4096xi32, #tpu.memory_space<hbm>>, %arg4: memref<16384x1024xf32, #tpu.memory_space<hbm>>, %arg5: memref<16384x1024xf32, #tpu.memory_space<hbm>>, %arg6: memref<64xi32, #tpu.memory_space<vmem>>, %arg7: memref<64x1024xf32, #tpu.memory_space<vmem>>, %arg8: memref<!tpu.dma_semaphore, #tpu.memory_space<semaphore_mem>>) attributes {dimension_semantics = [#tpu.dimension_semantics<core_parallel>, #tpu.dimension_semantics<subcore_parallel>], iteration_bounds = array<i64: 2, 16>, scalar_prefetch = 0 : i64, scratch_operands = 3 : i64, tpu.core_type = #tpu.core_type<sc_vector_subcore>, window_params = [{transform_indices = #map}, {transform_indices = #map1}, {transform_indices = #map}, {transform_indices = #map}]} {
    %mul3A = arith.constant 2 : i32
    %mul3A_0 = arith.muli %arg1, %mul3A : i32
    %add3A = arith.addi %mul3A_0, %arg0 : i32
    %mul3A_1 = arith.constant 128 : i32
    %mul3A_2 = arith.muli %add3A, %mul3A_1 : i32
    %scan3A = arith.constant 0 : i32
    %scan3A_3 = arith.constant 0 : i32
    %scan3A_4 = arith.constant 2 : i32
    %scan3A_5 = arith.addi %scan3A_3, %scan3A_4 : i32
    %scan3A_6 = arith.constant 1 : i32
    scf.for %scan3A_8 = %scan3A_3 to %scan3A_5 step %scan3A_6  : i32 {
      %mul3A_9 = arith.constant 64 : i32
      %mul3A_10 = arith.muli %scan3A_8, %mul3A_9 : i32
      %add3A_11 = arith.addi %mul3A_2, %mul3A_10 : i32
      "tpu.region"() ({
        %run_scoped3A = tpu.sem_alloc : memref<!tpu.dma_semaphore, #tpu.memory_space<semaphore_mem>>
        %dma_start3A_18 = tpu.memref_slice %arg3[%add3A_11] : memref<4096xi32, #tpu.memory_space<hbm>> -> memref<64xi32, #tpu.memory_space<hbm>>
        %dma_start3A_19 = tpu.memref_slice %arg3[%add3A_11] : memref<4096xi32, #tpu.memory_space<hbm>> -> memref<64xi32, #tpu.memory_space<hbm>>
        tpu.enqueue_dma source(%dma_start3A_19 : memref<64xi32, #tpu.memory_space<hbm>>) target(%arg6 : memref<64xi32, #tpu.memory_space<vmem>>) target_semaphore(%run_scoped3A : memref<!tpu.dma_semaphore, #tpu.memory_space<semaphore_mem>>)
        %dma_wait3A_20 = tpu.memref_slice %arg3[%add3A_11] : memref<4096xi32, #tpu.memory_space<hbm>> -> memref<64xi32, #tpu.memory_space<hbm>>
        %dma_wait3A_21 = tpu.memref_slice %arg3[%add3A_11] : memref<4096xi32, #tpu.memory_space<hbm>> -> memref<64xi32, #tpu.memory_space<hbm>>
        tpu.wait_dma2 semaphore(%run_scoped3A : memref<!tpu.dma_semaphore, #tpu.memory_space<semaphore_mem>>) src(%dma_wait3A_21 : memref<64xi32, #tpu.memory_space<hbm>>) dst(%arg6 : memref<64xi32, #tpu.memory_space<vmem>>)
        tpu.yield
      }) : () -> ()
      %dma_start3A = arith.constant 0 : i32
      %dma_start3A_12 = arith.constant 0 : i32
      %dma_start3A_13 = tpu.memref_slice %arg2[%dma_start3A, %dma_start3A_12] : memref<2048x1024xf32, #tpu.memory_space<hbm>> -> memref<2048x1024xf32, #tpu.memory_space<hbm>>
      tpu.enqueue_indirect_dma source(%dma_start3A_13 : memref<2048x1024xf32, #tpu.memory_space<hbm>>) target(%arg7 : memref<64x1024xf32, #tpu.memory_space<vmem>>) offsets(%arg6 : memref<64xi32, #tpu.memory_space<vmem>>) semaphore(%arg8 : memref<!tpu.dma_semaphore, #tpu.memory_space<semaphore_mem>>)
      %dma_wait3A = arith.constant 0 : i32
      %dma_wait3A_14 = arith.constant 0 : i32
      %dma_wait3A_15 = tpu.memref_slice %arg2[%dma_wait3A, %dma_wait3A_14] : memref<2048x1024xf32, #tpu.memory_space<hbm>> -> memref<2048x1024xf32, #tpu.memory_space<hbm>>
      tpu.wait_indirect_dma semaphore(%arg8 : memref<!tpu.dma_semaphore, #tpu.memory_space<semaphore_mem>>) src(%dma_wait3A_15 : memref<2048x1024xf32, #tpu.memory_space<hbm>>) dst(%arg7 : memref<64x1024xf32, #tpu.memory_space<vmem>>)
      %add3A_16 = arith.constant 12288 : i32
      %add3A_17 = arith.addi %add3A_16, %add3A_11 : i32
      "tpu.region"() ({
        %run_scoped3A = tpu.sem_alloc : memref<!tpu.dma_semaphore, #tpu.memory_space<semaphore_mem>>
        %dma_start3A_18 = arith.constant 0 : i32
        %dma_start3A_19 = tpu.memref_slice %arg4[%add3A_17, %dma_start3A_18] : memref<16384x1024xf32, #tpu.memory_space<hbm>> -> memref<64x1024xf32, #tpu.memory_space<hbm>>
        %dma_start3A_20 = arith.constant 0 : i32
        %dma_start3A_21 = tpu.memref_slice %arg4[%add3A_17, %dma_start3A_20] : memref<16384x1024xf32, #tpu.memory_space<hbm>> -> memref<64x1024xf32, #tpu.memory_space<hbm>>
        tpu.enqueue_dma source(%arg7 : memref<64x1024xf32, #tpu.memory_space<vmem>>) target(%dma_start3A_21 : memref<64x1024xf32, #tpu.memory_space<hbm>>) target_semaphore(%run_scoped3A : memref<!tpu.dma_semaphore, #tpu.memory_space<semaphore_mem>>)
        %dma_wait3A_22 = arith.constant 0 : i32
        %dma_wait3A_23 = tpu.memref_slice %arg4[%add3A_17, %dma_wait3A_22] : memref<16384x1024xf32, #tpu.memory_space<hbm>> -> memref<64x1024xf32, #tpu.memory_space<hbm>>
        %dma_wait3A_24 = arith.constant 0 : i32
        %dma_wait3A_25 = tpu.memref_slice %arg4[%add3A_17, %dma_wait3A_24] : memref<16384x1024xf32, #tpu.memory_space<hbm>> -> memref<64x1024xf32, #tpu.memory_space<hbm>>
        tpu.wait_dma2 semaphore(%run_scoped3A : memref<!tpu.dma_semaphore, #tpu.memory_space<semaphore_mem>>) src(%arg7 : memref<64x1024xf32, #tpu.memory_space<vmem>>) dst(%dma_wait3A_25 : memref<64x1024xf32, #tpu.memory_space<hbm>>)
        tpu.yield
      }) : () -> ()
    }
    %scan3A_7 = arith.constant 2 : i32
    return
  }
}

module attributes {stable_mosaic.version = 14 : i64} {
  func.func @_dist_body(%arg0: i32, %arg1: memref<1x1024x128xf32, #tpu.memory_space<vmem>>, %arg2: memref<1x1024x128xf32, #tpu.memory_space<vmem>>, %arg3: memref<1x1024x128xf32, #tpu.memory_space<vmem>>, %arg4: memref<1x1024x128xf32, #tpu.memory_space<vmem>>, %arg5: memref<1x1024x128xf32, #tpu.memory_space<vmem>>, %arg6: memref<1x1024x128xf32, #tpu.memory_space<vmem>>, %arg7: memref<1x1024x128xf32, #tpu.memory_space<vmem>>, %arg8: memref<1x1024x128xf32, #tpu.memory_space<vmem>>, %arg9: memref<1024x2048xf32, #tpu.memory_space<vmem>>, %arg10: memref<1x1024xf32, #tpu.memory_space<vmem>>, %arg11: memref<2048x1024xf32, #tpu.memory_space<vmem>>, %arg12: memref<2048xf32, #tpu.memory_space<vmem>>, %arg13: memref<512xi32, #tpu.memory_space<vmem>>, %arg14: memref<1x1xf32, #tpu.memory_space<smem>>, %arg15: memref<1xf32, #tpu.memory_space<smem>>) attributes {dimension_semantics = [#tpu.dimension_semantics<arbitrary>], iteration_bounds = array<i64: 4>, scalar_prefetch = 0 : i64, scratch_operands = 1 : i64, tpu.core_type = #tpu.core_type<tc>, window_params = [{transform_indices = @transform_0, window_bounds = array<i64: 1, 1024, 128>}, {transform_indices = @transform_1, window_bounds = array<i64: 1, 1024, 128>}, {transform_indices = @transform_2, window_bounds = array<i64: 1, 1024, 128>}, {transform_indices = @transform_3, window_bounds = array<i64: 1, 1024, 128>}, {transform_indices = @transform_4, window_bounds = array<i64: 1, 1024, 128>}, {transform_indices = @transform_5, window_bounds = array<i64: 1, 1024, 128>}, {transform_indices = @transform_6, window_bounds = array<i64: 1, 1024, 128>}, {transform_indices = @transform_7, window_bounds = array<i64: 1, 1024, 128>}, {pipeline_mode = #tpu.pipeline_mode<synchronous>, transform_indices = @transform_8, window_bounds = array<i64: 1024, 2048>}, {pipeline_mode = #tpu.pipeline_mode<synchronous>, transform_indices = @transform_9, window_bounds = array<i64: 1, 1024>}, {pipeline_mode = #tpu.pipeline_mode<synchronous>, transform_indices = @transform_10, window_bounds = array<i64: 2048, 1024>}, {pipeline_mode = #tpu.pipeline_mode<synchronous>, transform_indices = @transform_11, window_bounds = array<i64: 2048>}, {transform_indices = @transform_12, window_bounds = array<i64: 512>}, {transform_indices = @transform_13, window_bounds = array<i64: 1, 1>}]} {
    %get3A = arith.constant 0 : index
    %get3A_0 = arith.constant 0 : index
    %get3A_1 = arith.constant 0 : index
    %get3A_2 = tpu.strided_load %arg1[%get3A, %get3A_0, %get3A_1] {strides = array<i32: 1, 2, 1>} : memref<1x1024x128xf32, #tpu.memory_space<vmem>>, vector<1x512x128xf32>
    %get3A_3 = vector.shape_cast %get3A_2 : vector<1x512x128xf32> to vector<512x128xf32>
    %get3A_4 = arith.constant 0 : index
    %get3A_5 = arith.constant 0 : index
    %get3A_6 = arith.constant 0 : index
    %get3A_7 = tpu.strided_load %arg2[%get3A_4, %get3A_5, %get3A_6] {strides = array<i32: 1, 2, 1>} : memref<1x1024x128xf32, #tpu.memory_space<vmem>>, vector<1x512x128xf32>
    %get3A_8 = vector.shape_cast %get3A_7 : vector<1x512x128xf32> to vector<512x128xf32>
    %get3A_9 = arith.constant 0 : index
    %get3A_10 = arith.constant 0 : index
    %get3A_11 = arith.constant 0 : index
    %get3A_12 = tpu.strided_load %arg3[%get3A_9, %get3A_10, %get3A_11] {strides = array<i32: 1, 2, 1>} : memref<1x1024x128xf32, #tpu.memory_space<vmem>>, vector<1x512x128xf32>
    %get3A_13 = vector.shape_cast %get3A_12 : vector<1x512x128xf32> to vector<512x128xf32>
    %get3A_14 = arith.constant 0 : index
    %get3A_15 = arith.constant 0 : index
    %get3A_16 = arith.constant 0 : index
    %get3A_17 = tpu.strided_load %arg4[%get3A_14, %get3A_15, %get3A_16] {strides = array<i32: 1, 2, 1>} : memref<1x1024x128xf32, #tpu.memory_space<vmem>>, vector<1x512x128xf32>
    %get3A_18 = vector.shape_cast %get3A_17 : vector<1x512x128xf32> to vector<512x128xf32>
    %get3A_19 = arith.constant 0 : index
    %get3A_20 = arith.constant 0 : index
    %get3A_21 = arith.constant 0 : index
    %get3A_22 = tpu.strided_load %arg5[%get3A_19, %get3A_20, %get3A_21] {strides = array<i32: 1, 2, 1>} : memref<1x1024x128xf32, #tpu.memory_space<vmem>>, vector<1x512x128xf32>
    %get3A_23 = vector.shape_cast %get3A_22 : vector<1x512x128xf32> to vector<512x128xf32>
    %get3A_24 = arith.constant 0 : index
    %get3A_25 = arith.constant 0 : index
    %get3A_26 = arith.constant 0 : index
    %get3A_27 = tpu.strided_load %arg6[%get3A_24, %get3A_25, %get3A_26] {strides = array<i32: 1, 2, 1>} : memref<1x1024x128xf32, #tpu.memory_space<vmem>>, vector<1x512x128xf32>
    %get3A_28 = vector.shape_cast %get3A_27 : vector<1x512x128xf32> to vector<512x128xf32>
    %get3A_29 = arith.constant 0 : index
    %get3A_30 = arith.constant 0 : index
    %get3A_31 = arith.constant 0 : index
    %get3A_32 = tpu.strided_load %arg7[%get3A_29, %get3A_30, %get3A_31] {strides = array<i32: 1, 2, 1>} : memref<1x1024x128xf32, #tpu.memory_space<vmem>>, vector<1x512x128xf32>
    %get3A_33 = vector.shape_cast %get3A_32 : vector<1x512x128xf32> to vector<512x128xf32>
    %get3A_34 = arith.constant 0 : index
    %get3A_35 = arith.constant 0 : index
    %get3A_36 = arith.constant 0 : index
    %get3A_37 = tpu.strided_load %arg8[%get3A_34, %get3A_35, %get3A_36] {strides = array<i32: 1, 2, 1>} : memref<1x1024x128xf32, #tpu.memory_space<vmem>>, vector<1x512x128xf32>
    %get3A_38 = vector.shape_cast %get3A_37 : vector<1x512x128xf32> to vector<512x128xf32>
    %get3A_39 = arith.constant 0 : index
    %get3A_40 = arith.constant 1 : index
    %get3A_41 = arith.constant 0 : index
    %get3A_42 = tpu.strided_load %arg1[%get3A_39, %get3A_40, %get3A_41] {strides = array<i32: 1, 2, 1>} : memref<1x1024x128xf32, #tpu.memory_space<vmem>>, vector<1x512x128xf32>
    %get3A_43 = vector.shape_cast %get3A_42 : vector<1x512x128xf32> to vector<512x128xf32>
    %get3A_44 = arith.constant 0 : index
    %get3A_45 = arith.constant 1 : index
    %get3A_46 = arith.constant 0 : index
    %get3A_47 = tpu.strided_load %arg2[%get3A_44, %get3A_45, %get3A_46] {strides = array<i32: 1, 2, 1>} : memref<1x1024x128xf32, #tpu.memory_space<vmem>>, vector<1x512x128xf32>
    %get3A_48 = vector.shape_cast %get3A_47 : vector<1x512x128xf32> to vector<512x128xf32>
    %get3A_49 = arith.constant 0 : index
    %get3A_50 = arith.constant 1 : index
    %get3A_51 = arith.constant 0 : index
    %get3A_52 = tpu.strided_load %arg3[%get3A_49, %get3A_50, %get3A_51] {strides = array<i32: 1, 2, 1>} : memref<1x1024x128xf32, #tpu.memory_space<vmem>>, vector<1x512x128xf32>
    %get3A_53 = vector.shape_cast %get3A_52 : vector<1x512x128xf32> to vector<512x128xf32>
    %get3A_54 = arith.constant 0 : index
    %get3A_55 = arith.constant 1 : index
    %get3A_56 = arith.constant 0 : index
    %get3A_57 = tpu.strided_load %arg4[%get3A_54, %get3A_55, %get3A_56] {strides = array<i32: 1, 2, 1>} : memref<1x1024x128xf32, #tpu.memory_space<vmem>>, vector<1x512x128xf32>
    %get3A_58 = vector.shape_cast %get3A_57 : vector<1x512x128xf32> to vector<512x128xf32>
    %get3A_59 = arith.constant 0 : index
    %get3A_60 = arith.constant 1 : index
    %get3A_61 = arith.constant 0 : index
    %get3A_62 = tpu.strided_load %arg5[%get3A_59, %get3A_60, %get3A_61] {strides = array<i32: 1, 2, 1>} : memref<1x1024x128xf32, #tpu.memory_space<vmem>>, vector<1x512x128xf32>
    %get3A_63 = vector.shape_cast %get3A_62 : vector<1x512x128xf32> to vector<512x128xf32>
    %get3A_64 = arith.constant 0 : index
    %get3A_65 = arith.constant 1 : index
    %get3A_66 = arith.constant 0 : index
    %get3A_67 = tpu.strided_load %arg6[%get3A_64, %get3A_65, %get3A_66] {strides = array<i32: 1, 2, 1>} : memref<1x1024x128xf32, #tpu.memory_space<vmem>>, vector<1x512x128xf32>
    %get3A_68 = vector.shape_cast %get3A_67 : vector<1x512x128xf32> to vector<512x128xf32>
    %get3A_69 = arith.constant 0 : index
    %get3A_70 = arith.constant 1 : index
    %get3A_71 = arith.constant 0 : index
    %get3A_72 = tpu.strided_load %arg7[%get3A_69, %get3A_70, %get3A_71] {strides = array<i32: 1, 2, 1>} : memref<1x1024x128xf32, #tpu.memory_space<vmem>>, vector<1x512x128xf32>
    %get3A_73 = vector.shape_cast %get3A_72 : vector<1x512x128xf32> to vector<512x128xf32>
    %get3A_74 = arith.constant 0 : index
    %get3A_75 = arith.constant 1 : index
    %get3A_76 = arith.constant 0 : index
    %get3A_77 = tpu.strided_load %arg8[%get3A_74, %get3A_75, %get3A_76] {strides = array<i32: 1, 2, 1>} : memref<1x1024x128xf32, #tpu.memory_space<vmem>>, vector<1x512x128xf32>
    %get3A_78 = vector.shape_cast %get3A_77 : vector<1x512x128xf32> to vector<512x128xf32>
    %concatenate3A = tpu.concatenate %get3A_3, %get3A_8, %get3A_13, %get3A_18, %get3A_23, %get3A_28, %get3A_33, %get3A_38, %get3A_43, %get3A_48, %get3A_53, %get3A_58, %get3A_63, %get3A_68, %get3A_73, %get3A_78 in 1 : vector<512x128xf32>, vector<512x128xf32>, vector<512x128xf32>, vector<512x128xf32>, vector<512x128xf32>, vector<512x128xf32>, vector<512x128xf32>, vector<512x128xf32>, vector<512x128xf32>, vector<512x128xf32>, vector<512x128xf32>, vector<512x128xf32>, vector<512x128xf32>, vector<512x128xf32>, vector<512x128xf32>, vector<512x128xf32> -> vector<512x2048xf32>
    %get3A_79 = arith.constant 0 : index
    %get3A_80 = arith.constant 0 : index
    %get3A_81 = vector.load %arg9[%get3A_79, %get3A_80] : memref<1024x2048xf32, #tpu.memory_space<vmem>>, vector<1024x2048xf32>
    %dot_general3A = arith.constant dense<0.000000e+00> : vector<512x1024xf32>
    %dot_general3A_82 = tpu.matmul %concatenate3A, %get3A_81, %dot_general3A {dimension_numbers = #tpu.dot_dimension_numbers<[1], [1], [0], [0], [0, 0, 1, 0], [], []>, transpose_lhs_hint = false} : vector<512x2048xf32>, vector<1024x2048xf32>, vector<512x1024xf32> -> vector<512x1024xf32>
    %get3A_83 = arith.constant 0 : index
    %get3A_84 = arith.constant 0 : index
    %get3A_85 = vector.load %arg10[%get3A_83, %get3A_84] : memref<1x1024xf32, #tpu.memory_space<vmem>>, vector<1x1024xf32>
    %add3A = vector.broadcast %get3A_85 : vector<1x1024xf32> to vector<512x1024xf32>
    %add3A_86 = arith.addf %dot_general3A_82, %add3A : vector<512x1024xf32>
    %get3A_87 = arith.constant 0 : index
    %get3A_88 = arith.constant 0 : index
    %get3A_89 = vector.load %arg11[%get3A_87, %get3A_88] : memref<2048x1024xf32, #tpu.memory_space<vmem>>, vector<2048x1024xf32>
    %dot_general3A_90 = arith.constant dense<0.000000e+00> : vector<512x2048xf32>
    %dot_general3A_91 = tpu.matmul %add3A_86, %get3A_89, %dot_general3A_90 {dimension_numbers = #tpu.dot_dimension_numbers<[1], [1], [0], [0], [0, 0, 1, 0], [], []>, transpose_lhs_hint = false} : vector<512x1024xf32>, vector<2048x1024xf32>, vector<512x2048xf32> -> vector<512x2048xf32>
    %mul3A = arith.mulf %add3A_86, %add3A_86 : vector<512x1024xf32>
    %reduce_sum3A = arith.constant dense<0.000000e+00> : vector<512xf32>
    %reduce_sum3A_92 = vector.multi_reduction <add>, %mul3A, %reduce_sum3A [1] : vector<512x1024xf32> to vector<512xf32>
    %broadcast_in_dim3A = vector.shape_cast %reduce_sum3A_92 : vector<512xf32> to vector<512x1xf32>
    %mul3A_93 = arith.constant 2.000000e+00 : f32
    %mul3A_94 = vector.broadcast %mul3A_93 : f32 to vector<512x2048xf32>
    %mul3A_95 = arith.mulf %mul3A_94, %dot_general3A_91 : vector<512x2048xf32>
    %sub3A = vector.broadcast %broadcast_in_dim3A : vector<512x1xf32> to vector<512x2048xf32>
    %sub3A_96 = arith.subf %sub3A, %mul3A_95 : vector<512x2048xf32>
    %get3A_97 = arith.constant 0 : index
    %get3A_98 = vector.load %arg12[%get3A_97] : memref<2048xf32, #tpu.memory_space<vmem>>, vector<2048xf32>
    %broadcast_in_dim3A_99 = vector.shape_cast %get3A_98 : vector<2048xf32> to vector<1x2048xf32>
    %add3A_100 = vector.broadcast %broadcast_in_dim3A_99 : vector<1x2048xf32> to vector<512x2048xf32>
    %add3A_101 = arith.addf %sub3A_96, %add3A_100 : vector<512x2048xf32>
    %argmin3A = tpu.reduce_index %add3A_101 {axis = 1 : i32, kind = #tpu.reduction_kind<arg_min>} : vector<512x2048xf32> -> vector<512xi32>
    %swap3A = arith.constant 0 : index
    %swap3A_102 = vector.load %arg13[%swap3A] : memref<512xi32, #tpu.memory_space<vmem>>, vector<512xi32>
    tpu.vector_store %arg13[%swap3A], %argmin3A {strides = array<i32>} : memref<512xi32, #tpu.memory_space<vmem>>, vector<512xi32>,
    %reduce_min3A = arith.constant dense<0x7F800000> : vector<512xf32>
    %reduce_min3A_103 = vector.multi_reduction <minimumf>, %add3A_101, %reduce_min3A [1] : vector<512x2048xf32> to vector<512xf32>
    %eq3A = arith.constant 0 : i32
    %eq3A_104 = arith.cmpi eq, %arg0, %eq3A : i32
    %convert_element_type3A = arith.extui %eq3A_104 : i1 to i32
    %cond3A = arith.constant 0 : i32
    %cond3A_105 = arith.cmpi ne, %convert_element_type3A, %cond3A : i32
    scf.if %cond3A_105 {
      %swap3A_121 = arith.constant 0.000000e+00 : f32
      %swap3A_122 = arith.constant 0 : index
      %swap3A_123 = memref.load %arg15[%swap3A_122] : memref<1xf32, #tpu.memory_space<smem>>
      memref.store %swap3A_121, %arg15[%swap3A_122] : memref<1xf32, #tpu.memory_space<smem>>
    } else {
    }
    %get3A_106 = arith.constant 0 : index
    %get3A_107 = memref.load %arg15[%get3A_106] : memref<1xf32, #tpu.memory_space<smem>>
    %reduce_sum3A_108 = vector.shape_cast %reduce_min3A_103 : vector<512xf32> to vector<1x512xf32>
    %reduce_sum3A_109 = arith.constant dense<0.000000e+00> : vector<1xf32>
    %reduce_sum3A_110 = vector.multi_reduction <add>, %reduce_sum3A_108, %reduce_sum3A_109 [1] : vector<1x512xf32> to vector<1xf32>
    %reduce_sum3A_111 = vector.shape_cast %reduce_sum3A_110 : vector<1xf32> to vector<1x1xf32>
    %reduce_sum3A_112 = vector.extract %reduce_sum3A_111[0, 0] : f32 from vector<1x1xf32>
    %add3A_113 = arith.addf %get3A_107, %reduce_sum3A_112 : f32
    %swap3A_114 = arith.constant 0 : index
    %swap3A_115 = memref.load %arg15[%swap3A_114] : memref<1xf32, #tpu.memory_space<smem>>
    memref.store %add3A_113, %arg15[%swap3A_114] : memref<1xf32, #tpu.memory_space<smem>>
    %eq3A_116 = arith.constant 3 : i32
    %eq3A_117 = arith.cmpi eq, %arg0, %eq3A_116 : i32
    %convert_element_type3A_118 = arith.extui %eq3A_117 : i1 to i32
    %cond3A_119 = arith.constant 0 : i32
    %cond3A_120 = arith.cmpi ne, %convert_element_type3A_118, %cond3A_119 : i32
    scf.if %cond3A_120 {
      %get3A_121 = arith.constant 0 : index
      %get3A_122 = memref.load %arg15[%get3A_121] : memref<1xf32, #tpu.memory_space<smem>>
      %div3A = arith.constant 0x4B000000 : f32
      %div3A_123 = arith.divf %get3A_122, %div3A : f32
      %swap3A_124 = arith.constant 0 : index
      %swap3A_125 = arith.constant 0 : index
      %swap3A_126 = memref.load %arg14[%swap3A_124, %swap3A_125] : memref<1x1xf32, #tpu.memory_space<smem>>
      memref.store %div3A_123, %arg14[%swap3A_124, %swap3A_125] : memref<1x1xf32, #tpu.memory_space<smem>>
    } else {
    }
    return
  }
  func.func @transform_0(%arg0: i32) -> (i32, i32, i32) {
    %add3A = arith.constant 0 : i32
    %add3A_0 = arith.addi %add3A, %arg0 : i32
    %jit3A = arith.constant 4 : i32
    %div3A = arith.divsi %add3A_0, %jit3A : i32
    %sign3A = arith.constant 0 : i32
    %sign3A_1 = arith.cmpi sgt, %add3A_0, %sign3A : i32
    %sign3A_2 = arith.extui %sign3A_1 : i1 to i32
    %sign3A_3 = arith.constant 0 : i32
    %sign3A_4 = arith.cmpi slt, %add3A_0, %sign3A_3 : i32
    %sign3A_5 = arith.extui %sign3A_4 : i1 to i32
    %sign3A_6 = arith.subi %sign3A_2, %sign3A_5 : i32
    %sign3A_7 = arith.constant 0 : i32
    %sign3A_8 = arith.cmpi sgt, %jit3A, %sign3A_7 : i32
    %sign3A_9 = arith.extui %sign3A_8 : i1 to i32
    %sign3A_10 = arith.constant 0 : i32
    %sign3A_11 = arith.cmpi slt, %jit3A, %sign3A_10 : i32
    %sign3A_12 = arith.extui %sign3A_11 : i1 to i32
    %sign3A_13 = arith.subi %sign3A_9, %sign3A_12 : i32
    %ne3A = arith.cmpi ne, %sign3A_6, %sign3A_13 : i32
    %rem3A = arith.remsi %add3A_0, %jit3A : i32
    %ne3A_14 = arith.constant 0 : i32
    %ne3A_15 = arith.cmpi ne, %rem3A, %ne3A_14 : i32
    %and3A = arith.andi %ne3A, %ne3A_15 : i1
    %sub3A = arith.constant 1 : i32
    %sub3A_16 = arith.subi %div3A, %sub3A : i32
    %select_n3A = arith.select %and3A, %sub3A_16, %div3A : i32
    %jit3A_17 = arith.constant 4 : i32
    %eq3A = arith.constant 0 : i32
    %eq3A_18 = arith.cmpi eq, %jit3A_17, %eq3A : i32
    %jit3A_19 = arith.constant 1 : i32
    %select_n3A_20 = arith.select %eq3A_18, %jit3A_19, %jit3A_17 : i32
    %rem3A_21 = arith.remsi %add3A_0, %select_n3A_20 : i32
    %ne3A_22 = arith.constant 0 : i32
    %ne3A_23 = arith.cmpi ne, %rem3A_21, %ne3A_22 : i32
    %lt3A = arith.constant 0 : i32
    %lt3A_24 = arith.cmpi slt, %rem3A_21, %lt3A : i32
    %lt3A_25 = arith.constant 0 : i32
    %lt3A_26 = arith.cmpi slt, %select_n3A_20, %lt3A_25 : i32
    %ne3A_27 = arith.xori %lt3A_24, %lt3A_26 : i1
    %and3A_28 = arith.andi %ne3A_27, %ne3A_23 : i1
    %add3A_29 = arith.addi %rem3A_21, %select_n3A_20 : i32
    %select_n3A_30 = arith.select %and3A_28, %add3A_29, %rem3A_21 : i32
    %c0_i32 = arith.constant 0 : i32
    %c0_i32_31 = arith.constant 0 : i32
    return %select_n3A, %select_n3A_30, %c0_i32 : i32, i32, i32
  }
  func.func @transform_1(%arg0: i32) -> (i32, i32, i32) {
    %add3A = arith.constant 0 : i32
    %add3A_0 = arith.addi %add3A, %arg0 : i32
    %jit3A = arith.constant 4 : i32
    %div3A = arith.divsi %add3A_0, %jit3A : i32
    %sign3A = arith.constant 0 : i32
    %sign3A_1 = arith.cmpi sgt, %add3A_0, %sign3A : i32
    %sign3A_2 = arith.extui %sign3A_1 : i1 to i32
    %sign3A_3 = arith.constant 0 : i32
    %sign3A_4 = arith.cmpi slt, %add3A_0, %sign3A_3 : i32
    %sign3A_5 = arith.extui %sign3A_4 : i1 to i32
    %sign3A_6 = arith.subi %sign3A_2, %sign3A_5 : i32
    %sign3A_7 = arith.constant 0 : i32
    %sign3A_8 = arith.cmpi sgt, %jit3A, %sign3A_7 : i32
    %sign3A_9 = arith.extui %sign3A_8 : i1 to i32
    %sign3A_10 = arith.constant 0 : i32
    %sign3A_11 = arith.cmpi slt, %jit3A, %sign3A_10 : i32
    %sign3A_12 = arith.extui %sign3A_11 : i1 to i32
    %sign3A_13 = arith.subi %sign3A_9, %sign3A_12 : i32
    %ne3A = arith.cmpi ne, %sign3A_6, %sign3A_13 : i32
    %rem3A = arith.remsi %add3A_0, %jit3A : i32
    %ne3A_14 = arith.constant 0 : i32
    %ne3A_15 = arith.cmpi ne, %rem3A, %ne3A_14 : i32
    %and3A = arith.andi %ne3A, %ne3A_15 : i1
    %sub3A = arith.constant 1 : i32
    %sub3A_16 = arith.subi %div3A, %sub3A : i32
    %select_n3A = arith.select %and3A, %sub3A_16, %div3A : i32
    %jit3A_17 = arith.constant 4 : i32
    %eq3A = arith.constant 0 : i32
    %eq3A_18 = arith.cmpi eq, %jit3A_17, %eq3A : i32
    %jit3A_19 = arith.constant 1 : i32
    %select_n3A_20 = arith.select %eq3A_18, %jit3A_19, %jit3A_17 : i32
    %rem3A_21 = arith.remsi %add3A_0, %select_n3A_20 : i32
    %ne3A_22 = arith.constant 0 : i32
    %ne3A_23 = arith.cmpi ne, %rem3A_21, %ne3A_22 : i32
    %lt3A = arith.constant 0 : i32
    %lt3A_24 = arith.cmpi slt, %rem3A_21, %lt3A : i32
    %lt3A_25 = arith.constant 0 : i32
    %lt3A_26 = arith.cmpi slt, %select_n3A_20, %lt3A_25 : i32
    %ne3A_27 = arith.xori %lt3A_24, %lt3A_26 : i1
    %and3A_28 = arith.andi %ne3A_27, %ne3A_23 : i1
    %add3A_29 = arith.addi %rem3A_21, %select_n3A_20 : i32
    %select_n3A_30 = arith.select %and3A_28, %add3A_29, %rem3A_21 : i32
    %c1_i32 = arith.constant 1 : i32
    %c0_i32 = arith.constant 0 : i32
    return %select_n3A, %select_n3A_30, %c1_i32 : i32, i32, i32
  }
  func.func @transform_2(%arg0: i32) -> (i32, i32, i32) {
    %add3A = arith.constant 0 : i32
    %add3A_0 = arith.addi %add3A, %arg0 : i32
    %jit3A = arith.constant 4 : i32
    %div3A = arith.divsi %add3A_0, %jit3A : i32
    %sign3A = arith.constant 0 : i32
    %sign3A_1 = arith.cmpi sgt, %add3A_0, %sign3A : i32
    %sign3A_2 = arith.extui %sign3A_1 : i1 to i32
    %sign3A_3 = arith.constant 0 : i32
    %sign3A_4 = arith.cmpi slt, %add3A_0, %sign3A_3 : i32
    %sign3A_5 = arith.extui %sign3A_4 : i1 to i32
    %sign3A_6 = arith.subi %sign3A_2, %sign3A_5 : i32
    %sign3A_7 = arith.constant 0 : i32
    %sign3A_8 = arith.cmpi sgt, %jit3A, %sign3A_7 : i32
    %sign3A_9 = arith.extui %sign3A_8 : i1 to i32
    %sign3A_10 = arith.constant 0 : i32
    %sign3A_11 = arith.cmpi slt, %jit3A, %sign3A_10 : i32
    %sign3A_12 = arith.extui %sign3A_11 : i1 to i32
    %sign3A_13 = arith.subi %sign3A_9, %sign3A_12 : i32
    %ne3A = arith.cmpi ne, %sign3A_6, %sign3A_13 : i32
    %rem3A = arith.remsi %add3A_0, %jit3A : i32
    %ne3A_14 = arith.constant 0 : i32
    %ne3A_15 = arith.cmpi ne, %rem3A, %ne3A_14 : i32
    %and3A = arith.andi %ne3A, %ne3A_15 : i1
    %sub3A = arith.constant 1 : i32
    %sub3A_16 = arith.subi %div3A, %sub3A : i32
    %select_n3A = arith.select %and3A, %sub3A_16, %div3A : i32
    %jit3A_17 = arith.constant 4 : i32
    %eq3A = arith.constant 0 : i32
    %eq3A_18 = arith.cmpi eq, %jit3A_17, %eq3A : i32
    %jit3A_19 = arith.constant 1 : i32
    %select_n3A_20 = arith.select %eq3A_18, %jit3A_19, %jit3A_17 : i32
    %rem3A_21 = arith.remsi %add3A_0, %select_n3A_20 : i32
    %ne3A_22 = arith.constant 0 : i32
    %ne3A_23 = arith.cmpi ne, %rem3A_21, %ne3A_22 : i32
    %lt3A = arith.constant 0 : i32
    %lt3A_24 = arith.cmpi slt, %rem3A_21, %lt3A : i32
    %lt3A_25 = arith.constant 0 : i32
    %lt3A_26 = arith.cmpi slt, %select_n3A_20, %lt3A_25 : i32
    %ne3A_27 = arith.xori %lt3A_24, %lt3A_26 : i1
    %and3A_28 = arith.andi %ne3A_27, %ne3A_23 : i1
    %add3A_29 = arith.addi %rem3A_21, %select_n3A_20 : i32
    %select_n3A_30 = arith.select %and3A_28, %add3A_29, %rem3A_21 : i32
    %c2_i32 = arith.constant 2 : i32
    %c0_i32 = arith.constant 0 : i32
    return %select_n3A, %select_n3A_30, %c2_i32 : i32, i32, i32
  }
  func.func @transform_3(%arg0: i32) -> (i32, i32, i32) {
    %add3A = arith.constant 0 : i32
    %add3A_0 = arith.addi %add3A, %arg0 : i32
    %jit3A = arith.constant 4 : i32
    %div3A = arith.divsi %add3A_0, %jit3A : i32
    %sign3A = arith.constant 0 : i32
    %sign3A_1 = arith.cmpi sgt, %add3A_0, %sign3A : i32
    %sign3A_2 = arith.extui %sign3A_1 : i1 to i32
    %sign3A_3 = arith.constant 0 : i32
    %sign3A_4 = arith.cmpi slt, %add3A_0, %sign3A_3 : i32
    %sign3A_5 = arith.extui %sign3A_4 : i1 to i32
    %sign3A_6 = arith.subi %sign3A_2, %sign3A_5 : i32
    %sign3A_7 = arith.constant 0 : i32
    %sign3A_8 = arith.cmpi sgt, %jit3A, %sign3A_7 : i32
    %sign3A_9 = arith.extui %sign3A_8 : i1 to i32
    %sign3A_10 = arith.constant 0 : i32
    %sign3A_11 = arith.cmpi slt, %jit3A, %sign3A_10 : i32
    %sign3A_12 = arith.extui %sign3A_11 : i1 to i32
    %sign3A_13 = arith.subi %sign3A_9, %sign3A_12 : i32
    %ne3A = arith.cmpi ne, %sign3A_6, %sign3A_13 : i32
    %rem3A = arith.remsi %add3A_0, %jit3A : i32
    %ne3A_14 = arith.constant 0 : i32
    %ne3A_15 = arith.cmpi ne, %rem3A, %ne3A_14 : i32
    %and3A = arith.andi %ne3A, %ne3A_15 : i1
    %sub3A = arith.constant 1 : i32
    %sub3A_16 = arith.subi %div3A, %sub3A : i32
    %select_n3A = arith.select %and3A, %sub3A_16, %div3A : i32
    %jit3A_17 = arith.constant 4 : i32
    %eq3A = arith.constant 0 : i32
    %eq3A_18 = arith.cmpi eq, %jit3A_17, %eq3A : i32
    %jit3A_19 = arith.constant 1 : i32
    %select_n3A_20 = arith.select %eq3A_18, %jit3A_19, %jit3A_17 : i32
    %rem3A_21 = arith.remsi %add3A_0, %select_n3A_20 : i32
    %ne3A_22 = arith.constant 0 : i32
    %ne3A_23 = arith.cmpi ne, %rem3A_21, %ne3A_22 : i32
    %lt3A = arith.constant 0 : i32
    %lt3A_24 = arith.cmpi slt, %rem3A_21, %lt3A : i32
    %lt3A_25 = arith.constant 0 : i32
    %lt3A_26 = arith.cmpi slt, %select_n3A_20, %lt3A_25 : i32
    %ne3A_27 = arith.xori %lt3A_24, %lt3A_26 : i1
    %and3A_28 = arith.andi %ne3A_27, %ne3A_23 : i1
    %add3A_29 = arith.addi %rem3A_21, %select_n3A_20 : i32
    %select_n3A_30 = arith.select %and3A_28, %add3A_29, %rem3A_21 : i32
    %c3_i32 = arith.constant 3 : i32
    %c0_i32 = arith.constant 0 : i32
    return %select_n3A, %select_n3A_30, %c3_i32 : i32, i32, i32
  }
  func.func @transform_4(%arg0: i32) -> (i32, i32, i32) {
    %add3A = arith.constant 0 : i32
    %add3A_0 = arith.addi %add3A, %arg0 : i32
    %jit3A = arith.constant 4 : i32
    %div3A = arith.divsi %add3A_0, %jit3A : i32
    %sign3A = arith.constant 0 : i32
    %sign3A_1 = arith.cmpi sgt, %add3A_0, %sign3A : i32
    %sign3A_2 = arith.extui %sign3A_1 : i1 to i32
    %sign3A_3 = arith.constant 0 : i32
    %sign3A_4 = arith.cmpi slt, %add3A_0, %sign3A_3 : i32
    %sign3A_5 = arith.extui %sign3A_4 : i1 to i32
    %sign3A_6 = arith.subi %sign3A_2, %sign3A_5 : i32
    %sign3A_7 = arith.constant 0 : i32
    %sign3A_8 = arith.cmpi sgt, %jit3A, %sign3A_7 : i32
    %sign3A_9 = arith.extui %sign3A_8 : i1 to i32
    %sign3A_10 = arith.constant 0 : i32
    %sign3A_11 = arith.cmpi slt, %jit3A, %sign3A_10 : i32
    %sign3A_12 = arith.extui %sign3A_11 : i1 to i32
    %sign3A_13 = arith.subi %sign3A_9, %sign3A_12 : i32
    %ne3A = arith.cmpi ne, %sign3A_6, %sign3A_13 : i32
    %rem3A = arith.remsi %add3A_0, %jit3A : i32
    %ne3A_14 = arith.constant 0 : i32
    %ne3A_15 = arith.cmpi ne, %rem3A, %ne3A_14 : i32
    %and3A = arith.andi %ne3A, %ne3A_15 : i1
    %sub3A = arith.constant 1 : i32
    %sub3A_16 = arith.subi %div3A, %sub3A : i32
    %select_n3A = arith.select %and3A, %sub3A_16, %div3A : i32
    %jit3A_17 = arith.constant 4 : i32
    %eq3A = arith.constant 0 : i32
    %eq3A_18 = arith.cmpi eq, %jit3A_17, %eq3A : i32
    %jit3A_19 = arith.constant 1 : i32
    %select_n3A_20 = arith.select %eq3A_18, %jit3A_19, %jit3A_17 : i32
    %rem3A_21 = arith.remsi %add3A_0, %select_n3A_20 : i32
    %ne3A_22 = arith.constant 0 : i32
    %ne3A_23 = arith.cmpi ne, %rem3A_21, %ne3A_22 : i32
    %lt3A = arith.constant 0 : i32
    %lt3A_24 = arith.cmpi slt, %rem3A_21, %lt3A : i32
    %lt3A_25 = arith.constant 0 : i32
    %lt3A_26 = arith.cmpi slt, %select_n3A_20, %lt3A_25 : i32
    %ne3A_27 = arith.xori %lt3A_24, %lt3A_26 : i1
    %and3A_28 = arith.andi %ne3A_27, %ne3A_23 : i1
    %add3A_29 = arith.addi %rem3A_21, %select_n3A_20 : i32
    %select_n3A_30 = arith.select %and3A_28, %add3A_29, %rem3A_21 : i32
    %c4_i32 = arith.constant 4 : i32
    %c0_i32 = arith.constant 0 : i32
    return %select_n3A, %select_n3A_30, %c4_i32 : i32, i32, i32
  }
  func.func @transform_5(%arg0: i32) -> (i32, i32, i32) {
    %add3A = arith.constant 0 : i32
    %add3A_0 = arith.addi %add3A, %arg0 : i32
    %jit3A = arith.constant 4 : i32
    %div3A = arith.divsi %add3A_0, %jit3A : i32
    %sign3A = arith.constant 0 : i32
    %sign3A_1 = arith.cmpi sgt, %add3A_0, %sign3A : i32
    %sign3A_2 = arith.extui %sign3A_1 : i1 to i32
    %sign3A_3 = arith.constant 0 : i32
    %sign3A_4 = arith.cmpi slt, %add3A_0, %sign3A_3 : i32
    %sign3A_5 = arith.extui %sign3A_4 : i1 to i32
    %sign3A_6 = arith.subi %sign3A_2, %sign3A_5 : i32
    %sign3A_7 = arith.constant 0 : i32
    %sign3A_8 = arith.cmpi sgt, %jit3A, %sign3A_7 : i32
    %sign3A_9 = arith.extui %sign3A_8 : i1 to i32
    %sign3A_10 = arith.constant 0 : i32
    %sign3A_11 = arith.cmpi slt, %jit3A, %sign3A_10 : i32
    %sign3A_12 = arith.extui %sign3A_11 : i1 to i32
    %sign3A_13 = arith.subi %sign3A_9, %sign3A_12 : i32
    %ne3A = arith.cmpi ne, %sign3A_6, %sign3A_13 : i32
    %rem3A = arith.remsi %add3A_0, %jit3A : i32
    %ne3A_14 = arith.constant 0 : i32
    %ne3A_15 = arith.cmpi ne, %rem3A, %ne3A_14 : i32
    %and3A = arith.andi %ne3A, %ne3A_15 : i1
    %sub3A = arith.constant 1 : i32
    %sub3A_16 = arith.subi %div3A, %sub3A : i32
    %select_n3A = arith.select %and3A, %sub3A_16, %div3A : i32
    %jit3A_17 = arith.constant 4 : i32
    %eq3A = arith.constant 0 : i32
    %eq3A_18 = arith.cmpi eq, %jit3A_17, %eq3A : i32
    %jit3A_19 = arith.constant 1 : i32
    %select_n3A_20 = arith.select %eq3A_18, %jit3A_19, %jit3A_17 : i32
    %rem3A_21 = arith.remsi %add3A_0, %select_n3A_20 : i32
    %ne3A_22 = arith.constant 0 : i32
    %ne3A_23 = arith.cmpi ne, %rem3A_21, %ne3A_22 : i32
    %lt3A = arith.constant 0 : i32
    %lt3A_24 = arith.cmpi slt, %rem3A_21, %lt3A : i32
    %lt3A_25 = arith.constant 0 : i32
    %lt3A_26 = arith.cmpi slt, %select_n3A_20, %lt3A_25 : i32
    %ne3A_27 = arith.xori %lt3A_24, %lt3A_26 : i1
    %and3A_28 = arith.andi %ne3A_27, %ne3A_23 : i1
    %add3A_29 = arith.addi %rem3A_21, %select_n3A_20 : i32
    %select_n3A_30 = arith.select %and3A_28, %add3A_29, %rem3A_21 : i32
    %c5_i32 = arith.constant 5 : i32
    %c0_i32 = arith.constant 0 : i32
    return %select_n3A, %select_n3A_30, %c5_i32 : i32, i32, i32
  }
  func.func @transform_6(%arg0: i32) -> (i32, i32, i32) {
    %add3A = arith.constant 0 : i32
    %add3A_0 = arith.addi %add3A, %arg0 : i32
    %jit3A = arith.constant 4 : i32
    %div3A = arith.divsi %add3A_0, %jit3A : i32
    %sign3A = arith.constant 0 : i32
    %sign3A_1 = arith.cmpi sgt, %add3A_0, %sign3A : i32
    %sign3A_2 = arith.extui %sign3A_1 : i1 to i32
    %sign3A_3 = arith.constant 0 : i32
    %sign3A_4 = arith.cmpi slt, %add3A_0, %sign3A_3 : i32
    %sign3A_5 = arith.extui %sign3A_4 : i1 to i32
    %sign3A_6 = arith.subi %sign3A_2, %sign3A_5 : i32
    %sign3A_7 = arith.constant 0 : i32
    %sign3A_8 = arith.cmpi sgt, %jit3A, %sign3A_7 : i32
    %sign3A_9 = arith.extui %sign3A_8 : i1 to i32
    %sign3A_10 = arith.constant 0 : i32
    %sign3A_11 = arith.cmpi slt, %jit3A, %sign3A_10 : i32
    %sign3A_12 = arith.extui %sign3A_11 : i1 to i32
    %sign3A_13 = arith.subi %sign3A_9, %sign3A_12 : i32
    %ne3A = arith.cmpi ne, %sign3A_6, %sign3A_13 : i32
    %rem3A = arith.remsi %add3A_0, %jit3A : i32
    %ne3A_14 = arith.constant 0 : i32
    %ne3A_15 = arith.cmpi ne, %rem3A, %ne3A_14 : i32
    %and3A = arith.andi %ne3A, %ne3A_15 : i1
    %sub3A = arith.constant 1 : i32
    %sub3A_16 = arith.subi %div3A, %sub3A : i32
    %select_n3A = arith.select %and3A, %sub3A_16, %div3A : i32
    %jit3A_17 = arith.constant 4 : i32
    %eq3A = arith.constant 0 : i32
    %eq3A_18 = arith.cmpi eq, %jit3A_17, %eq3A : i32
    %jit3A_19 = arith.constant 1 : i32
    %select_n3A_20 = arith.select %eq3A_18, %jit3A_19, %jit3A_17 : i32
    %rem3A_21 = arith.remsi %add3A_0, %select_n3A_20 : i32
    %ne3A_22 = arith.constant 0 : i32
    %ne3A_23 = arith.cmpi ne, %rem3A_21, %ne3A_22 : i32
    %lt3A = arith.constant 0 : i32
    %lt3A_24 = arith.cmpi slt, %rem3A_21, %lt3A : i32
    %lt3A_25 = arith.constant 0 : i32
    %lt3A_26 = arith.cmpi slt, %select_n3A_20, %lt3A_25 : i32
    %ne3A_27 = arith.xori %lt3A_24, %lt3A_26 : i1
    %and3A_28 = arith.andi %ne3A_27, %ne3A_23 : i1
    %add3A_29 = arith.addi %rem3A_21, %select_n3A_20 : i32
    %select_n3A_30 = arith.select %and3A_28, %add3A_29, %rem3A_21 : i32
    %c6_i32 = arith.constant 6 : i32
    %c0_i32 = arith.constant 0 : i32
    return %select_n3A, %select_n3A_30, %c6_i32 : i32, i32, i32
  }
  func.func @transform_7(%arg0: i32) -> (i32, i32, i32) {
    %add3A = arith.constant 0 : i32
    %add3A_0 = arith.addi %add3A, %arg0 : i32
    %jit3A = arith.constant 4 : i32
    %div3A = arith.divsi %add3A_0, %jit3A : i32
    %sign3A = arith.constant 0 : i32
    %sign3A_1 = arith.cmpi sgt, %add3A_0, %sign3A : i32
    %sign3A_2 = arith.extui %sign3A_1 : i1 to i32
    %sign3A_3 = arith.constant 0 : i32
    %sign3A_4 = arith.cmpi slt, %add3A_0, %sign3A_3 : i32
    %sign3A_5 = arith.extui %sign3A_4 : i1 to i32
    %sign3A_6 = arith.subi %sign3A_2, %sign3A_5 : i32
    %sign3A_7 = arith.constant 0 : i32
    %sign3A_8 = arith.cmpi sgt, %jit3A, %sign3A_7 : i32
    %sign3A_9 = arith.extui %sign3A_8 : i1 to i32
    %sign3A_10 = arith.constant 0 : i32
    %sign3A_11 = arith.cmpi slt, %jit3A, %sign3A_10 : i32
    %sign3A_12 = arith.extui %sign3A_11 : i1 to i32
    %sign3A_13 = arith.subi %sign3A_9, %sign3A_12 : i32
    %ne3A = arith.cmpi ne, %sign3A_6, %sign3A_13 : i32
    %rem3A = arith.remsi %add3A_0, %jit3A : i32
    %ne3A_14 = arith.constant 0 : i32
    %ne3A_15 = arith.cmpi ne, %rem3A, %ne3A_14 : i32
    %and3A = arith.andi %ne3A, %ne3A_15 : i1
    %sub3A = arith.constant 1 : i32
    %sub3A_16 = arith.subi %div3A, %sub3A : i32
    %select_n3A = arith.select %and3A, %sub3A_16, %div3A : i32
    %jit3A_17 = arith.constant 4 : i32
    %eq3A = arith.constant 0 : i32
    %eq3A_18 = arith.cmpi eq, %jit3A_17, %eq3A : i32
    %jit3A_19 = arith.constant 1 : i32
    %select_n3A_20 = arith.select %eq3A_18, %jit3A_19, %jit3A_17 : i32
    %rem3A_21 = arith.remsi %add3A_0, %select_n3A_20 : i32
    %ne3A_22 = arith.constant 0 : i32
    %ne3A_23 = arith.cmpi ne, %rem3A_21, %ne3A_22 : i32
    %lt3A = arith.constant 0 : i32
    %lt3A_24 = arith.cmpi slt, %rem3A_21, %lt3A : i32
    %lt3A_25 = arith.constant 0 : i32
    %lt3A_26 = arith.cmpi slt, %select_n3A_20, %lt3A_25 : i32
    %ne3A_27 = arith.xori %lt3A_24, %lt3A_26 : i1
    %and3A_28 = arith.andi %ne3A_27, %ne3A_23 : i1
    %add3A_29 = arith.addi %rem3A_21, %select_n3A_20 : i32
    %select_n3A_30 = arith.select %and3A_28, %add3A_29, %rem3A_21 : i32
    %c7_i32 = arith.constant 7 : i32
    %c0_i32 = arith.constant 0 : i32
    return %select_n3A, %select_n3A_30, %c7_i32 : i32, i32, i32
  }
  func.func @transform_8(%arg0: i32) -> (i32, i32) {
    %c0_i32 = arith.constant 0 : i32
    %c0_i32_0 = arith.constant 0 : i32
    %c0_i32_1 = arith.constant 0 : i32
    return %c0_i32, %c0_i32_0 : i32, i32
  }
  func.func @transform_9(%arg0: i32) -> (i32, i32) {
    %c0_i32 = arith.constant 0 : i32
    %c0_i32_0 = arith.constant 0 : i32
    %c0_i32_1 = arith.constant 0 : i32
    return %c0_i32, %c0_i32_0 : i32, i32
  }
  func.func @transform_10(%arg0: i32) -> (i32, i32) {
    %c0_i32 = arith.constant 0 : i32
    %c0_i32_0 = arith.constant 0 : i32
    %c0_i32_1 = arith.constant 0 : i32
    return %c0_i32, %c0_i32_0 : i32, i32
  }
  func.func @transform_11(%arg0: i32) -> i32 {
    %c0_i32 = arith.constant 0 : i32
    %c0_i32_0 = arith.constant 0 : i32
    return %c0_i32 : i32
  }
  func.func @transform_12(%arg0: i32) -> i32 {
    %c0_i32 = arith.constant 0 : i32
    return %arg0 : i32
  }
  func.func @transform_13(%arg0: i32) -> (i32, i32) {
    %c0_i32 = arith.constant 0 : i32
    %c0_i32_0 = arith.constant 0 : i32
    %c0_i32_1 = arith.constant 0 : i32
    return %c0_i32, %c0_i32_0 : i32, i32
  }
}

module attributes {stable_mosaic.version = 14 : i64} {
  func.func @_lut_body(%arg0: i32, %arg1: memref<512x1024xf32, #tpu.memory_space<vmem>>, %arg2: memref<1024x1024xf32, #tpu.memory_space<vmem>>, %arg3: memref<1x1024xf32, #tpu.memory_space<vmem>>, %arg4: memref<512x1024xf32, #tpu.memory_space<vmem>>, %arg5: memref<512xf32, #tpu.memory_space<vmem>>) attributes {dimension_semantics = [#tpu.dimension_semantics<arbitrary>], iteration_bounds = array<i64: 4>, scalar_prefetch = 0 : i64, scratch_operands = 0 : i64, tpu.core_type = #tpu.core_type<tc>, window_params = [{transform_indices = @transform_0, window_bounds = array<i64: 512, 1024>}, {pipeline_mode = #tpu.pipeline_mode<synchronous>, transform_indices = @transform_1, window_bounds = array<i64: 1024, 1024>}, {pipeline_mode = #tpu.pipeline_mode<synchronous>, transform_indices = @transform_2, window_bounds = array<i64: 1, 1024>}, {transform_indices = @transform_3, window_bounds = array<i64: 512, 1024>}, {transform_indices = @transform_4, window_bounds = array<i64: 512>}]} {
    %get3A = arith.constant 0 : index
    %get3A_0 = arith.constant 0 : index
    %get3A_1 = vector.load %arg1[%get3A, %get3A_0] : memref<512x1024xf32, #tpu.memory_space<vmem>>, vector<512x1024xf32>
    %get3A_2 = arith.constant 0 : index
    %get3A_3 = arith.constant 0 : index
    %get3A_4 = vector.load %arg2[%get3A_2, %get3A_3] : memref<1024x1024xf32, #tpu.memory_space<vmem>>, vector<1024x1024xf32>
    %dot_general3A = arith.constant dense<0.000000e+00> : vector<512x1024xf32>
    %dot_general3A_5 = tpu.matmul %get3A_1, %get3A_4, %dot_general3A {dimension_numbers = #tpu.dot_dimension_numbers<[1], [1], [0], [0], [0, 0, 1, 0], [], []>, transpose_lhs_hint = false} : vector<512x1024xf32>, vector<1024x1024xf32>, vector<512x1024xf32> -> vector<512x1024xf32>
    %get3A_6 = arith.constant 0 : index
    %get3A_7 = arith.constant 0 : index
    %get3A_8 = vector.load %arg3[%get3A_6, %get3A_7] : memref<1x1024xf32, #tpu.memory_space<vmem>>, vector<1x1024xf32>
    %add3A = vector.broadcast %get3A_8 : vector<1x1024xf32> to vector<512x1024xf32>
    %add3A_9 = arith.addf %dot_general3A_5, %add3A : vector<512x1024xf32>
    %swap3A = arith.constant 0 : index
    %swap3A_10 = arith.constant 0 : index
    %swap3A_11 = vector.load %arg4[%swap3A, %swap3A_10] : memref<512x1024xf32, #tpu.memory_space<vmem>>, vector<512x1024xf32>
    tpu.vector_store %arg4[%swap3A, %swap3A_10], %add3A_9 {strides = array<i32>} : memref<512x1024xf32, #tpu.memory_space<vmem>>, vector<512x1024xf32>,
    %mul3A = arith.mulf %get3A_1, %get3A_1 : vector<512x1024xf32>
    %reduce_sum3A = arith.constant dense<0.000000e+00> : vector<512xf32>
    %reduce_sum3A_12 = vector.multi_reduction <add>, %mul3A, %reduce_sum3A [1] : vector<512x1024xf32> to vector<512xf32>
    %swap3A_13 = arith.constant 0 : index
    %swap3A_14 = vector.load %arg5[%swap3A_13] : memref<512xf32, #tpu.memory_space<vmem>>, vector<512xf32>
    tpu.vector_store %arg5[%swap3A_13], %reduce_sum3A_12 {strides = array<i32>} : memref<512xf32, #tpu.memory_space<vmem>>, vector<512xf32>,
    return
  }
  func.func @transform_0(%arg0: i32) -> (i32, i32) {
    %c0_i32 = arith.constant 0 : i32
    %c0_i32_0 = arith.constant 0 : i32
    return %arg0, %c0_i32 : i32, i32
  }
  func.func @transform_1(%arg0: i32) -> (i32, i32) {
    %c0_i32 = arith.constant 0 : i32
    %c0_i32_0 = arith.constant 0 : i32
    %c0_i32_1 = arith.constant 0 : i32
    return %c0_i32, %c0_i32_0 : i32, i32
  }
  func.func @transform_2(%arg0: i32) -> (i32, i32) {
    %c0_i32 = arith.constant 0 : i32
    %c0_i32_0 = arith.constant 0 : i32
    %c0_i32_1 = arith.constant 0 : i32
    return %c0_i32, %c0_i32_0 : i32, i32
  }
  func.func @transform_3(%arg0: i32) -> (i32, i32) {
    %c0_i32 = arith.constant 0 : i32
    %c0_i32_0 = arith.constant 0 : i32
    return %arg0, %c0_i32 : i32, i32
  }
  func.func @transform_4(%arg0: i32) -> i32 {
    %c0_i32 = arith.constant 0 : i32
    return %arg0 : i32
  }
}

module attributes {stable_mosaic.version = 14 : i64} {
  func.func @_dist_body(%arg0: i32, %arg1: memref<1x1024x128xf32, #tpu.memory_space<vmem>>, %arg2: memref<1x1024x128xf32, #tpu.memory_space<vmem>>, %arg3: memref<1x1024x128xf32, #tpu.memory_space<vmem>>, %arg4: memref<1x1024x128xf32, #tpu.memory_space<vmem>>, %arg5: memref<1x1024x128xf32, #tpu.memory_space<vmem>>, %arg6: memref<1x1024x128xf32, #tpu.memory_space<vmem>>, %arg7: memref<1x1024x128xf32, #tpu.memory_space<vmem>>, %arg8: memref<1x1024x128xf32, #tpu.memory_space<vmem>>, %arg9: memref<1024x2048xf32, #tpu.memory_space<vmem>>, %arg10: memref<1x1024xf32, #tpu.memory_space<vmem>>, %arg11: memref<2048x1024xf32, #tpu.memory_space<vmem>>, %arg12: memref<2048xf32, #tpu.memory_space<vmem>>, %arg13: memref<512xi32, #tpu.memory_space<vmem>>, %arg14: memref<1x1xf32, #tpu.memory_space<smem>>, %arg15: memref<1xf32, #tpu.memory_space<smem>>) attributes {dimension_semantics = [#tpu.dimension_semantics<arbitrary>], iteration_bounds = array<i64: 4>, scalar_prefetch = 0 : i64, scratch_operands = 1 : i64, tpu.core_type = #tpu.core_type<tc>, window_params = [{transform_indices = @transform_0, window_bounds = array<i64: 1, 1024, 128>}, {transform_indices = @transform_1, window_bounds = array<i64: 1, 1024, 128>}, {transform_indices = @transform_2, window_bounds = array<i64: 1, 1024, 128>}, {transform_indices = @transform_3, window_bounds = array<i64: 1, 1024, 128>}, {transform_indices = @transform_4, window_bounds = array<i64: 1, 1024, 128>}, {transform_indices = @transform_5, window_bounds = array<i64: 1, 1024, 128>}, {transform_indices = @transform_6, window_bounds = array<i64: 1, 1024, 128>}, {transform_indices = @transform_7, window_bounds = array<i64: 1, 1024, 128>}, {pipeline_mode = #tpu.pipeline_mode<synchronous>, transform_indices = @transform_8, window_bounds = array<i64: 1024, 2048>}, {pipeline_mode = #tpu.pipeline_mode<synchronous>, transform_indices = @transform_9, window_bounds = array<i64: 1, 1024>}, {pipeline_mode = #tpu.pipeline_mode<synchronous>, transform_indices = @transform_10, window_bounds = array<i64: 2048, 1024>}, {pipeline_mode = #tpu.pipeline_mode<synchronous>, transform_indices = @transform_11, window_bounds = array<i64: 2048>}, {transform_indices = @transform_12, window_bounds = array<i64: 512>}, {transform_indices = @transform_13, window_bounds = array<i64: 1, 1>}]} {
    %get3A = arith.constant 0 : index
    %get3A_0 = arith.constant 0 : index
    %get3A_1 = arith.constant 0 : index
    %get3A_2 = tpu.strided_load %arg1[%get3A, %get3A_0, %get3A_1] {strides = array<i32: 1, 2, 1>} : memref<1x1024x128xf32, #tpu.memory_space<vmem>>, vector<1x512x128xf32>
    %get3A_3 = vector.shape_cast %get3A_2 : vector<1x512x128xf32> to vector<512x128xf32>
    %get3A_4 = arith.constant 0 : index
    %get3A_5 = arith.constant 0 : index
    %get3A_6 = arith.constant 0 : index
    %get3A_7 = tpu.strided_load %arg2[%get3A_4, %get3A_5, %get3A_6] {strides = array<i32: 1, 2, 1>} : memref<1x1024x128xf32, #tpu.memory_space<vmem>>, vector<1x512x128xf32>
    %get3A_8 = vector.shape_cast %get3A_7 : vector<1x512x128xf32> to vector<512x128xf32>
    %get3A_9 = arith.constant 0 : index
    %get3A_10 = arith.constant 0 : index
    %get3A_11 = arith.constant 0 : index
    %get3A_12 = tpu.strided_load %arg3[%get3A_9, %get3A_10, %get3A_11] {strides = array<i32: 1, 2, 1>} : memref<1x1024x128xf32, #tpu.memory_space<vmem>>, vector<1x512x128xf32>
    %get3A_13 = vector.shape_cast %get3A_12 : vector<1x512x128xf32> to vector<512x128xf32>
    %get3A_14 = arith.constant 0 : index
    %get3A_15 = arith.constant 0 : index
    %get3A_16 = arith.constant 0 : index
    %get3A_17 = tpu.strided_load %arg4[%get3A_14, %get3A_15, %get3A_16] {strides = array<i32: 1, 2, 1>} : memref<1x1024x128xf32, #tpu.memory_space<vmem>>, vector<1x512x128xf32>
    %get3A_18 = vector.shape_cast %get3A_17 : vector<1x512x128xf32> to vector<512x128xf32>
    %get3A_19 = arith.constant 0 : index
    %get3A_20 = arith.constant 0 : index
    %get3A_21 = arith.constant 0 : index
    %get3A_22 = tpu.strided_load %arg5[%get3A_19, %get3A_20, %get3A_21] {strides = array<i32: 1, 2, 1>} : memref<1x1024x128xf32, #tpu.memory_space<vmem>>, vector<1x512x128xf32>
    %get3A_23 = vector.shape_cast %get3A_22 : vector<1x512x128xf32> to vector<512x128xf32>
    %get3A_24 = arith.constant 0 : index
    %get3A_25 = arith.constant 0 : index
    %get3A_26 = arith.constant 0 : index
    %get3A_27 = tpu.strided_load %arg6[%get3A_24, %get3A_25, %get3A_26] {strides = array<i32: 1, 2, 1>} : memref<1x1024x128xf32, #tpu.memory_space<vmem>>, vector<1x512x128xf32>
    %get3A_28 = vector.shape_cast %get3A_27 : vector<1x512x128xf32> to vector<512x128xf32>
    %get3A_29 = arith.constant 0 : index
    %get3A_30 = arith.constant 0 : index
    %get3A_31 = arith.constant 0 : index
    %get3A_32 = tpu.strided_load %arg7[%get3A_29, %get3A_30, %get3A_31] {strides = array<i32: 1, 2, 1>} : memref<1x1024x128xf32, #tpu.memory_space<vmem>>, vector<1x512x128xf32>
    %get3A_33 = vector.shape_cast %get3A_32 : vector<1x512x128xf32> to vector<512x128xf32>
    %get3A_34 = arith.constant 0 : index
    %get3A_35 = arith.constant 0 : index
    %get3A_36 = arith.constant 0 : index
    %get3A_37 = tpu.strided_load %arg8[%get3A_34, %get3A_35, %get3A_36] {strides = array<i32: 1, 2, 1>} : memref<1x1024x128xf32, #tpu.memory_space<vmem>>, vector<1x512x128xf32>
    %get3A_38 = vector.shape_cast %get3A_37 : vector<1x512x128xf32> to vector<512x128xf32>
    %get3A_39 = arith.constant 0 : index
    %get3A_40 = arith.constant 1 : index
    %get3A_41 = arith.constant 0 : index
    %get3A_42 = tpu.strided_load %arg1[%get3A_39, %get3A_40, %get3A_41] {strides = array<i32: 1, 2, 1>} : memref<1x1024x128xf32, #tpu.memory_space<vmem>>, vector<1x512x128xf32>
    %get3A_43 = vector.shape_cast %get3A_42 : vector<1x512x128xf32> to vector<512x128xf32>
    %get3A_44 = arith.constant 0 : index
    %get3A_45 = arith.constant 1 : index
    %get3A_46 = arith.constant 0 : index
    %get3A_47 = tpu.strided_load %arg2[%get3A_44, %get3A_45, %get3A_46] {strides = array<i32: 1, 2, 1>} : memref<1x1024x128xf32, #tpu.memory_space<vmem>>, vector<1x512x128xf32>
    %get3A_48 = vector.shape_cast %get3A_47 : vector<1x512x128xf32> to vector<512x128xf32>
    %get3A_49 = arith.constant 0 : index
    %get3A_50 = arith.constant 1 : index
    %get3A_51 = arith.constant 0 : index
    %get3A_52 = tpu.strided_load %arg3[%get3A_49, %get3A_50, %get3A_51] {strides = array<i32: 1, 2, 1>} : memref<1x1024x128xf32, #tpu.memory_space<vmem>>, vector<1x512x128xf32>
    %get3A_53 = vector.shape_cast %get3A_52 : vector<1x512x128xf32> to vector<512x128xf32>
    %get3A_54 = arith.constant 0 : index
    %get3A_55 = arith.constant 1 : index
    %get3A_56 = arith.constant 0 : index
    %get3A_57 = tpu.strided_load %arg4[%get3A_54, %get3A_55, %get3A_56] {strides = array<i32: 1, 2, 1>} : memref<1x1024x128xf32, #tpu.memory_space<vmem>>, vector<1x512x128xf32>
    %get3A_58 = vector.shape_cast %get3A_57 : vector<1x512x128xf32> to vector<512x128xf32>
    %get3A_59 = arith.constant 0 : index
    %get3A_60 = arith.constant 1 : index
    %get3A_61 = arith.constant 0 : index
    %get3A_62 = tpu.strided_load %arg5[%get3A_59, %get3A_60, %get3A_61] {strides = array<i32: 1, 2, 1>} : memref<1x1024x128xf32, #tpu.memory_space<vmem>>, vector<1x512x128xf32>
    %get3A_63 = vector.shape_cast %get3A_62 : vector<1x512x128xf32> to vector<512x128xf32>
    %get3A_64 = arith.constant 0 : index
    %get3A_65 = arith.constant 1 : index
    %get3A_66 = arith.constant 0 : index
    %get3A_67 = tpu.strided_load %arg6[%get3A_64, %get3A_65, %get3A_66] {strides = array<i32: 1, 2, 1>} : memref<1x1024x128xf32, #tpu.memory_space<vmem>>, vector<1x512x128xf32>
    %get3A_68 = vector.shape_cast %get3A_67 : vector<1x512x128xf32> to vector<512x128xf32>
    %get3A_69 = arith.constant 0 : index
    %get3A_70 = arith.constant 1 : index
    %get3A_71 = arith.constant 0 : index
    %get3A_72 = tpu.strided_load %arg7[%get3A_69, %get3A_70, %get3A_71] {strides = array<i32: 1, 2, 1>} : memref<1x1024x128xf32, #tpu.memory_space<vmem>>, vector<1x512x128xf32>
    %get3A_73 = vector.shape_cast %get3A_72 : vector<1x512x128xf32> to vector<512x128xf32>
    %get3A_74 = arith.constant 0 : index
    %get3A_75 = arith.constant 1 : index
    %get3A_76 = arith.constant 0 : index
    %get3A_77 = tpu.strided_load %arg8[%get3A_74, %get3A_75, %get3A_76] {strides = array<i32: 1, 2, 1>} : memref<1x1024x128xf32, #tpu.memory_space<vmem>>, vector<1x512x128xf32>
    %get3A_78 = vector.shape_cast %get3A_77 : vector<1x512x128xf32> to vector<512x128xf32>
    %concatenate3A = tpu.concatenate %get3A_3, %get3A_8, %get3A_13, %get3A_18, %get3A_23, %get3A_28, %get3A_33, %get3A_38, %get3A_43, %get3A_48, %get3A_53, %get3A_58, %get3A_63, %get3A_68, %get3A_73, %get3A_78 in 1 : vector<512x128xf32>, vector<512x128xf32>, vector<512x128xf32>, vector<512x128xf32>, vector<512x128xf32>, vector<512x128xf32>, vector<512x128xf32>, vector<512x128xf32>, vector<512x128xf32>, vector<512x128xf32>, vector<512x128xf32>, vector<512x128xf32>, vector<512x128xf32>, vector<512x128xf32>, vector<512x128xf32>, vector<512x128xf32> -> vector<512x2048xf32>
    %get3A_79 = arith.constant 0 : index
    %get3A_80 = arith.constant 0 : index
    %get3A_81 = vector.load %arg9[%get3A_79, %get3A_80] : memref<1024x2048xf32, #tpu.memory_space<vmem>>, vector<1024x2048xf32>
    %dot_general3A = arith.constant dense<0.000000e+00> : vector<512x1024xf32>
    %dot_general3A_82 = tpu.matmul %concatenate3A, %get3A_81, %dot_general3A {dimension_numbers = #tpu.dot_dimension_numbers<[1], [1], [0], [0], [0, 0, 1, 0], [], []>, transpose_lhs_hint = false} : vector<512x2048xf32>, vector<1024x2048xf32>, vector<512x1024xf32> -> vector<512x1024xf32>
    %get3A_83 = arith.constant 0 : index
    %get3A_84 = arith.constant 0 : index
    %get3A_85 = vector.load %arg10[%get3A_83, %get3A_84] : memref<1x1024xf32, #tpu.memory_space<vmem>>, vector<1x1024xf32>
    %add3A = vector.broadcast %get3A_85 : vector<1x1024xf32> to vector<512x1024xf32>
    %add3A_86 = arith.addf %dot_general3A_82, %add3A : vector<512x1024xf32>
    %get3A_87 = arith.constant 0 : index
    %get3A_88 = arith.constant 0 : index
    %get3A_89 = vector.load %arg11[%get3A_87, %get3A_88] : memref<2048x1024xf32, #tpu.memory_space<vmem>>, vector<2048x1024xf32>
    %dot_general3A_90 = arith.constant dense<0.000000e+00> : vector<512x2048xf32>
    %dot_general3A_91 = tpu.matmul %add3A_86, %get3A_89, %dot_general3A_90 {dimension_numbers = #tpu.dot_dimension_numbers<[1], [1], [0], [0], [0, 0, 1, 0], [], []>, transpose_lhs_hint = false} : vector<512x1024xf32>, vector<2048x1024xf32>, vector<512x2048xf32> -> vector<512x2048xf32>
    %mul3A = arith.mulf %add3A_86, %add3A_86 : vector<512x1024xf32>
    %reduce_sum3A = arith.constant dense<0.000000e+00> : vector<512xf32>
    %reduce_sum3A_92 = vector.multi_reduction <add>, %mul3A, %reduce_sum3A [1] : vector<512x1024xf32> to vector<512xf32>
    %broadcast_in_dim3A = vector.shape_cast %reduce_sum3A_92 : vector<512xf32> to vector<512x1xf32>
    %mul3A_93 = arith.constant 2.000000e+00 : f32
    %mul3A_94 = vector.broadcast %mul3A_93 : f32 to vector<512x2048xf32>
    %mul3A_95 = arith.mulf %mul3A_94, %dot_general3A_91 : vector<512x2048xf32>
    %sub3A = vector.broadcast %broadcast_in_dim3A : vector<512x1xf32> to vector<512x2048xf32>
    %sub3A_96 = arith.subf %sub3A, %mul3A_95 : vector<512x2048xf32>
    %get3A_97 = arith.constant 0 : index
    %get3A_98 = vector.load %arg12[%get3A_97] : memref<2048xf32, #tpu.memory_space<vmem>>, vector<2048xf32>
    %broadcast_in_dim3A_99 = vector.shape_cast %get3A_98 : vector<2048xf32> to vector<1x2048xf32>
    %add3A_100 = vector.broadcast %broadcast_in_dim3A_99 : vector<1x2048xf32> to vector<512x2048xf32>
    %add3A_101 = arith.addf %sub3A_96, %add3A_100 : vector<512x2048xf32>
    %argmin3A = tpu.reduce_index %add3A_101 {axis = 1 : i32, kind = #tpu.reduction_kind<arg_min>} : vector<512x2048xf32> -> vector<512xi32>
    %swap3A = arith.constant 0 : index
    %swap3A_102 = vector.load %arg13[%swap3A] : memref<512xi32, #tpu.memory_space<vmem>>, vector<512xi32>
    tpu.vector_store %arg13[%swap3A], %argmin3A {strides = array<i32>} : memref<512xi32, #tpu.memory_space<vmem>>, vector<512xi32>,
    %reduce_min3A = arith.constant dense<0x7F800000> : vector<512xf32>
    %reduce_min3A_103 = vector.multi_reduction <minimumf>, %add3A_101, %reduce_min3A [1] : vector<512x2048xf32> to vector<512xf32>
    %eq3A = arith.constant 0 : i32
    %eq3A_104 = arith.cmpi eq, %arg0, %eq3A : i32
    %convert_element_type3A = arith.extui %eq3A_104 : i1 to i32
    %cond3A = arith.constant 0 : i32
    %cond3A_105 = arith.cmpi ne, %convert_element_type3A, %cond3A : i32
    scf.if %cond3A_105 {
      %swap3A_121 = arith.constant 0.000000e+00 : f32
      %swap3A_122 = arith.constant 0 : index
      %swap3A_123 = memref.load %arg15[%swap3A_122] : memref<1xf32, #tpu.memory_space<smem>>
      memref.store %swap3A_121, %arg15[%swap3A_122] : memref<1xf32, #tpu.memory_space<smem>>
    } else {
    }
    %get3A_106 = arith.constant 0 : index
    %get3A_107 = memref.load %arg15[%get3A_106] : memref<1xf32, #tpu.memory_space<smem>>
    %reduce_sum3A_108 = vector.shape_cast %reduce_min3A_103 : vector<512xf32> to vector<1x512xf32>
    %reduce_sum3A_109 = arith.constant dense<0.000000e+00> : vector<1xf32>
    %reduce_sum3A_110 = vector.multi_reduction <add>, %reduce_sum3A_108, %reduce_sum3A_109 [1] : vector<1x512xf32> to vector<1xf32>
    %reduce_sum3A_111 = vector.shape_cast %reduce_sum3A_110 : vector<1xf32> to vector<1x1xf32>
    %reduce_sum3A_112 = vector.extract %reduce_sum3A_111[0, 0] : f32 from vector<1x1xf32>
    %add3A_113 = arith.addf %get3A_107, %reduce_sum3A_112 : f32
    %swap3A_114 = arith.constant 0 : index
    %swap3A_115 = memref.load %arg15[%swap3A_114] : memref<1xf32, #tpu.memory_space<smem>>
    memref.store %add3A_113, %arg15[%swap3A_114] : memref<1xf32, #tpu.memory_space<smem>>
    %eq3A_116 = arith.constant 3 : i32
    %eq3A_117 = arith.cmpi eq, %arg0, %eq3A_116 : i32
    %convert_element_type3A_118 = arith.extui %eq3A_117 : i1 to i32
    %cond3A_119 = arith.constant 0 : i32
    %cond3A_120 = arith.cmpi ne, %convert_element_type3A_118, %cond3A_119 : i32
    scf.if %cond3A_120 {
      %get3A_121 = arith.constant 0 : index
      %get3A_122 = memref.load %arg15[%get3A_121] : memref<1xf32, #tpu.memory_space<smem>>
      %div3A = arith.constant 0x4B000000 : f32
      %div3A_123 = arith.divf %get3A_122, %div3A : f32
      %swap3A_124 = arith.constant 0 : index
      %swap3A_125 = arith.constant 0 : index
      %swap3A_126 = memref.load %arg14[%swap3A_124, %swap3A_125] : memref<1x1xf32, #tpu.memory_space<smem>>
      memref.store %div3A_123, %arg14[%swap3A_124, %swap3A_125] : memref<1x1xf32, #tpu.memory_space<smem>>
    } else {
    }
    return
  }
  func.func @transform_0(%arg0: i32) -> (i32, i32, i32) {
    %add3A = arith.constant 4 : i32
    %add3A_0 = arith.addi %add3A, %arg0 : i32
    %jit3A = arith.constant 4 : i32
    %div3A = arith.divsi %add3A_0, %jit3A : i32
    %sign3A = arith.constant 0 : i32
    %sign3A_1 = arith.cmpi sgt, %add3A_0, %sign3A : i32
    %sign3A_2 = arith.extui %sign3A_1 : i1 to i32
    %sign3A_3 = arith.constant 0 : i32
    %sign3A_4 = arith.cmpi slt, %add3A_0, %sign3A_3 : i32
    %sign3A_5 = arith.extui %sign3A_4 : i1 to i32
    %sign3A_6 = arith.subi %sign3A_2, %sign3A_5 : i32
    %sign3A_7 = arith.constant 0 : i32
    %sign3A_8 = arith.cmpi sgt, %jit3A, %sign3A_7 : i32
    %sign3A_9 = arith.extui %sign3A_8 : i1 to i32
    %sign3A_10 = arith.constant 0 : i32
    %sign3A_11 = arith.cmpi slt, %jit3A, %sign3A_10 : i32
    %sign3A_12 = arith.extui %sign3A_11 : i1 to i32
    %sign3A_13 = arith.subi %sign3A_9, %sign3A_12 : i32
    %ne3A = arith.cmpi ne, %sign3A_6, %sign3A_13 : i32
    %rem3A = arith.remsi %add3A_0, %jit3A : i32
    %ne3A_14 = arith.constant 0 : i32
    %ne3A_15 = arith.cmpi ne, %rem3A, %ne3A_14 : i32
    %and3A = arith.andi %ne3A, %ne3A_15 : i1
    %sub3A = arith.constant 1 : i32
    %sub3A_16 = arith.subi %div3A, %sub3A : i32
    %select_n3A = arith.select %and3A, %sub3A_16, %div3A : i32
    %jit3A_17 = arith.constant 4 : i32
    %eq3A = arith.constant 0 : i32
    %eq3A_18 = arith.cmpi eq, %jit3A_17, %eq3A : i32
    %jit3A_19 = arith.constant 1 : i32
    %select_n3A_20 = arith.select %eq3A_18, %jit3A_19, %jit3A_17 : i32
    %rem3A_21 = arith.remsi %add3A_0, %select_n3A_20 : i32
    %ne3A_22 = arith.constant 0 : i32
    %ne3A_23 = arith.cmpi ne, %rem3A_21, %ne3A_22 : i32
    %lt3A = arith.constant 0 : i32
    %lt3A_24 = arith.cmpi slt, %rem3A_21, %lt3A : i32
    %lt3A_25 = arith.constant 0 : i32
    %lt3A_26 = arith.cmpi slt, %select_n3A_20, %lt3A_25 : i32
    %ne3A_27 = arith.xori %lt3A_24, %lt3A_26 : i1
    %and3A_28 = arith.andi %ne3A_27, %ne3A_23 : i1
    %add3A_29 = arith.addi %rem3A_21, %select_n3A_20 : i32
    %select_n3A_30 = arith.select %and3A_28, %add3A_29, %rem3A_21 : i32
    %c0_i32 = arith.constant 0 : i32
    %c0_i32_31 = arith.constant 0 : i32
    return %select_n3A, %select_n3A_30, %c0_i32 : i32, i32, i32
  }
  func.func @transform_1(%arg0: i32) -> (i32, i32, i32) {
    %add3A = arith.constant 4 : i32
    %add3A_0 = arith.addi %add3A, %arg0 : i32
    %jit3A = arith.constant 4 : i32
    %div3A = arith.divsi %add3A_0, %jit3A : i32
    %sign3A = arith.constant 0 : i32
    %sign3A_1 = arith.cmpi sgt, %add3A_0, %sign3A : i32
    %sign3A_2 = arith.extui %sign3A_1 : i1 to i32
    %sign3A_3 = arith.constant 0 : i32
    %sign3A_4 = arith.cmpi slt, %add3A_0, %sign3A_3 : i32
    %sign3A_5 = arith.extui %sign3A_4 : i1 to i32
    %sign3A_6 = arith.subi %sign3A_2, %sign3A_5 : i32
    %sign3A_7 = arith.constant 0 : i32
    %sign3A_8 = arith.cmpi sgt, %jit3A, %sign3A_7 : i32
    %sign3A_9 = arith.extui %sign3A_8 : i1 to i32
    %sign3A_10 = arith.constant 0 : i32
    %sign3A_11 = arith.cmpi slt, %jit3A, %sign3A_10 : i32
    %sign3A_12 = arith.extui %sign3A_11 : i1 to i32
    %sign3A_13 = arith.subi %sign3A_9, %sign3A_12 : i32
    %ne3A = arith.cmpi ne, %sign3A_6, %sign3A_13 : i32
    %rem3A = arith.remsi %add3A_0, %jit3A : i32
    %ne3A_14 = arith.constant 0 : i32
    %ne3A_15 = arith.cmpi ne, %rem3A, %ne3A_14 : i32
    %and3A = arith.andi %ne3A, %ne3A_15 : i1
    %sub3A = arith.constant 1 : i32
    %sub3A_16 = arith.subi %div3A, %sub3A : i32
    %select_n3A = arith.select %and3A, %sub3A_16, %div3A : i32
    %jit3A_17 = arith.constant 4 : i32
    %eq3A = arith.constant 0 : i32
    %eq3A_18 = arith.cmpi eq, %jit3A_17, %eq3A : i32
    %jit3A_19 = arith.constant 1 : i32
    %select_n3A_20 = arith.select %eq3A_18, %jit3A_19, %jit3A_17 : i32
    %rem3A_21 = arith.remsi %add3A_0, %select_n3A_20 : i32
    %ne3A_22 = arith.constant 0 : i32
    %ne3A_23 = arith.cmpi ne, %rem3A_21, %ne3A_22 : i32
    %lt3A = arith.constant 0 : i32
    %lt3A_24 = arith.cmpi slt, %rem3A_21, %lt3A : i32
    %lt3A_25 = arith.constant 0 : i32
    %lt3A_26 = arith.cmpi slt, %select_n3A_20, %lt3A_25 : i32
    %ne3A_27 = arith.xori %lt3A_24, %lt3A_26 : i1
    %and3A_28 = arith.andi %ne3A_27, %ne3A_23 : i1
    %add3A_29 = arith.addi %rem3A_21, %select_n3A_20 : i32
    %select_n3A_30 = arith.select %and3A_28, %add3A_29, %rem3A_21 : i32
    %c1_i32 = arith.constant 1 : i32
    %c0_i32 = arith.constant 0 : i32
    return %select_n3A, %select_n3A_30, %c1_i32 : i32, i32, i32
  }
  func.func @transform_2(%arg0: i32) -> (i32, i32, i32) {
    %add3A = arith.constant 4 : i32
    %add3A_0 = arith.addi %add3A, %arg0 : i32
    %jit3A = arith.constant 4 : i32
    %div3A = arith.divsi %add3A_0, %jit3A : i32
    %sign3A = arith.constant 0 : i32
    %sign3A_1 = arith.cmpi sgt, %add3A_0, %sign3A : i32
    %sign3A_2 = arith.extui %sign3A_1 : i1 to i32
    %sign3A_3 = arith.constant 0 : i32
    %sign3A_4 = arith.cmpi slt, %add3A_0, %sign3A_3 : i32
    %sign3A_5 = arith.extui %sign3A_4 : i1 to i32
    %sign3A_6 = arith.subi %sign3A_2, %sign3A_5 : i32
    %sign3A_7 = arith.constant 0 : i32
    %sign3A_8 = arith.cmpi sgt, %jit3A, %sign3A_7 : i32
    %sign3A_9 = arith.extui %sign3A_8 : i1 to i32
    %sign3A_10 = arith.constant 0 : i32
    %sign3A_11 = arith.cmpi slt, %jit3A, %sign3A_10 : i32
    %sign3A_12 = arith.extui %sign3A_11 : i1 to i32
    %sign3A_13 = arith.subi %sign3A_9, %sign3A_12 : i32
    %ne3A = arith.cmpi ne, %sign3A_6, %sign3A_13 : i32
    %rem3A = arith.remsi %add3A_0, %jit3A : i32
    %ne3A_14 = arith.constant 0 : i32
    %ne3A_15 = arith.cmpi ne, %rem3A, %ne3A_14 : i32
    %and3A = arith.andi %ne3A, %ne3A_15 : i1
    %sub3A = arith.constant 1 : i32
    %sub3A_16 = arith.subi %div3A, %sub3A : i32
    %select_n3A = arith.select %and3A, %sub3A_16, %div3A : i32
    %jit3A_17 = arith.constant 4 : i32
    %eq3A = arith.constant 0 : i32
    %eq3A_18 = arith.cmpi eq, %jit3A_17, %eq3A : i32
    %jit3A_19 = arith.constant 1 : i32
    %select_n3A_20 = arith.select %eq3A_18, %jit3A_19, %jit3A_17 : i32
    %rem3A_21 = arith.remsi %add3A_0, %select_n3A_20 : i32
    %ne3A_22 = arith.constant 0 : i32
    %ne3A_23 = arith.cmpi ne, %rem3A_21, %ne3A_22 : i32
    %lt3A = arith.constant 0 : i32
    %lt3A_24 = arith.cmpi slt, %rem3A_21, %lt3A : i32
    %lt3A_25 = arith.constant 0 : i32
    %lt3A_26 = arith.cmpi slt, %select_n3A_20, %lt3A_25 : i32
    %ne3A_27 = arith.xori %lt3A_24, %lt3A_26 : i1
    %and3A_28 = arith.andi %ne3A_27, %ne3A_23 : i1
    %add3A_29 = arith.addi %rem3A_21, %select_n3A_20 : i32
    %select_n3A_30 = arith.select %and3A_28, %add3A_29, %rem3A_21 : i32
    %c2_i32 = arith.constant 2 : i32
    %c0_i32 = arith.constant 0 : i32
    return %select_n3A, %select_n3A_30, %c2_i32 : i32, i32, i32
  }
  func.func @transform_3(%arg0: i32) -> (i32, i32, i32) {
    %add3A = arith.constant 4 : i32
    %add3A_0 = arith.addi %add3A, %arg0 : i32
    %jit3A = arith.constant 4 : i32
    %div3A = arith.divsi %add3A_0, %jit3A : i32
    %sign3A = arith.constant 0 : i32
    %sign3A_1 = arith.cmpi sgt, %add3A_0, %sign3A : i32
    %sign3A_2 = arith.extui %sign3A_1 : i1 to i32
    %sign3A_3 = arith.constant 0 : i32
    %sign3A_4 = arith.cmpi slt, %add3A_0, %sign3A_3 : i32
    %sign3A_5 = arith.extui %sign3A_4 : i1 to i32
    %sign3A_6 = arith.subi %sign3A_2, %sign3A_5 : i32
    %sign3A_7 = arith.constant 0 : i32
    %sign3A_8 = arith.cmpi sgt, %jit3A, %sign3A_7 : i32
    %sign3A_9 = arith.extui %sign3A_8 : i1 to i32
    %sign3A_10 = arith.constant 0 : i32
    %sign3A_11 = arith.cmpi slt, %jit3A, %sign3A_10 : i32
    %sign3A_12 = arith.extui %sign3A_11 : i1 to i32
    %sign3A_13 = arith.subi %sign3A_9, %sign3A_12 : i32
    %ne3A = arith.cmpi ne, %sign3A_6, %sign3A_13 : i32
    %rem3A = arith.remsi %add3A_0, %jit3A : i32
    %ne3A_14 = arith.constant 0 : i32
    %ne3A_15 = arith.cmpi ne, %rem3A, %ne3A_14 : i32
    %and3A = arith.andi %ne3A, %ne3A_15 : i1
    %sub3A = arith.constant 1 : i32
    %sub3A_16 = arith.subi %div3A, %sub3A : i32
    %select_n3A = arith.select %and3A, %sub3A_16, %div3A : i32
    %jit3A_17 = arith.constant 4 : i32
    %eq3A = arith.constant 0 : i32
    %eq3A_18 = arith.cmpi eq, %jit3A_17, %eq3A : i32
    %jit3A_19 = arith.constant 1 : i32
    %select_n3A_20 = arith.select %eq3A_18, %jit3A_19, %jit3A_17 : i32
    %rem3A_21 = arith.remsi %add3A_0, %select_n3A_20 : i32
    %ne3A_22 = arith.constant 0 : i32
    %ne3A_23 = arith.cmpi ne, %rem3A_21, %ne3A_22 : i32
    %lt3A = arith.constant 0 : i32
    %lt3A_24 = arith.cmpi slt, %rem3A_21, %lt3A : i32
    %lt3A_25 = arith.constant 0 : i32
    %lt3A_26 = arith.cmpi slt, %select_n3A_20, %lt3A_25 : i32
    %ne3A_27 = arith.xori %lt3A_24, %lt3A_26 : i1
    %and3A_28 = arith.andi %ne3A_27, %ne3A_23 : i1
    %add3A_29 = arith.addi %rem3A_21, %select_n3A_20 : i32
    %select_n3A_30 = arith.select %and3A_28, %add3A_29, %rem3A_21 : i32
    %c3_i32 = arith.constant 3 : i32
    %c0_i32 = arith.constant 0 : i32
    return %select_n3A, %select_n3A_30, %c3_i32 : i32, i32, i32
  }
  func.func @transform_4(%arg0: i32) -> (i32, i32, i32) {
    %add3A = arith.constant 4 : i32
    %add3A_0 = arith.addi %add3A, %arg0 : i32
    %jit3A = arith.constant 4 : i32
    %div3A = arith.divsi %add3A_0, %jit3A : i32
    %sign3A = arith.constant 0 : i32
    %sign3A_1 = arith.cmpi sgt, %add3A_0, %sign3A : i32
    %sign3A_2 = arith.extui %sign3A_1 : i1 to i32
    %sign3A_3 = arith.constant 0 : i32
    %sign3A_4 = arith.cmpi slt, %add3A_0, %sign3A_3 : i32
    %sign3A_5 = arith.extui %sign3A_4 : i1 to i32
    %sign3A_6 = arith.subi %sign3A_2, %sign3A_5 : i32
    %sign3A_7 = arith.constant 0 : i32
    %sign3A_8 = arith.cmpi sgt, %jit3A, %sign3A_7 : i32
    %sign3A_9 = arith.extui %sign3A_8 : i1 to i32
    %sign3A_10 = arith.constant 0 : i32
    %sign3A_11 = arith.cmpi slt, %jit3A, %sign3A_10 : i32
    %sign3A_12 = arith.extui %sign3A_11 : i1 to i32
    %sign3A_13 = arith.subi %sign3A_9, %sign3A_12 : i32
    %ne3A = arith.cmpi ne, %sign3A_6, %sign3A_13 : i32
    %rem3A = arith.remsi %add3A_0, %jit3A : i32
    %ne3A_14 = arith.constant 0 : i32
    %ne3A_15 = arith.cmpi ne, %rem3A, %ne3A_14 : i32
    %and3A = arith.andi %ne3A, %ne3A_15 : i1
    %sub3A = arith.constant 1 : i32
    %sub3A_16 = arith.subi %div3A, %sub3A : i32
    %select_n3A = arith.select %and3A, %sub3A_16, %div3A : i32
    %jit3A_17 = arith.constant 4 : i32
    %eq3A = arith.constant 0 : i32
    %eq3A_18 = arith.cmpi eq, %jit3A_17, %eq3A : i32
    %jit3A_19 = arith.constant 1 : i32
    %select_n3A_20 = arith.select %eq3A_18, %jit3A_19, %jit3A_17 : i32
    %rem3A_21 = arith.remsi %add3A_0, %select_n3A_20 : i32
    %ne3A_22 = arith.constant 0 : i32
    %ne3A_23 = arith.cmpi ne, %rem3A_21, %ne3A_22 : i32
    %lt3A = arith.constant 0 : i32
    %lt3A_24 = arith.cmpi slt, %rem3A_21, %lt3A : i32
    %lt3A_25 = arith.constant 0 : i32
    %lt3A_26 = arith.cmpi slt, %select_n3A_20, %lt3A_25 : i32
    %ne3A_27 = arith.xori %lt3A_24, %lt3A_26 : i1
    %and3A_28 = arith.andi %ne3A_27, %ne3A_23 : i1
    %add3A_29 = arith.addi %rem3A_21, %select_n3A_20 : i32
    %select_n3A_30 = arith.select %and3A_28, %add3A_29, %rem3A_21 : i32
    %c4_i32 = arith.constant 4 : i32
    %c0_i32 = arith.constant 0 : i32
    return %select_n3A, %select_n3A_30, %c4_i32 : i32, i32, i32
  }
  func.func @transform_5(%arg0: i32) -> (i32, i32, i32) {
    %add3A = arith.constant 4 : i32
    %add3A_0 = arith.addi %add3A, %arg0 : i32
    %jit3A = arith.constant 4 : i32
    %div3A = arith.divsi %add3A_0, %jit3A : i32
    %sign3A = arith.constant 0 : i32
    %sign3A_1 = arith.cmpi sgt, %add3A_0, %sign3A : i32
    %sign3A_2 = arith.extui %sign3A_1 : i1 to i32
    %sign3A_3 = arith.constant 0 : i32
    %sign3A_4 = arith.cmpi slt, %add3A_0, %sign3A_3 : i32
    %sign3A_5 = arith.extui %sign3A_4 : i1 to i32
    %sign3A_6 = arith.subi %sign3A_2, %sign3A_5 : i32
    %sign3A_7 = arith.constant 0 : i32
    %sign3A_8 = arith.cmpi sgt, %jit3A, %sign3A_7 : i32
    %sign3A_9 = arith.extui %sign3A_8 : i1 to i32
    %sign3A_10 = arith.constant 0 : i32
    %sign3A_11 = arith.cmpi slt, %jit3A, %sign3A_10 : i32
    %sign3A_12 = arith.extui %sign3A_11 : i1 to i32
    %sign3A_13 = arith.subi %sign3A_9, %sign3A_12 : i32
    %ne3A = arith.cmpi ne, %sign3A_6, %sign3A_13 : i32
    %rem3A = arith.remsi %add3A_0, %jit3A : i32
    %ne3A_14 = arith.constant 0 : i32
    %ne3A_15 = arith.cmpi ne, %rem3A, %ne3A_14 : i32
    %and3A = arith.andi %ne3A, %ne3A_15 : i1
    %sub3A = arith.constant 1 : i32
    %sub3A_16 = arith.subi %div3A, %sub3A : i32
    %select_n3A = arith.select %and3A, %sub3A_16, %div3A : i32
    %jit3A_17 = arith.constant 4 : i32
    %eq3A = arith.constant 0 : i32
    %eq3A_18 = arith.cmpi eq, %jit3A_17, %eq3A : i32
    %jit3A_19 = arith.constant 1 : i32
    %select_n3A_20 = arith.select %eq3A_18, %jit3A_19, %jit3A_17 : i32
    %rem3A_21 = arith.remsi %add3A_0, %select_n3A_20 : i32
    %ne3A_22 = arith.constant 0 : i32
    %ne3A_23 = arith.cmpi ne, %rem3A_21, %ne3A_22 : i32
    %lt3A = arith.constant 0 : i32
    %lt3A_24 = arith.cmpi slt, %rem3A_21, %lt3A : i32
    %lt3A_25 = arith.constant 0 : i32
    %lt3A_26 = arith.cmpi slt, %select_n3A_20, %lt3A_25 : i32
    %ne3A_27 = arith.xori %lt3A_24, %lt3A_26 : i1
    %and3A_28 = arith.andi %ne3A_27, %ne3A_23 : i1
    %add3A_29 = arith.addi %rem3A_21, %select_n3A_20 : i32
    %select_n3A_30 = arith.select %and3A_28, %add3A_29, %rem3A_21 : i32
    %c5_i32 = arith.constant 5 : i32
    %c0_i32 = arith.constant 0 : i32
    return %select_n3A, %select_n3A_30, %c5_i32 : i32, i32, i32
  }
  func.func @transform_6(%arg0: i32) -> (i32, i32, i32) {
    %add3A = arith.constant 4 : i32
    %add3A_0 = arith.addi %add3A, %arg0 : i32
    %jit3A = arith.constant 4 : i32
    %div3A = arith.divsi %add3A_0, %jit3A : i32
    %sign3A = arith.constant 0 : i32
    %sign3A_1 = arith.cmpi sgt, %add3A_0, %sign3A : i32
    %sign3A_2 = arith.extui %sign3A_1 : i1 to i32
    %sign3A_3 = arith.constant 0 : i32
    %sign3A_4 = arith.cmpi slt, %add3A_0, %sign3A_3 : i32
    %sign3A_5 = arith.extui %sign3A_4 : i1 to i32
    %sign3A_6 = arith.subi %sign3A_2, %sign3A_5 : i32
    %sign3A_7 = arith.constant 0 : i32
    %sign3A_8 = arith.cmpi sgt, %jit3A, %sign3A_7 : i32
    %sign3A_9 = arith.extui %sign3A_8 : i1 to i32
    %sign3A_10 = arith.constant 0 : i32
    %sign3A_11 = arith.cmpi slt, %jit3A, %sign3A_10 : i32
    %sign3A_12 = arith.extui %sign3A_11 : i1 to i32
    %sign3A_13 = arith.subi %sign3A_9, %sign3A_12 : i32
    %ne3A = arith.cmpi ne, %sign3A_6, %sign3A_13 : i32
    %rem3A = arith.remsi %add3A_0, %jit3A : i32
    %ne3A_14 = arith.constant 0 : i32
    %ne3A_15 = arith.cmpi ne, %rem3A, %ne3A_14 : i32
    %and3A = arith.andi %ne3A, %ne3A_15 : i1
    %sub3A = arith.constant 1 : i32
    %sub3A_16 = arith.subi %div3A, %sub3A : i32
    %select_n3A = arith.select %and3A, %sub3A_16, %div3A : i32
    %jit3A_17 = arith.constant 4 : i32
    %eq3A = arith.constant 0 : i32
    %eq3A_18 = arith.cmpi eq, %jit3A_17, %eq3A : i32
    %jit3A_19 = arith.constant 1 : i32
    %select_n3A_20 = arith.select %eq3A_18, %jit3A_19, %jit3A_17 : i32
    %rem3A_21 = arith.remsi %add3A_0, %select_n3A_20 : i32
    %ne3A_22 = arith.constant 0 : i32
    %ne3A_23 = arith.cmpi ne, %rem3A_21, %ne3A_22 : i32
    %lt3A = arith.constant 0 : i32
    %lt3A_24 = arith.cmpi slt, %rem3A_21, %lt3A : i32
    %lt3A_25 = arith.constant 0 : i32
    %lt3A_26 = arith.cmpi slt, %select_n3A_20, %lt3A_25 : i32
    %ne3A_27 = arith.xori %lt3A_24, %lt3A_26 : i1
    %and3A_28 = arith.andi %ne3A_27, %ne3A_23 : i1
    %add3A_29 = arith.addi %rem3A_21, %select_n3A_20 : i32
    %select_n3A_30 = arith.select %and3A_28, %add3A_29, %rem3A_21 : i32
    %c6_i32 = arith.constant 6 : i32
    %c0_i32 = arith.constant 0 : i32
    return %select_n3A, %select_n3A_30, %c6_i32 : i32, i32, i32
  }
  func.func @transform_7(%arg0: i32) -> (i32, i32, i32) {
    %add3A = arith.constant 4 : i32
    %add3A_0 = arith.addi %add3A, %arg0 : i32
    %jit3A = arith.constant 4 : i32
    %div3A = arith.divsi %add3A_0, %jit3A : i32
    %sign3A = arith.constant 0 : i32
    %sign3A_1 = arith.cmpi sgt, %add3A_0, %sign3A : i32
    %sign3A_2 = arith.extui %sign3A_1 : i1 to i32
    %sign3A_3 = arith.constant 0 : i32
    %sign3A_4 = arith.cmpi slt, %add3A_0, %sign3A_3 : i32
    %sign3A_5 = arith.extui %sign3A_4 : i1 to i32
    %sign3A_6 = arith.subi %sign3A_2, %sign3A_5 : i32
    %sign3A_7 = arith.constant 0 : i32
    %sign3A_8 = arith.cmpi sgt, %jit3A, %sign3A_7 : i32
    %sign3A_9 = arith.extui %sign3A_8 : i1 to i32
    %sign3A_10 = arith.constant 0 : i32
    %sign3A_11 = arith.cmpi slt, %jit3A, %sign3A_10 : i32
    %sign3A_12 = arith.extui %sign3A_11 : i1 to i32
    %sign3A_13 = arith.subi %sign3A_9, %sign3A_12 : i32
    %ne3A = arith.cmpi ne, %sign3A_6, %sign3A_13 : i32
    %rem3A = arith.remsi %add3A_0, %jit3A : i32
    %ne3A_14 = arith.constant 0 : i32
    %ne3A_15 = arith.cmpi ne, %rem3A, %ne3A_14 : i32
    %and3A = arith.andi %ne3A, %ne3A_15 : i1
    %sub3A = arith.constant 1 : i32
    %sub3A_16 = arith.subi %div3A, %sub3A : i32
    %select_n3A = arith.select %and3A, %sub3A_16, %div3A : i32
    %jit3A_17 = arith.constant 4 : i32
    %eq3A = arith.constant 0 : i32
    %eq3A_18 = arith.cmpi eq, %jit3A_17, %eq3A : i32
    %jit3A_19 = arith.constant 1 : i32
    %select_n3A_20 = arith.select %eq3A_18, %jit3A_19, %jit3A_17 : i32
    %rem3A_21 = arith.remsi %add3A_0, %select_n3A_20 : i32
    %ne3A_22 = arith.constant 0 : i32
    %ne3A_23 = arith.cmpi ne, %rem3A_21, %ne3A_22 : i32
    %lt3A = arith.constant 0 : i32
    %lt3A_24 = arith.cmpi slt, %rem3A_21, %lt3A : i32
    %lt3A_25 = arith.constant 0 : i32
    %lt3A_26 = arith.cmpi slt, %select_n3A_20, %lt3A_25 : i32
    %ne3A_27 = arith.xori %lt3A_24, %lt3A_26 : i1
    %and3A_28 = arith.andi %ne3A_27, %ne3A_23 : i1
    %add3A_29 = arith.addi %rem3A_21, %select_n3A_20 : i32
    %select_n3A_30 = arith.select %and3A_28, %add3A_29, %rem3A_21 : i32
    %c7_i32 = arith.constant 7 : i32
    %c0_i32 = arith.constant 0 : i32
    return %select_n3A, %select_n3A_30, %c7_i32 : i32, i32, i32
  }
  func.func @transform_8(%arg0: i32) -> (i32, i32) {
    %c0_i32 = arith.constant 0 : i32
    %c0_i32_0 = arith.constant 0 : i32
    %c0_i32_1 = arith.constant 0 : i32
    return %c0_i32, %c0_i32_0 : i32, i32
  }
  func.func @transform_9(%arg0: i32) -> (i32, i32) {
    %c0_i32 = arith.constant 0 : i32
    %c0_i32_0 = arith.constant 0 : i32
    %c0_i32_1 = arith.constant 0 : i32
    return %c0_i32, %c0_i32_0 : i32, i32
  }
  func.func @transform_10(%arg0: i32) -> (i32, i32) {
    %c0_i32 = arith.constant 0 : i32
    %c0_i32_0 = arith.constant 0 : i32
    %c0_i32_1 = arith.constant 0 : i32
    return %c0_i32, %c0_i32_0 : i32, i32
  }
  func.func @transform_11(%arg0: i32) -> i32 {
    %c0_i32 = arith.constant 0 : i32
    %c0_i32_0 = arith.constant 0 : i32
    return %c0_i32 : i32
  }
  func.func @transform_12(%arg0: i32) -> i32 {
    %c0_i32 = arith.constant 0 : i32
    return %arg0 : i32
  }
  func.func @transform_13(%arg0: i32) -> (i32, i32) {
    %c0_i32 = arith.constant 0 : i32
    %c0_i32_0 = arith.constant 0 : i32
    %c0_i32_1 = arith.constant 0 : i32
    return %c0_i32, %c0_i32_0 : i32, i32
  }
}

module attributes {stable_mosaic.version = 14 : i64} {
  func.func @_dist_body(%arg0: i32, %arg1: memref<1x1024x128xf32, #tpu.memory_space<vmem>>, %arg2: memref<1x1024x128xf32, #tpu.memory_space<vmem>>, %arg3: memref<1x1024x128xf32, #tpu.memory_space<vmem>>, %arg4: memref<1x1024x128xf32, #tpu.memory_space<vmem>>, %arg5: memref<1x1024x128xf32, #tpu.memory_space<vmem>>, %arg6: memref<1x1024x128xf32, #tpu.memory_space<vmem>>, %arg7: memref<1x1024x128xf32, #tpu.memory_space<vmem>>, %arg8: memref<1x1024x128xf32, #tpu.memory_space<vmem>>, %arg9: memref<1024x2048xf32, #tpu.memory_space<vmem>>, %arg10: memref<1x1024xf32, #tpu.memory_space<vmem>>, %arg11: memref<2048x1024xf32, #tpu.memory_space<vmem>>, %arg12: memref<2048xf32, #tpu.memory_space<vmem>>, %arg13: memref<512xi32, #tpu.memory_space<vmem>>, %arg14: memref<1x1xf32, #tpu.memory_space<smem>>, %arg15: memref<1xf32, #tpu.memory_space<smem>>) attributes {dimension_semantics = [#tpu.dimension_semantics<arbitrary>], iteration_bounds = array<i64: 4>, scalar_prefetch = 0 : i64, scratch_operands = 1 : i64, tpu.core_type = #tpu.core_type<tc>, window_params = [{transform_indices = @transform_0, window_bounds = array<i64: 1, 1024, 128>}, {transform_indices = @transform_1, window_bounds = array<i64: 1, 1024, 128>}, {transform_indices = @transform_2, window_bounds = array<i64: 1, 1024, 128>}, {transform_indices = @transform_3, window_bounds = array<i64: 1, 1024, 128>}, {transform_indices = @transform_4, window_bounds = array<i64: 1, 1024, 128>}, {transform_indices = @transform_5, window_bounds = array<i64: 1, 1024, 128>}, {transform_indices = @transform_6, window_bounds = array<i64: 1, 1024, 128>}, {transform_indices = @transform_7, window_bounds = array<i64: 1, 1024, 128>}, {pipeline_mode = #tpu.pipeline_mode<synchronous>, transform_indices = @transform_8, window_bounds = array<i64: 1024, 2048>}, {pipeline_mode = #tpu.pipeline_mode<synchronous>, transform_indices = @transform_9, window_bounds = array<i64: 1, 1024>}, {pipeline_mode = #tpu.pipeline_mode<synchronous>, transform_indices = @transform_10, window_bounds = array<i64: 2048, 1024>}, {pipeline_mode = #tpu.pipeline_mode<synchronous>, transform_indices = @transform_11, window_bounds = array<i64: 2048>}, {transform_indices = @transform_12, window_bounds = array<i64: 512>}, {transform_indices = @transform_13, window_bounds = array<i64: 1, 1>}]} {
    %get3A = arith.constant 0 : index
    %get3A_0 = arith.constant 0 : index
    %get3A_1 = arith.constant 0 : index
    %get3A_2 = tpu.strided_load %arg1[%get3A, %get3A_0, %get3A_1] {strides = array<i32: 1, 2, 1>} : memref<1x1024x128xf32, #tpu.memory_space<vmem>>, vector<1x512x128xf32>
    %get3A_3 = vector.shape_cast %get3A_2 : vector<1x512x128xf32> to vector<512x128xf32>
    %get3A_4 = arith.constant 0 : index
    %get3A_5 = arith.constant 0 : index
    %get3A_6 = arith.constant 0 : index
    %get3A_7 = tpu.strided_load %arg2[%get3A_4, %get3A_5, %get3A_6] {strides = array<i32: 1, 2, 1>} : memref<1x1024x128xf32, #tpu.memory_space<vmem>>, vector<1x512x128xf32>
    %get3A_8 = vector.shape_cast %get3A_7 : vector<1x512x128xf32> to vector<512x128xf32>
    %get3A_9 = arith.constant 0 : index
    %get3A_10 = arith.constant 0 : index
    %get3A_11 = arith.constant 0 : index
    %get3A_12 = tpu.strided_load %arg3[%get3A_9, %get3A_10, %get3A_11] {strides = array<i32: 1, 2, 1>} : memref<1x1024x128xf32, #tpu.memory_space<vmem>>, vector<1x512x128xf32>
    %get3A_13 = vector.shape_cast %get3A_12 : vector<1x512x128xf32> to vector<512x128xf32>
    %get3A_14 = arith.constant 0 : index
    %get3A_15 = arith.constant 0 : index
    %get3A_16 = arith.constant 0 : index
    %get3A_17 = tpu.strided_load %arg4[%get3A_14, %get3A_15, %get3A_16] {strides = array<i32: 1, 2, 1>} : memref<1x1024x128xf32, #tpu.memory_space<vmem>>, vector<1x512x128xf32>
    %get3A_18 = vector.shape_cast %get3A_17 : vector<1x512x128xf32> to vector<512x128xf32>
    %get3A_19 = arith.constant 0 : index
    %get3A_20 = arith.constant 0 : index
    %get3A_21 = arith.constant 0 : index
    %get3A_22 = tpu.strided_load %arg5[%get3A_19, %get3A_20, %get3A_21] {strides = array<i32: 1, 2, 1>} : memref<1x1024x128xf32, #tpu.memory_space<vmem>>, vector<1x512x128xf32>
    %get3A_23 = vector.shape_cast %get3A_22 : vector<1x512x128xf32> to vector<512x128xf32>
    %get3A_24 = arith.constant 0 : index
    %get3A_25 = arith.constant 0 : index
    %get3A_26 = arith.constant 0 : index
    %get3A_27 = tpu.strided_load %arg6[%get3A_24, %get3A_25, %get3A_26] {strides = array<i32: 1, 2, 1>} : memref<1x1024x128xf32, #tpu.memory_space<vmem>>, vector<1x512x128xf32>
    %get3A_28 = vector.shape_cast %get3A_27 : vector<1x512x128xf32> to vector<512x128xf32>
    %get3A_29 = arith.constant 0 : index
    %get3A_30 = arith.constant 0 : index
    %get3A_31 = arith.constant 0 : index
    %get3A_32 = tpu.strided_load %arg7[%get3A_29, %get3A_30, %get3A_31] {strides = array<i32: 1, 2, 1>} : memref<1x1024x128xf32, #tpu.memory_space<vmem>>, vector<1x512x128xf32>
    %get3A_33 = vector.shape_cast %get3A_32 : vector<1x512x128xf32> to vector<512x128xf32>
    %get3A_34 = arith.constant 0 : index
    %get3A_35 = arith.constant 0 : index
    %get3A_36 = arith.constant 0 : index
    %get3A_37 = tpu.strided_load %arg8[%get3A_34, %get3A_35, %get3A_36] {strides = array<i32: 1, 2, 1>} : memref<1x1024x128xf32, #tpu.memory_space<vmem>>, vector<1x512x128xf32>
    %get3A_38 = vector.shape_cast %get3A_37 : vector<1x512x128xf32> to vector<512x128xf32>
    %get3A_39 = arith.constant 0 : index
    %get3A_40 = arith.constant 1 : index
    %get3A_41 = arith.constant 0 : index
    %get3A_42 = tpu.strided_load %arg1[%get3A_39, %get3A_40, %get3A_41] {strides = array<i32: 1, 2, 1>} : memref<1x1024x128xf32, #tpu.memory_space<vmem>>, vector<1x512x128xf32>
    %get3A_43 = vector.shape_cast %get3A_42 : vector<1x512x128xf32> to vector<512x128xf32>
    %get3A_44 = arith.constant 0 : index
    %get3A_45 = arith.constant 1 : index
    %get3A_46 = arith.constant 0 : index
    %get3A_47 = tpu.strided_load %arg2[%get3A_44, %get3A_45, %get3A_46] {strides = array<i32: 1, 2, 1>} : memref<1x1024x128xf32, #tpu.memory_space<vmem>>, vector<1x512x128xf32>
    %get3A_48 = vector.shape_cast %get3A_47 : vector<1x512x128xf32> to vector<512x128xf32>
    %get3A_49 = arith.constant 0 : index
    %get3A_50 = arith.constant 1 : index
    %get3A_51 = arith.constant 0 : index
    %get3A_52 = tpu.strided_load %arg3[%get3A_49, %get3A_50, %get3A_51] {strides = array<i32: 1, 2, 1>} : memref<1x1024x128xf32, #tpu.memory_space<vmem>>, vector<1x512x128xf32>
    %get3A_53 = vector.shape_cast %get3A_52 : vector<1x512x128xf32> to vector<512x128xf32>
    %get3A_54 = arith.constant 0 : index
    %get3A_55 = arith.constant 1 : index
    %get3A_56 = arith.constant 0 : index
    %get3A_57 = tpu.strided_load %arg4[%get3A_54, %get3A_55, %get3A_56] {strides = array<i32: 1, 2, 1>} : memref<1x1024x128xf32, #tpu.memory_space<vmem>>, vector<1x512x128xf32>
    %get3A_58 = vector.shape_cast %get3A_57 : vector<1x512x128xf32> to vector<512x128xf32>
    %get3A_59 = arith.constant 0 : index
    %get3A_60 = arith.constant 1 : index
    %get3A_61 = arith.constant 0 : index
    %get3A_62 = tpu.strided_load %arg5[%get3A_59, %get3A_60, %get3A_61] {strides = array<i32: 1, 2, 1>} : memref<1x1024x128xf32, #tpu.memory_space<vmem>>, vector<1x512x128xf32>
    %get3A_63 = vector.shape_cast %get3A_62 : vector<1x512x128xf32> to vector<512x128xf32>
    %get3A_64 = arith.constant 0 : index
    %get3A_65 = arith.constant 1 : index
    %get3A_66 = arith.constant 0 : index
    %get3A_67 = tpu.strided_load %arg6[%get3A_64, %get3A_65, %get3A_66] {strides = array<i32: 1, 2, 1>} : memref<1x1024x128xf32, #tpu.memory_space<vmem>>, vector<1x512x128xf32>
    %get3A_68 = vector.shape_cast %get3A_67 : vector<1x512x128xf32> to vector<512x128xf32>
    %get3A_69 = arith.constant 0 : index
    %get3A_70 = arith.constant 1 : index
    %get3A_71 = arith.constant 0 : index
    %get3A_72 = tpu.strided_load %arg7[%get3A_69, %get3A_70, %get3A_71] {strides = array<i32: 1, 2, 1>} : memref<1x1024x128xf32, #tpu.memory_space<vmem>>, vector<1x512x128xf32>
    %get3A_73 = vector.shape_cast %get3A_72 : vector<1x512x128xf32> to vector<512x128xf32>
    %get3A_74 = arith.constant 0 : index
    %get3A_75 = arith.constant 1 : index
    %get3A_76 = arith.constant 0 : index
    %get3A_77 = tpu.strided_load %arg8[%get3A_74, %get3A_75, %get3A_76] {strides = array<i32: 1, 2, 1>} : memref<1x1024x128xf32, #tpu.memory_space<vmem>>, vector<1x512x128xf32>
    %get3A_78 = vector.shape_cast %get3A_77 : vector<1x512x128xf32> to vector<512x128xf32>
    %concatenate3A = tpu.concatenate %get3A_3, %get3A_8, %get3A_13, %get3A_18, %get3A_23, %get3A_28, %get3A_33, %get3A_38, %get3A_43, %get3A_48, %get3A_53, %get3A_58, %get3A_63, %get3A_68, %get3A_73, %get3A_78 in 1 : vector<512x128xf32>, vector<512x128xf32>, vector<512x128xf32>, vector<512x128xf32>, vector<512x128xf32>, vector<512x128xf32>, vector<512x128xf32>, vector<512x128xf32>, vector<512x128xf32>, vector<512x128xf32>, vector<512x128xf32>, vector<512x128xf32>, vector<512x128xf32>, vector<512x128xf32>, vector<512x128xf32>, vector<512x128xf32> -> vector<512x2048xf32>
    %get3A_79 = arith.constant 0 : index
    %get3A_80 = arith.constant 0 : index
    %get3A_81 = vector.load %arg9[%get3A_79, %get3A_80] : memref<1024x2048xf32, #tpu.memory_space<vmem>>, vector<1024x2048xf32>
    %dot_general3A = arith.constant dense<0.000000e+00> : vector<512x1024xf32>
    %dot_general3A_82 = tpu.matmul %concatenate3A, %get3A_81, %dot_general3A {dimension_numbers = #tpu.dot_dimension_numbers<[1], [1], [0], [0], [0, 0, 1, 0], [], []>, transpose_lhs_hint = false} : vector<512x2048xf32>, vector<1024x2048xf32>, vector<512x1024xf32> -> vector<512x1024xf32>
    %get3A_83 = arith.constant 0 : index
    %get3A_84 = arith.constant 0 : index
    %get3A_85 = vector.load %arg10[%get3A_83, %get3A_84] : memref<1x1024xf32, #tpu.memory_space<vmem>>, vector<1x1024xf32>
    %add3A = vector.broadcast %get3A_85 : vector<1x1024xf32> to vector<512x1024xf32>
    %add3A_86 = arith.addf %dot_general3A_82, %add3A : vector<512x1024xf32>
    %get3A_87 = arith.constant 0 : index
    %get3A_88 = arith.constant 0 : index
    %get3A_89 = vector.load %arg11[%get3A_87, %get3A_88] : memref<2048x1024xf32, #tpu.memory_space<vmem>>, vector<2048x1024xf32>
    %dot_general3A_90 = arith.constant dense<0.000000e+00> : vector<512x2048xf32>
    %dot_general3A_91 = tpu.matmul %add3A_86, %get3A_89, %dot_general3A_90 {dimension_numbers = #tpu.dot_dimension_numbers<[1], [1], [0], [0], [0, 0, 1, 0], [], []>, transpose_lhs_hint = false} : vector<512x1024xf32>, vector<2048x1024xf32>, vector<512x2048xf32> -> vector<512x2048xf32>
    %mul3A = arith.mulf %add3A_86, %add3A_86 : vector<512x1024xf32>
    %reduce_sum3A = arith.constant dense<0.000000e+00> : vector<512xf32>
    %reduce_sum3A_92 = vector.multi_reduction <add>, %mul3A, %reduce_sum3A [1] : vector<512x1024xf32> to vector<512xf32>
    %broadcast_in_dim3A = vector.shape_cast %reduce_sum3A_92 : vector<512xf32> to vector<512x1xf32>
    %mul3A_93 = arith.constant 2.000000e+00 : f32
    %mul3A_94 = vector.broadcast %mul3A_93 : f32 to vector<512x2048xf32>
    %mul3A_95 = arith.mulf %mul3A_94, %dot_general3A_91 : vector<512x2048xf32>
    %sub3A = vector.broadcast %broadcast_in_dim3A : vector<512x1xf32> to vector<512x2048xf32>
    %sub3A_96 = arith.subf %sub3A, %mul3A_95 : vector<512x2048xf32>
    %get3A_97 = arith.constant 0 : index
    %get3A_98 = vector.load %arg12[%get3A_97] : memref<2048xf32, #tpu.memory_space<vmem>>, vector<2048xf32>
    %broadcast_in_dim3A_99 = vector.shape_cast %get3A_98 : vector<2048xf32> to vector<1x2048xf32>
    %add3A_100 = vector.broadcast %broadcast_in_dim3A_99 : vector<1x2048xf32> to vector<512x2048xf32>
    %add3A_101 = arith.addf %sub3A_96, %add3A_100 : vector<512x2048xf32>
    %argmin3A = tpu.reduce_index %add3A_101 {axis = 1 : i32, kind = #tpu.reduction_kind<arg_min>} : vector<512x2048xf32> -> vector<512xi32>
    %swap3A = arith.constant 0 : index
    %swap3A_102 = vector.load %arg13[%swap3A] : memref<512xi32, #tpu.memory_space<vmem>>, vector<512xi32>
    tpu.vector_store %arg13[%swap3A], %argmin3A {strides = array<i32>} : memref<512xi32, #tpu.memory_space<vmem>>, vector<512xi32>,
    %reduce_min3A = arith.constant dense<0x7F800000> : vector<512xf32>
    %reduce_min3A_103 = vector.multi_reduction <minimumf>, %add3A_101, %reduce_min3A [1] : vector<512x2048xf32> to vector<512xf32>
    %eq3A = arith.constant 0 : i32
    %eq3A_104 = arith.cmpi eq, %arg0, %eq3A : i32
    %convert_element_type3A = arith.extui %eq3A_104 : i1 to i32
    %cond3A = arith.constant 0 : i32
    %cond3A_105 = arith.cmpi ne, %convert_element_type3A, %cond3A : i32
    scf.if %cond3A_105 {
      %swap3A_121 = arith.constant 0.000000e+00 : f32
      %swap3A_122 = arith.constant 0 : index
      %swap3A_123 = memref.load %arg15[%swap3A_122] : memref<1xf32, #tpu.memory_space<smem>>
      memref.store %swap3A_121, %arg15[%swap3A_122] : memref<1xf32, #tpu.memory_space<smem>>
    } else {
    }
    %get3A_106 = arith.constant 0 : index
    %get3A_107 = memref.load %arg15[%get3A_106] : memref<1xf32, #tpu.memory_space<smem>>
    %reduce_sum3A_108 = vector.shape_cast %reduce_min3A_103 : vector<512xf32> to vector<1x512xf32>
    %reduce_sum3A_109 = arith.constant dense<0.000000e+00> : vector<1xf32>
    %reduce_sum3A_110 = vector.multi_reduction <add>, %reduce_sum3A_108, %reduce_sum3A_109 [1] : vector<1x512xf32> to vector<1xf32>
    %reduce_sum3A_111 = vector.shape_cast %reduce_sum3A_110 : vector<1xf32> to vector<1x1xf32>
    %reduce_sum3A_112 = vector.extract %reduce_sum3A_111[0, 0] : f32 from vector<1x1xf32>
    %add3A_113 = arith.addf %get3A_107, %reduce_sum3A_112 : f32
    %swap3A_114 = arith.constant 0 : index
    %swap3A_115 = memref.load %arg15[%swap3A_114] : memref<1xf32, #tpu.memory_space<smem>>
    memref.store %add3A_113, %arg15[%swap3A_114] : memref<1xf32, #tpu.memory_space<smem>>
    %eq3A_116 = arith.constant 3 : i32
    %eq3A_117 = arith.cmpi eq, %arg0, %eq3A_116 : i32
    %convert_element_type3A_118 = arith.extui %eq3A_117 : i1 to i32
    %cond3A_119 = arith.constant 0 : i32
    %cond3A_120 = arith.cmpi ne, %convert_element_type3A_118, %cond3A_119 : i32
    scf.if %cond3A_120 {
      %get3A_121 = arith.constant 0 : index
      %get3A_122 = memref.load %arg15[%get3A_121] : memref<1xf32, #tpu.memory_space<smem>>
      %div3A = arith.constant 0x4B000000 : f32
      %div3A_123 = arith.divf %get3A_122, %div3A : f32
      %swap3A_124 = arith.constant 0 : index
      %swap3A_125 = arith.constant 0 : index
      %swap3A_126 = memref.load %arg14[%swap3A_124, %swap3A_125] : memref<1x1xf32, #tpu.memory_space<smem>>
      memref.store %div3A_123, %arg14[%swap3A_124, %swap3A_125] : memref<1x1xf32, #tpu.memory_space<smem>>
    } else {
    }
    return
  }
  func.func @transform_0(%arg0: i32) -> (i32, i32, i32) {
    %add3A = arith.constant 8 : i32
    %add3A_0 = arith.addi %add3A, %arg0 : i32
    %jit3A = arith.constant 4 : i32
    %div3A = arith.divsi %add3A_0, %jit3A : i32
    %sign3A = arith.constant 0 : i32
    %sign3A_1 = arith.cmpi sgt, %add3A_0, %sign3A : i32
    %sign3A_2 = arith.extui %sign3A_1 : i1 to i32
    %sign3A_3 = arith.constant 0 : i32
    %sign3A_4 = arith.cmpi slt, %add3A_0, %sign3A_3 : i32
    %sign3A_5 = arith.extui %sign3A_4 : i1 to i32
    %sign3A_6 = arith.subi %sign3A_2, %sign3A_5 : i32
    %sign3A_7 = arith.constant 0 : i32
    %sign3A_8 = arith.cmpi sgt, %jit3A, %sign3A_7 : i32
    %sign3A_9 = arith.extui %sign3A_8 : i1 to i32
    %sign3A_10 = arith.constant 0 : i32
    %sign3A_11 = arith.cmpi slt, %jit3A, %sign3A_10 : i32
    %sign3A_12 = arith.extui %sign3A_11 : i1 to i32
    %sign3A_13 = arith.subi %sign3A_9, %sign3A_12 : i32
    %ne3A = arith.cmpi ne, %sign3A_6, %sign3A_13 : i32
    %rem3A = arith.remsi %add3A_0, %jit3A : i32
    %ne3A_14 = arith.constant 0 : i32
    %ne3A_15 = arith.cmpi ne, %rem3A, %ne3A_14 : i32
    %and3A = arith.andi %ne3A, %ne3A_15 : i1
    %sub3A = arith.constant 1 : i32
    %sub3A_16 = arith.subi %div3A, %sub3A : i32
    %select_n3A = arith.select %and3A, %sub3A_16, %div3A : i32
    %jit3A_17 = arith.constant 4 : i32
    %eq3A = arith.constant 0 : i32
    %eq3A_18 = arith.cmpi eq, %jit3A_17, %eq3A : i32
    %jit3A_19 = arith.constant 1 : i32
    %select_n3A_20 = arith.select %eq3A_18, %jit3A_19, %jit3A_17 : i32
    %rem3A_21 = arith.remsi %add3A_0, %select_n3A_20 : i32
    %ne3A_22 = arith.constant 0 : i32
    %ne3A_23 = arith.cmpi ne, %rem3A_21, %ne3A_22 : i32
    %lt3A = arith.constant 0 : i32
    %lt3A_24 = arith.cmpi slt, %rem3A_21, %lt3A : i32
    %lt3A_25 = arith.constant 0 : i32
    %lt3A_26 = arith.cmpi slt, %select_n3A_20, %lt3A_25 : i32
    %ne3A_27 = arith.xori %lt3A_24, %lt3A_26 : i1
    %and3A_28 = arith.andi %ne3A_27, %ne3A_23 : i1
    %add3A_29 = arith.addi %rem3A_21, %select_n3A_20 : i32
    %select_n3A_30 = arith.select %and3A_28, %add3A_29, %rem3A_21 : i32
    %c0_i32 = arith.constant 0 : i32
    %c0_i32_31 = arith.constant 0 : i32
    return %select_n3A, %select_n3A_30, %c0_i32 : i32, i32, i32
  }
  func.func @transform_1(%arg0: i32) -> (i32, i32, i32) {
    %add3A = arith.constant 8 : i32
    %add3A_0 = arith.addi %add3A, %arg0 : i32
    %jit3A = arith.constant 4 : i32
    %div3A = arith.divsi %add3A_0, %jit3A : i32
    %sign3A = arith.constant 0 : i32
    %sign3A_1 = arith.cmpi sgt, %add3A_0, %sign3A : i32
    %sign3A_2 = arith.extui %sign3A_1 : i1 to i32
    %sign3A_3 = arith.constant 0 : i32
    %sign3A_4 = arith.cmpi slt, %add3A_0, %sign3A_3 : i32
    %sign3A_5 = arith.extui %sign3A_4 : i1 to i32
    %sign3A_6 = arith.subi %sign3A_2, %sign3A_5 : i32
    %sign3A_7 = arith.constant 0 : i32
    %sign3A_8 = arith.cmpi sgt, %jit3A, %sign3A_7 : i32
    %sign3A_9 = arith.extui %sign3A_8 : i1 to i32
    %sign3A_10 = arith.constant 0 : i32
    %sign3A_11 = arith.cmpi slt, %jit3A, %sign3A_10 : i32
    %sign3A_12 = arith.extui %sign3A_11 : i1 to i32
    %sign3A_13 = arith.subi %sign3A_9, %sign3A_12 : i32
    %ne3A = arith.cmpi ne, %sign3A_6, %sign3A_13 : i32
    %rem3A = arith.remsi %add3A_0, %jit3A : i32
    %ne3A_14 = arith.constant 0 : i32
    %ne3A_15 = arith.cmpi ne, %rem3A, %ne3A_14 : i32
    %and3A = arith.andi %ne3A, %ne3A_15 : i1
    %sub3A = arith.constant 1 : i32
    %sub3A_16 = arith.subi %div3A, %sub3A : i32
    %select_n3A = arith.select %and3A, %sub3A_16, %div3A : i32
    %jit3A_17 = arith.constant 4 : i32
    %eq3A = arith.constant 0 : i32
    %eq3A_18 = arith.cmpi eq, %jit3A_17, %eq3A : i32
    %jit3A_19 = arith.constant 1 : i32
    %select_n3A_20 = arith.select %eq3A_18, %jit3A_19, %jit3A_17 : i32
    %rem3A_21 = arith.remsi %add3A_0, %select_n3A_20 : i32
    %ne3A_22 = arith.constant 0 : i32
    %ne3A_23 = arith.cmpi ne, %rem3A_21, %ne3A_22 : i32
    %lt3A = arith.constant 0 : i32
    %lt3A_24 = arith.cmpi slt, %rem3A_21, %lt3A : i32
    %lt3A_25 = arith.constant 0 : i32
    %lt3A_26 = arith.cmpi slt, %select_n3A_20, %lt3A_25 : i32
    %ne3A_27 = arith.xori %lt3A_24, %lt3A_26 : i1
    %and3A_28 = arith.andi %ne3A_27, %ne3A_23 : i1
    %add3A_29 = arith.addi %rem3A_21, %select_n3A_20 : i32
    %select_n3A_30 = arith.select %and3A_28, %add3A_29, %rem3A_21 : i32
    %c1_i32 = arith.constant 1 : i32
    %c0_i32 = arith.constant 0 : i32
    return %select_n3A, %select_n3A_30, %c1_i32 : i32, i32, i32
  }
  func.func @transform_2(%arg0: i32) -> (i32, i32, i32) {
    %add3A = arith.constant 8 : i32
    %add3A_0 = arith.addi %add3A, %arg0 : i32
    %jit3A = arith.constant 4 : i32
    %div3A = arith.divsi %add3A_0, %jit3A : i32
    %sign3A = arith.constant 0 : i32
    %sign3A_1 = arith.cmpi sgt, %add3A_0, %sign3A : i32
    %sign3A_2 = arith.extui %sign3A_1 : i1 to i32
    %sign3A_3 = arith.constant 0 : i32
    %sign3A_4 = arith.cmpi slt, %add3A_0, %sign3A_3 : i32
    %sign3A_5 = arith.extui %sign3A_4 : i1 to i32
    %sign3A_6 = arith.subi %sign3A_2, %sign3A_5 : i32
    %sign3A_7 = arith.constant 0 : i32
    %sign3A_8 = arith.cmpi sgt, %jit3A, %sign3A_7 : i32
    %sign3A_9 = arith.extui %sign3A_8 : i1 to i32
    %sign3A_10 = arith.constant 0 : i32
    %sign3A_11 = arith.cmpi slt, %jit3A, %sign3A_10 : i32
    %sign3A_12 = arith.extui %sign3A_11 : i1 to i32
    %sign3A_13 = arith.subi %sign3A_9, %sign3A_12 : i32
    %ne3A = arith.cmpi ne, %sign3A_6, %sign3A_13 : i32
    %rem3A = arith.remsi %add3A_0, %jit3A : i32
    %ne3A_14 = arith.constant 0 : i32
    %ne3A_15 = arith.cmpi ne, %rem3A, %ne3A_14 : i32
    %and3A = arith.andi %ne3A, %ne3A_15 : i1
    %sub3A = arith.constant 1 : i32
    %sub3A_16 = arith.subi %div3A, %sub3A : i32
    %select_n3A = arith.select %and3A, %sub3A_16, %div3A : i32
    %jit3A_17 = arith.constant 4 : i32
    %eq3A = arith.constant 0 : i32
    %eq3A_18 = arith.cmpi eq, %jit3A_17, %eq3A : i32
    %jit3A_19 = arith.constant 1 : i32
    %select_n3A_20 = arith.select %eq3A_18, %jit3A_19, %jit3A_17 : i32
    %rem3A_21 = arith.remsi %add3A_0, %select_n3A_20 : i32
    %ne3A_22 = arith.constant 0 : i32
    %ne3A_23 = arith.cmpi ne, %rem3A_21, %ne3A_22 : i32
    %lt3A = arith.constant 0 : i32
    %lt3A_24 = arith.cmpi slt, %rem3A_21, %lt3A : i32
    %lt3A_25 = arith.constant 0 : i32
    %lt3A_26 = arith.cmpi slt, %select_n3A_20, %lt3A_25 : i32
    %ne3A_27 = arith.xori %lt3A_24, %lt3A_26 : i1
    %and3A_28 = arith.andi %ne3A_27, %ne3A_23 : i1
    %add3A_29 = arith.addi %rem3A_21, %select_n3A_20 : i32
    %select_n3A_30 = arith.select %and3A_28, %add3A_29, %rem3A_21 : i32
    %c2_i32 = arith.constant 2 : i32
    %c0_i32 = arith.constant 0 : i32
    return %select_n3A, %select_n3A_30, %c2_i32 : i32, i32, i32
  }
  func.func @transform_3(%arg0: i32) -> (i32, i32, i32) {
    %add3A = arith.constant 8 : i32
    %add3A_0 = arith.addi %add3A, %arg0 : i32
    %jit3A = arith.constant 4 : i32
    %div3A = arith.divsi %add3A_0, %jit3A : i32
    %sign3A = arith.constant 0 : i32
    %sign3A_1 = arith.cmpi sgt, %add3A_0, %sign3A : i32
    %sign3A_2 = arith.extui %sign3A_1 : i1 to i32
    %sign3A_3 = arith.constant 0 : i32
    %sign3A_4 = arith.cmpi slt, %add3A_0, %sign3A_3 : i32
    %sign3A_5 = arith.extui %sign3A_4 : i1 to i32
    %sign3A_6 = arith.subi %sign3A_2, %sign3A_5 : i32
    %sign3A_7 = arith.constant 0 : i32
    %sign3A_8 = arith.cmpi sgt, %jit3A, %sign3A_7 : i32
    %sign3A_9 = arith.extui %sign3A_8 : i1 to i32
    %sign3A_10 = arith.constant 0 : i32
    %sign3A_11 = arith.cmpi slt, %jit3A, %sign3A_10 : i32
    %sign3A_12 = arith.extui %sign3A_11 : i1 to i32
    %sign3A_13 = arith.subi %sign3A_9, %sign3A_12 : i32
    %ne3A = arith.cmpi ne, %sign3A_6, %sign3A_13 : i32
    %rem3A = arith.remsi %add3A_0, %jit3A : i32
    %ne3A_14 = arith.constant 0 : i32
    %ne3A_15 = arith.cmpi ne, %rem3A, %ne3A_14 : i32
    %and3A = arith.andi %ne3A, %ne3A_15 : i1
    %sub3A = arith.constant 1 : i32
    %sub3A_16 = arith.subi %div3A, %sub3A : i32
    %select_n3A = arith.select %and3A, %sub3A_16, %div3A : i32
    %jit3A_17 = arith.constant 4 : i32
    %eq3A = arith.constant 0 : i32
    %eq3A_18 = arith.cmpi eq, %jit3A_17, %eq3A : i32
    %jit3A_19 = arith.constant 1 : i32
    %select_n3A_20 = arith.select %eq3A_18, %jit3A_19, %jit3A_17 : i32
    %rem3A_21 = arith.remsi %add3A_0, %select_n3A_20 : i32
    %ne3A_22 = arith.constant 0 : i32
    %ne3A_23 = arith.cmpi ne, %rem3A_21, %ne3A_22 : i32
    %lt3A = arith.constant 0 : i32
    %lt3A_24 = arith.cmpi slt, %rem3A_21, %lt3A : i32
    %lt3A_25 = arith.constant 0 : i32
    %lt3A_26 = arith.cmpi slt, %select_n3A_20, %lt3A_25 : i32
    %ne3A_27 = arith.xori %lt3A_24, %lt3A_26 : i1
    %and3A_28 = arith.andi %ne3A_27, %ne3A_23 : i1
    %add3A_29 = arith.addi %rem3A_21, %select_n3A_20 : i32
    %select_n3A_30 = arith.select %and3A_28, %add3A_29, %rem3A_21 : i32
    %c3_i32 = arith.constant 3 : i32
    %c0_i32 = arith.constant 0 : i32
    return %select_n3A, %select_n3A_30, %c3_i32 : i32, i32, i32
  }
  func.func @transform_4(%arg0: i32) -> (i32, i32, i32) {
    %add3A = arith.constant 8 : i32
    %add3A_0 = arith.addi %add3A, %arg0 : i32
    %jit3A = arith.constant 4 : i32
    %div3A = arith.divsi %add3A_0, %jit3A : i32
    %sign3A = arith.constant 0 : i32
    %sign3A_1 = arith.cmpi sgt, %add3A_0, %sign3A : i32
    %sign3A_2 = arith.extui %sign3A_1 : i1 to i32
    %sign3A_3 = arith.constant 0 : i32
    %sign3A_4 = arith.cmpi slt, %add3A_0, %sign3A_3 : i32
    %sign3A_5 = arith.extui %sign3A_4 : i1 to i32
    %sign3A_6 = arith.subi %sign3A_2, %sign3A_5 : i32
    %sign3A_7 = arith.constant 0 : i32
    %sign3A_8 = arith.cmpi sgt, %jit3A, %sign3A_7 : i32
    %sign3A_9 = arith.extui %sign3A_8 : i1 to i32
    %sign3A_10 = arith.constant 0 : i32
    %sign3A_11 = arith.cmpi slt, %jit3A, %sign3A_10 : i32
    %sign3A_12 = arith.extui %sign3A_11 : i1 to i32
    %sign3A_13 = arith.subi %sign3A_9, %sign3A_12 : i32
    %ne3A = arith.cmpi ne, %sign3A_6, %sign3A_13 : i32
    %rem3A = arith.remsi %add3A_0, %jit3A : i32
    %ne3A_14 = arith.constant 0 : i32
    %ne3A_15 = arith.cmpi ne, %rem3A, %ne3A_14 : i32
    %and3A = arith.andi %ne3A, %ne3A_15 : i1
    %sub3A = arith.constant 1 : i32
    %sub3A_16 = arith.subi %div3A, %sub3A : i32
    %select_n3A = arith.select %and3A, %sub3A_16, %div3A : i32
    %jit3A_17 = arith.constant 4 : i32
    %eq3A = arith.constant 0 : i32
    %eq3A_18 = arith.cmpi eq, %jit3A_17, %eq3A : i32
    %jit3A_19 = arith.constant 1 : i32
    %select_n3A_20 = arith.select %eq3A_18, %jit3A_19, %jit3A_17 : i32
    %rem3A_21 = arith.remsi %add3A_0, %select_n3A_20 : i32
    %ne3A_22 = arith.constant 0 : i32
    %ne3A_23 = arith.cmpi ne, %rem3A_21, %ne3A_22 : i32
    %lt3A = arith.constant 0 : i32
    %lt3A_24 = arith.cmpi slt, %rem3A_21, %lt3A : i32
    %lt3A_25 = arith.constant 0 : i32
    %lt3A_26 = arith.cmpi slt, %select_n3A_20, %lt3A_25 : i32
    %ne3A_27 = arith.xori %lt3A_24, %lt3A_26 : i1
    %and3A_28 = arith.andi %ne3A_27, %ne3A_23 : i1
    %add3A_29 = arith.addi %rem3A_21, %select_n3A_20 : i32
    %select_n3A_30 = arith.select %and3A_28, %add3A_29, %rem3A_21 : i32
    %c4_i32 = arith.constant 4 : i32
    %c0_i32 = arith.constant 0 : i32
    return %select_n3A, %select_n3A_30, %c4_i32 : i32, i32, i32
  }
  func.func @transform_5(%arg0: i32) -> (i32, i32, i32) {
    %add3A = arith.constant 8 : i32
    %add3A_0 = arith.addi %add3A, %arg0 : i32
    %jit3A = arith.constant 4 : i32
    %div3A = arith.divsi %add3A_0, %jit3A : i32
    %sign3A = arith.constant 0 : i32
    %sign3A_1 = arith.cmpi sgt, %add3A_0, %sign3A : i32
    %sign3A_2 = arith.extui %sign3A_1 : i1 to i32
    %sign3A_3 = arith.constant 0 : i32
    %sign3A_4 = arith.cmpi slt, %add3A_0, %sign3A_3 : i32
    %sign3A_5 = arith.extui %sign3A_4 : i1 to i32
    %sign3A_6 = arith.subi %sign3A_2, %sign3A_5 : i32
    %sign3A_7 = arith.constant 0 : i32
    %sign3A_8 = arith.cmpi sgt, %jit3A, %sign3A_7 : i32
    %sign3A_9 = arith.extui %sign3A_8 : i1 to i32
    %sign3A_10 = arith.constant 0 : i32
    %sign3A_11 = arith.cmpi slt, %jit3A, %sign3A_10 : i32
    %sign3A_12 = arith.extui %sign3A_11 : i1 to i32
    %sign3A_13 = arith.subi %sign3A_9, %sign3A_12 : i32
    %ne3A = arith.cmpi ne, %sign3A_6, %sign3A_13 : i32
    %rem3A = arith.remsi %add3A_0, %jit3A : i32
    %ne3A_14 = arith.constant 0 : i32
    %ne3A_15 = arith.cmpi ne, %rem3A, %ne3A_14 : i32
    %and3A = arith.andi %ne3A, %ne3A_15 : i1
    %sub3A = arith.constant 1 : i32
    %sub3A_16 = arith.subi %div3A, %sub3A : i32
    %select_n3A = arith.select %and3A, %sub3A_16, %div3A : i32
    %jit3A_17 = arith.constant 4 : i32
    %eq3A = arith.constant 0 : i32
    %eq3A_18 = arith.cmpi eq, %jit3A_17, %eq3A : i32
    %jit3A_19 = arith.constant 1 : i32
    %select_n3A_20 = arith.select %eq3A_18, %jit3A_19, %jit3A_17 : i32
    %rem3A_21 = arith.remsi %add3A_0, %select_n3A_20 : i32
    %ne3A_22 = arith.constant 0 : i32
    %ne3A_23 = arith.cmpi ne, %rem3A_21, %ne3A_22 : i32
    %lt3A = arith.constant 0 : i32
    %lt3A_24 = arith.cmpi slt, %rem3A_21, %lt3A : i32
    %lt3A_25 = arith.constant 0 : i32
    %lt3A_26 = arith.cmpi slt, %select_n3A_20, %lt3A_25 : i32
    %ne3A_27 = arith.xori %lt3A_24, %lt3A_26 : i1
    %and3A_28 = arith.andi %ne3A_27, %ne3A_23 : i1
    %add3A_29 = arith.addi %rem3A_21, %select_n3A_20 : i32
    %select_n3A_30 = arith.select %and3A_28, %add3A_29, %rem3A_21 : i32
    %c5_i32 = arith.constant 5 : i32
    %c0_i32 = arith.constant 0 : i32
    return %select_n3A, %select_n3A_30, %c5_i32 : i32, i32, i32
  }
  func.func @transform_6(%arg0: i32) -> (i32, i32, i32) {
    %add3A = arith.constant 8 : i32
    %add3A_0 = arith.addi %add3A, %arg0 : i32
    %jit3A = arith.constant 4 : i32
    %div3A = arith.divsi %add3A_0, %jit3A : i32
    %sign3A = arith.constant 0 : i32
    %sign3A_1 = arith.cmpi sgt, %add3A_0, %sign3A : i32
    %sign3A_2 = arith.extui %sign3A_1 : i1 to i32
    %sign3A_3 = arith.constant 0 : i32
    %sign3A_4 = arith.cmpi slt, %add3A_0, %sign3A_3 : i32
    %sign3A_5 = arith.extui %sign3A_4 : i1 to i32
    %sign3A_6 = arith.subi %sign3A_2, %sign3A_5 : i32
    %sign3A_7 = arith.constant 0 : i32
    %sign3A_8 = arith.cmpi sgt, %jit3A, %sign3A_7 : i32
    %sign3A_9 = arith.extui %sign3A_8 : i1 to i32
    %sign3A_10 = arith.constant 0 : i32
    %sign3A_11 = arith.cmpi slt, %jit3A, %sign3A_10 : i32
    %sign3A_12 = arith.extui %sign3A_11 : i1 to i32
    %sign3A_13 = arith.subi %sign3A_9, %sign3A_12 : i32
    %ne3A = arith.cmpi ne, %sign3A_6, %sign3A_13 : i32
    %rem3A = arith.remsi %add3A_0, %jit3A : i32
    %ne3A_14 = arith.constant 0 : i32
    %ne3A_15 = arith.cmpi ne, %rem3A, %ne3A_14 : i32
    %and3A = arith.andi %ne3A, %ne3A_15 : i1
    %sub3A = arith.constant 1 : i32
    %sub3A_16 = arith.subi %div3A, %sub3A : i32
    %select_n3A = arith.select %and3A, %sub3A_16, %div3A : i32
    %jit3A_17 = arith.constant 4 : i32
    %eq3A = arith.constant 0 : i32
    %eq3A_18 = arith.cmpi eq, %jit3A_17, %eq3A : i32
    %jit3A_19 = arith.constant 1 : i32
    %select_n3A_20 = arith.select %eq3A_18, %jit3A_19, %jit3A_17 : i32
    %rem3A_21 = arith.remsi %add3A_0, %select_n3A_20 : i32
    %ne3A_22 = arith.constant 0 : i32
    %ne3A_23 = arith.cmpi ne, %rem3A_21, %ne3A_22 : i32
    %lt3A = arith.constant 0 : i32
    %lt3A_24 = arith.cmpi slt, %rem3A_21, %lt3A : i32
    %lt3A_25 = arith.constant 0 : i32
    %lt3A_26 = arith.cmpi slt, %select_n3A_20, %lt3A_25 : i32
    %ne3A_27 = arith.xori %lt3A_24, %lt3A_26 : i1
    %and3A_28 = arith.andi %ne3A_27, %ne3A_23 : i1
    %add3A_29 = arith.addi %rem3A_21, %select_n3A_20 : i32
    %select_n3A_30 = arith.select %and3A_28, %add3A_29, %rem3A_21 : i32
    %c6_i32 = arith.constant 6 : i32
    %c0_i32 = arith.constant 0 : i32
    return %select_n3A, %select_n3A_30, %c6_i32 : i32, i32, i32
  }
  func.func @transform_7(%arg0: i32) -> (i32, i32, i32) {
    %add3A = arith.constant 8 : i32
    %add3A_0 = arith.addi %add3A, %arg0 : i32
    %jit3A = arith.constant 4 : i32
    %div3A = arith.divsi %add3A_0, %jit3A : i32
    %sign3A = arith.constant 0 : i32
    %sign3A_1 = arith.cmpi sgt, %add3A_0, %sign3A : i32
    %sign3A_2 = arith.extui %sign3A_1 : i1 to i32
    %sign3A_3 = arith.constant 0 : i32
    %sign3A_4 = arith.cmpi slt, %add3A_0, %sign3A_3 : i32
    %sign3A_5 = arith.extui %sign3A_4 : i1 to i32
    %sign3A_6 = arith.subi %sign3A_2, %sign3A_5 : i32
    %sign3A_7 = arith.constant 0 : i32
    %sign3A_8 = arith.cmpi sgt, %jit3A, %sign3A_7 : i32
    %sign3A_9 = arith.extui %sign3A_8 : i1 to i32
    %sign3A_10 = arith.constant 0 : i32
    %sign3A_11 = arith.cmpi slt, %jit3A, %sign3A_10 : i32
    %sign3A_12 = arith.extui %sign3A_11 : i1 to i32
    %sign3A_13 = arith.subi %sign3A_9, %sign3A_12 : i32
    %ne3A = arith.cmpi ne, %sign3A_6, %sign3A_13 : i32
    %rem3A = arith.remsi %add3A_0, %jit3A : i32
    %ne3A_14 = arith.constant 0 : i32
    %ne3A_15 = arith.cmpi ne, %rem3A, %ne3A_14 : i32
    %and3A = arith.andi %ne3A, %ne3A_15 : i1
    %sub3A = arith.constant 1 : i32
    %sub3A_16 = arith.subi %div3A, %sub3A : i32
    %select_n3A = arith.select %and3A, %sub3A_16, %div3A : i32
    %jit3A_17 = arith.constant 4 : i32
    %eq3A = arith.constant 0 : i32
    %eq3A_18 = arith.cmpi eq, %jit3A_17, %eq3A : i32
    %jit3A_19 = arith.constant 1 : i32
    %select_n3A_20 = arith.select %eq3A_18, %jit3A_19, %jit3A_17 : i32
    %rem3A_21 = arith.remsi %add3A_0, %select_n3A_20 : i32
    %ne3A_22 = arith.constant 0 : i32
    %ne3A_23 = arith.cmpi ne, %rem3A_21, %ne3A_22 : i32
    %lt3A = arith.constant 0 : i32
    %lt3A_24 = arith.cmpi slt, %rem3A_21, %lt3A : i32
    %lt3A_25 = arith.constant 0 : i32
    %lt3A_26 = arith.cmpi slt, %select_n3A_20, %lt3A_25 : i32
    %ne3A_27 = arith.xori %lt3A_24, %lt3A_26 : i1
    %and3A_28 = arith.andi %ne3A_27, %ne3A_23 : i1
    %add3A_29 = arith.addi %rem3A_21, %select_n3A_20 : i32
    %select_n3A_30 = arith.select %and3A_28, %add3A_29, %rem3A_21 : i32
    %c7_i32 = arith.constant 7 : i32
    %c0_i32 = arith.constant 0 : i32
    return %select_n3A, %select_n3A_30, %c7_i32 : i32, i32, i32
  }
  func.func @transform_8(%arg0: i32) -> (i32, i32) {
    %c0_i32 = arith.constant 0 : i32
    %c0_i32_0 = arith.constant 0 : i32
    %c0_i32_1 = arith.constant 0 : i32
    return %c0_i32, %c0_i32_0 : i32, i32
  }
  func.func @transform_9(%arg0: i32) -> (i32, i32) {
    %c0_i32 = arith.constant 0 : i32
    %c0_i32_0 = arith.constant 0 : i32
    %c0_i32_1 = arith.constant 0 : i32
    return %c0_i32, %c0_i32_0 : i32, i32
  }
  func.func @transform_10(%arg0: i32) -> (i32, i32) {
    %c0_i32 = arith.constant 0 : i32
    %c0_i32_0 = arith.constant 0 : i32
    %c0_i32_1 = arith.constant 0 : i32
    return %c0_i32, %c0_i32_0 : i32, i32
  }
  func.func @transform_11(%arg0: i32) -> i32 {
    %c0_i32 = arith.constant 0 : i32
    %c0_i32_0 = arith.constant 0 : i32
    return %c0_i32 : i32
  }
  func.func @transform_12(%arg0: i32) -> i32 {
    %c0_i32 = arith.constant 0 : i32
    return %arg0 : i32
  }
  func.func @transform_13(%arg0: i32) -> (i32, i32) {
    %c0_i32 = arith.constant 0 : i32
    %c0_i32_0 = arith.constant 0 : i32
    %c0_i32_1 = arith.constant 0 : i32
    return %c0_i32, %c0_i32_0 : i32, i32
  }
}

module attributes {stable_mosaic.version = 14 : i64} {
  func.func @_dist_body(%arg0: i32, %arg1: memref<1x1024x128xf32, #tpu.memory_space<vmem>>, %arg2: memref<1x1024x128xf32, #tpu.memory_space<vmem>>, %arg3: memref<1x1024x128xf32, #tpu.memory_space<vmem>>, %arg4: memref<1x1024x128xf32, #tpu.memory_space<vmem>>, %arg5: memref<1x1024x128xf32, #tpu.memory_space<vmem>>, %arg6: memref<1x1024x128xf32, #tpu.memory_space<vmem>>, %arg7: memref<1x1024x128xf32, #tpu.memory_space<vmem>>, %arg8: memref<1x1024x128xf32, #tpu.memory_space<vmem>>, %arg9: memref<1024x2048xf32, #tpu.memory_space<vmem>>, %arg10: memref<1x1024xf32, #tpu.memory_space<vmem>>, %arg11: memref<2048x1024xf32, #tpu.memory_space<vmem>>, %arg12: memref<2048xf32, #tpu.memory_space<vmem>>, %arg13: memref<512xi32, #tpu.memory_space<vmem>>, %arg14: memref<1x1xf32, #tpu.memory_space<smem>>, %arg15: memref<1xf32, #tpu.memory_space<smem>>) attributes {dimension_semantics = [#tpu.dimension_semantics<arbitrary>], iteration_bounds = array<i64: 4>, scalar_prefetch = 0 : i64, scratch_operands = 1 : i64, tpu.core_type = #tpu.core_type<tc>, window_params = [{transform_indices = @transform_0, window_bounds = array<i64: 1, 1024, 128>}, {transform_indices = @transform_1, window_bounds = array<i64: 1, 1024, 128>}, {transform_indices = @transform_2, window_bounds = array<i64: 1, 1024, 128>}, {transform_indices = @transform_3, window_bounds = array<i64: 1, 1024, 128>}, {transform_indices = @transform_4, window_bounds = array<i64: 1, 1024, 128>}, {transform_indices = @transform_5, window_bounds = array<i64: 1, 1024, 128>}, {transform_indices = @transform_6, window_bounds = array<i64: 1, 1024, 128>}, {transform_indices = @transform_7, window_bounds = array<i64: 1, 1024, 128>}, {pipeline_mode = #tpu.pipeline_mode<synchronous>, transform_indices = @transform_8, window_bounds = array<i64: 1024, 2048>}, {pipeline_mode = #tpu.pipeline_mode<synchronous>, transform_indices = @transform_9, window_bounds = array<i64: 1, 1024>}, {pipeline_mode = #tpu.pipeline_mode<synchronous>, transform_indices = @transform_10, window_bounds = array<i64: 2048, 1024>}, {pipeline_mode = #tpu.pipeline_mode<synchronous>, transform_indices = @transform_11, window_bounds = array<i64: 2048>}, {transform_indices = @transform_12, window_bounds = array<i64: 512>}, {transform_indices = @transform_13, window_bounds = array<i64: 1, 1>}]} {
    %get3A = arith.constant 0 : index
    %get3A_0 = arith.constant 0 : index
    %get3A_1 = arith.constant 0 : index
    %get3A_2 = tpu.strided_load %arg1[%get3A, %get3A_0, %get3A_1] {strides = array<i32: 1, 2, 1>} : memref<1x1024x128xf32, #tpu.memory_space<vmem>>, vector<1x512x128xf32>
    %get3A_3 = vector.shape_cast %get3A_2 : vector<1x512x128xf32> to vector<512x128xf32>
    %get3A_4 = arith.constant 0 : index
    %get3A_5 = arith.constant 0 : index
    %get3A_6 = arith.constant 0 : index
    %get3A_7 = tpu.strided_load %arg2[%get3A_4, %get3A_5, %get3A_6] {strides = array<i32: 1, 2, 1>} : memref<1x1024x128xf32, #tpu.memory_space<vmem>>, vector<1x512x128xf32>
    %get3A_8 = vector.shape_cast %get3A_7 : vector<1x512x128xf32> to vector<512x128xf32>
    %get3A_9 = arith.constant 0 : index
    %get3A_10 = arith.constant 0 : index
    %get3A_11 = arith.constant 0 : index
    %get3A_12 = tpu.strided_load %arg3[%get3A_9, %get3A_10, %get3A_11] {strides = array<i32: 1, 2, 1>} : memref<1x1024x128xf32, #tpu.memory_space<vmem>>, vector<1x512x128xf32>
    %get3A_13 = vector.shape_cast %get3A_12 : vector<1x512x128xf32> to vector<512x128xf32>
    %get3A_14 = arith.constant 0 : index
    %get3A_15 = arith.constant 0 : index
    %get3A_16 = arith.constant 0 : index
    %get3A_17 = tpu.strided_load %arg4[%get3A_14, %get3A_15, %get3A_16] {strides = array<i32: 1, 2, 1>} : memref<1x1024x128xf32, #tpu.memory_space<vmem>>, vector<1x512x128xf32>
    %get3A_18 = vector.shape_cast %get3A_17 : vector<1x512x128xf32> to vector<512x128xf32>
    %get3A_19 = arith.constant 0 : index
    %get3A_20 = arith.constant 0 : index
    %get3A_21 = arith.constant 0 : index
    %get3A_22 = tpu.strided_load %arg5[%get3A_19, %get3A_20, %get3A_21] {strides = array<i32: 1, 2, 1>} : memref<1x1024x128xf32, #tpu.memory_space<vmem>>, vector<1x512x128xf32>
    %get3A_23 = vector.shape_cast %get3A_22 : vector<1x512x128xf32> to vector<512x128xf32>
    %get3A_24 = arith.constant 0 : index
    %get3A_25 = arith.constant 0 : index
    %get3A_26 = arith.constant 0 : index
    %get3A_27 = tpu.strided_load %arg6[%get3A_24, %get3A_25, %get3A_26] {strides = array<i32: 1, 2, 1>} : memref<1x1024x128xf32, #tpu.memory_space<vmem>>, vector<1x512x128xf32>
    %get3A_28 = vector.shape_cast %get3A_27 : vector<1x512x128xf32> to vector<512x128xf32>
    %get3A_29 = arith.constant 0 : index
    %get3A_30 = arith.constant 0 : index
    %get3A_31 = arith.constant 0 : index
    %get3A_32 = tpu.strided_load %arg7[%get3A_29, %get3A_30, %get3A_31] {strides = array<i32: 1, 2, 1>} : memref<1x1024x128xf32, #tpu.memory_space<vmem>>, vector<1x512x128xf32>
    %get3A_33 = vector.shape_cast %get3A_32 : vector<1x512x128xf32> to vector<512x128xf32>
    %get3A_34 = arith.constant 0 : index
    %get3A_35 = arith.constant 0 : index
    %get3A_36 = arith.constant 0 : index
    %get3A_37 = tpu.strided_load %arg8[%get3A_34, %get3A_35, %get3A_36] {strides = array<i32: 1, 2, 1>} : memref<1x1024x128xf32, #tpu.memory_space<vmem>>, vector<1x512x128xf32>
    %get3A_38 = vector.shape_cast %get3A_37 : vector<1x512x128xf32> to vector<512x128xf32>
    %get3A_39 = arith.constant 0 : index
    %get3A_40 = arith.constant 1 : index
    %get3A_41 = arith.constant 0 : index
    %get3A_42 = tpu.strided_load %arg1[%get3A_39, %get3A_40, %get3A_41] {strides = array<i32: 1, 2, 1>} : memref<1x1024x128xf32, #tpu.memory_space<vmem>>, vector<1x512x128xf32>
    %get3A_43 = vector.shape_cast %get3A_42 : vector<1x512x128xf32> to vector<512x128xf32>
    %get3A_44 = arith.constant 0 : index
    %get3A_45 = arith.constant 1 : index
    %get3A_46 = arith.constant 0 : index
    %get3A_47 = tpu.strided_load %arg2[%get3A_44, %get3A_45, %get3A_46] {strides = array<i32: 1, 2, 1>} : memref<1x1024x128xf32, #tpu.memory_space<vmem>>, vector<1x512x128xf32>
    %get3A_48 = vector.shape_cast %get3A_47 : vector<1x512x128xf32> to vector<512x128xf32>
    %get3A_49 = arith.constant 0 : index
    %get3A_50 = arith.constant 1 : index
    %get3A_51 = arith.constant 0 : index
    %get3A_52 = tpu.strided_load %arg3[%get3A_49, %get3A_50, %get3A_51] {strides = array<i32: 1, 2, 1>} : memref<1x1024x128xf32, #tpu.memory_space<vmem>>, vector<1x512x128xf32>
    %get3A_53 = vector.shape_cast %get3A_52 : vector<1x512x128xf32> to vector<512x128xf32>
    %get3A_54 = arith.constant 0 : index
    %get3A_55 = arith.constant 1 : index
    %get3A_56 = arith.constant 0 : index
    %get3A_57 = tpu.strided_load %arg4[%get3A_54, %get3A_55, %get3A_56] {strides = array<i32: 1, 2, 1>} : memref<1x1024x128xf32, #tpu.memory_space<vmem>>, vector<1x512x128xf32>
    %get3A_58 = vector.shape_cast %get3A_57 : vector<1x512x128xf32> to vector<512x128xf32>
    %get3A_59 = arith.constant 0 : index
    %get3A_60 = arith.constant 1 : index
    %get3A_61 = arith.constant 0 : index
    %get3A_62 = tpu.strided_load %arg5[%get3A_59, %get3A_60, %get3A_61] {strides = array<i32: 1, 2, 1>} : memref<1x1024x128xf32, #tpu.memory_space<vmem>>, vector<1x512x128xf32>
    %get3A_63 = vector.shape_cast %get3A_62 : vector<1x512x128xf32> to vector<512x128xf32>
    %get3A_64 = arith.constant 0 : index
    %get3A_65 = arith.constant 1 : index
    %get3A_66 = arith.constant 0 : index
    %get3A_67 = tpu.strided_load %arg6[%get3A_64, %get3A_65, %get3A_66] {strides = array<i32: 1, 2, 1>} : memref<1x1024x128xf32, #tpu.memory_space<vmem>>, vector<1x512x128xf32>
    %get3A_68 = vector.shape_cast %get3A_67 : vector<1x512x128xf32> to vector<512x128xf32>
    %get3A_69 = arith.constant 0 : index
    %get3A_70 = arith.constant 1 : index
    %get3A_71 = arith.constant 0 : index
    %get3A_72 = tpu.strided_load %arg7[%get3A_69, %get3A_70, %get3A_71] {strides = array<i32: 1, 2, 1>} : memref<1x1024x128xf32, #tpu.memory_space<vmem>>, vector<1x512x128xf32>
    %get3A_73 = vector.shape_cast %get3A_72 : vector<1x512x128xf32> to vector<512x128xf32>
    %get3A_74 = arith.constant 0 : index
    %get3A_75 = arith.constant 1 : index
    %get3A_76 = arith.constant 0 : index
    %get3A_77 = tpu.strided_load %arg8[%get3A_74, %get3A_75, %get3A_76] {strides = array<i32: 1, 2, 1>} : memref<1x1024x128xf32, #tpu.memory_space<vmem>>, vector<1x512x128xf32>
    %get3A_78 = vector.shape_cast %get3A_77 : vector<1x512x128xf32> to vector<512x128xf32>
    %concatenate3A = tpu.concatenate %get3A_3, %get3A_8, %get3A_13, %get3A_18, %get3A_23, %get3A_28, %get3A_33, %get3A_38, %get3A_43, %get3A_48, %get3A_53, %get3A_58, %get3A_63, %get3A_68, %get3A_73, %get3A_78 in 1 : vector<512x128xf32>, vector<512x128xf32>, vector<512x128xf32>, vector<512x128xf32>, vector<512x128xf32>, vector<512x128xf32>, vector<512x128xf32>, vector<512x128xf32>, vector<512x128xf32>, vector<512x128xf32>, vector<512x128xf32>, vector<512x128xf32>, vector<512x128xf32>, vector<512x128xf32>, vector<512x128xf32>, vector<512x128xf32> -> vector<512x2048xf32>
    %get3A_79 = arith.constant 0 : index
    %get3A_80 = arith.constant 0 : index
    %get3A_81 = vector.load %arg9[%get3A_79, %get3A_80] : memref<1024x2048xf32, #tpu.memory_space<vmem>>, vector<1024x2048xf32>
    %dot_general3A = arith.constant dense<0.000000e+00> : vector<512x1024xf32>
    %dot_general3A_82 = tpu.matmul %concatenate3A, %get3A_81, %dot_general3A {dimension_numbers = #tpu.dot_dimension_numbers<[1], [1], [0], [0], [0, 0, 1, 0], [], []>, transpose_lhs_hint = false} : vector<512x2048xf32>, vector<1024x2048xf32>, vector<512x1024xf32> -> vector<512x1024xf32>
    %get3A_83 = arith.constant 0 : index
    %get3A_84 = arith.constant 0 : index
    %get3A_85 = vector.load %arg10[%get3A_83, %get3A_84] : memref<1x1024xf32, #tpu.memory_space<vmem>>, vector<1x1024xf32>
    %add3A = vector.broadcast %get3A_85 : vector<1x1024xf32> to vector<512x1024xf32>
    %add3A_86 = arith.addf %dot_general3A_82, %add3A : vector<512x1024xf32>
    %get3A_87 = arith.constant 0 : index
    %get3A_88 = arith.constant 0 : index
    %get3A_89 = vector.load %arg11[%get3A_87, %get3A_88] : memref<2048x1024xf32, #tpu.memory_space<vmem>>, vector<2048x1024xf32>
    %dot_general3A_90 = arith.constant dense<0.000000e+00> : vector<512x2048xf32>
    %dot_general3A_91 = tpu.matmul %add3A_86, %get3A_89, %dot_general3A_90 {dimension_numbers = #tpu.dot_dimension_numbers<[1], [1], [0], [0], [0, 0, 1, 0], [], []>, transpose_lhs_hint = false} : vector<512x1024xf32>, vector<2048x1024xf32>, vector<512x2048xf32> -> vector<512x2048xf32>
    %mul3A = arith.mulf %add3A_86, %add3A_86 : vector<512x1024xf32>
    %reduce_sum3A = arith.constant dense<0.000000e+00> : vector<512xf32>
    %reduce_sum3A_92 = vector.multi_reduction <add>, %mul3A, %reduce_sum3A [1] : vector<512x1024xf32> to vector<512xf32>
    %broadcast_in_dim3A = vector.shape_cast %reduce_sum3A_92 : vector<512xf32> to vector<512x1xf32>
    %mul3A_93 = arith.constant 2.000000e+00 : f32
    %mul3A_94 = vector.broadcast %mul3A_93 : f32 to vector<512x2048xf32>
    %mul3A_95 = arith.mulf %mul3A_94, %dot_general3A_91 : vector<512x2048xf32>
    %sub3A = vector.broadcast %broadcast_in_dim3A : vector<512x1xf32> to vector<512x2048xf32>
    %sub3A_96 = arith.subf %sub3A, %mul3A_95 : vector<512x2048xf32>
    %get3A_97 = arith.constant 0 : index
    %get3A_98 = vector.load %arg12[%get3A_97] : memref<2048xf32, #tpu.memory_space<vmem>>, vector<2048xf32>
    %broadcast_in_dim3A_99 = vector.shape_cast %get3A_98 : vector<2048xf32> to vector<1x2048xf32>
    %add3A_100 = vector.broadcast %broadcast_in_dim3A_99 : vector<1x2048xf32> to vector<512x2048xf32>
    %add3A_101 = arith.addf %sub3A_96, %add3A_100 : vector<512x2048xf32>
    %argmin3A = tpu.reduce_index %add3A_101 {axis = 1 : i32, kind = #tpu.reduction_kind<arg_min>} : vector<512x2048xf32> -> vector<512xi32>
    %swap3A = arith.constant 0 : index
    %swap3A_102 = vector.load %arg13[%swap3A] : memref<512xi32, #tpu.memory_space<vmem>>, vector<512xi32>
    tpu.vector_store %arg13[%swap3A], %argmin3A {strides = array<i32>} : memref<512xi32, #tpu.memory_space<vmem>>, vector<512xi32>,
    %reduce_min3A = arith.constant dense<0x7F800000> : vector<512xf32>
    %reduce_min3A_103 = vector.multi_reduction <minimumf>, %add3A_101, %reduce_min3A [1] : vector<512x2048xf32> to vector<512xf32>
    %eq3A = arith.constant 0 : i32
    %eq3A_104 = arith.cmpi eq, %arg0, %eq3A : i32
    %convert_element_type3A = arith.extui %eq3A_104 : i1 to i32
    %cond3A = arith.constant 0 : i32
    %cond3A_105 = arith.cmpi ne, %convert_element_type3A, %cond3A : i32
    scf.if %cond3A_105 {
      %swap3A_121 = arith.constant 0.000000e+00 : f32
      %swap3A_122 = arith.constant 0 : index
      %swap3A_123 = memref.load %arg15[%swap3A_122] : memref<1xf32, #tpu.memory_space<smem>>
      memref.store %swap3A_121, %arg15[%swap3A_122] : memref<1xf32, #tpu.memory_space<smem>>
    } else {
    }
    %get3A_106 = arith.constant 0 : index
    %get3A_107 = memref.load %arg15[%get3A_106] : memref<1xf32, #tpu.memory_space<smem>>
    %reduce_sum3A_108 = vector.shape_cast %reduce_min3A_103 : vector<512xf32> to vector<1x512xf32>
    %reduce_sum3A_109 = arith.constant dense<0.000000e+00> : vector<1xf32>
    %reduce_sum3A_110 = vector.multi_reduction <add>, %reduce_sum3A_108, %reduce_sum3A_109 [1] : vector<1x512xf32> to vector<1xf32>
    %reduce_sum3A_111 = vector.shape_cast %reduce_sum3A_110 : vector<1xf32> to vector<1x1xf32>
    %reduce_sum3A_112 = vector.extract %reduce_sum3A_111[0, 0] : f32 from vector<1x1xf32>
    %add3A_113 = arith.addf %get3A_107, %reduce_sum3A_112 : f32
    %swap3A_114 = arith.constant 0 : index
    %swap3A_115 = memref.load %arg15[%swap3A_114] : memref<1xf32, #tpu.memory_space<smem>>
    memref.store %add3A_113, %arg15[%swap3A_114] : memref<1xf32, #tpu.memory_space<smem>>
    %eq3A_116 = arith.constant 3 : i32
    %eq3A_117 = arith.cmpi eq, %arg0, %eq3A_116 : i32
    %convert_element_type3A_118 = arith.extui %eq3A_117 : i1 to i32
    %cond3A_119 = arith.constant 0 : i32
    %cond3A_120 = arith.cmpi ne, %convert_element_type3A_118, %cond3A_119 : i32
    scf.if %cond3A_120 {
      %get3A_121 = arith.constant 0 : index
      %get3A_122 = memref.load %arg15[%get3A_121] : memref<1xf32, #tpu.memory_space<smem>>
      %div3A = arith.constant 0x4B000000 : f32
      %div3A_123 = arith.divf %get3A_122, %div3A : f32
      %swap3A_124 = arith.constant 0 : index
      %swap3A_125 = arith.constant 0 : index
      %swap3A_126 = memref.load %arg14[%swap3A_124, %swap3A_125] : memref<1x1xf32, #tpu.memory_space<smem>>
      memref.store %div3A_123, %arg14[%swap3A_124, %swap3A_125] : memref<1x1xf32, #tpu.memory_space<smem>>
    } else {
    }
    return
  }
  func.func @transform_0(%arg0: i32) -> (i32, i32, i32) {
    %add3A = arith.constant 12 : i32
    %add3A_0 = arith.addi %add3A, %arg0 : i32
    %jit3A = arith.constant 4 : i32
    %div3A = arith.divsi %add3A_0, %jit3A : i32
    %sign3A = arith.constant 0 : i32
    %sign3A_1 = arith.cmpi sgt, %add3A_0, %sign3A : i32
    %sign3A_2 = arith.extui %sign3A_1 : i1 to i32
    %sign3A_3 = arith.constant 0 : i32
    %sign3A_4 = arith.cmpi slt, %add3A_0, %sign3A_3 : i32
    %sign3A_5 = arith.extui %sign3A_4 : i1 to i32
    %sign3A_6 = arith.subi %sign3A_2, %sign3A_5 : i32
    %sign3A_7 = arith.constant 0 : i32
    %sign3A_8 = arith.cmpi sgt, %jit3A, %sign3A_7 : i32
    %sign3A_9 = arith.extui %sign3A_8 : i1 to i32
    %sign3A_10 = arith.constant 0 : i32
    %sign3A_11 = arith.cmpi slt, %jit3A, %sign3A_10 : i32
    %sign3A_12 = arith.extui %sign3A_11 : i1 to i32
    %sign3A_13 = arith.subi %sign3A_9, %sign3A_12 : i32
    %ne3A = arith.cmpi ne, %sign3A_6, %sign3A_13 : i32
    %rem3A = arith.remsi %add3A_0, %jit3A : i32
    %ne3A_14 = arith.constant 0 : i32
    %ne3A_15 = arith.cmpi ne, %rem3A, %ne3A_14 : i32
    %and3A = arith.andi %ne3A, %ne3A_15 : i1
    %sub3A = arith.constant 1 : i32
    %sub3A_16 = arith.subi %div3A, %sub3A : i32
    %select_n3A = arith.select %and3A, %sub3A_16, %div3A : i32
    %jit3A_17 = arith.constant 4 : i32
    %eq3A = arith.constant 0 : i32
    %eq3A_18 = arith.cmpi eq, %jit3A_17, %eq3A : i32
    %jit3A_19 = arith.constant 1 : i32
    %select_n3A_20 = arith.select %eq3A_18, %jit3A_19, %jit3A_17 : i32
    %rem3A_21 = arith.remsi %add3A_0, %select_n3A_20 : i32
    %ne3A_22 = arith.constant 0 : i32
    %ne3A_23 = arith.cmpi ne, %rem3A_21, %ne3A_22 : i32
    %lt3A = arith.constant 0 : i32
    %lt3A_24 = arith.cmpi slt, %rem3A_21, %lt3A : i32
    %lt3A_25 = arith.constant 0 : i32
    %lt3A_26 = arith.cmpi slt, %select_n3A_20, %lt3A_25 : i32
    %ne3A_27 = arith.xori %lt3A_24, %lt3A_26 : i1
    %and3A_28 = arith.andi %ne3A_27, %ne3A_23 : i1
    %add3A_29 = arith.addi %rem3A_21, %select_n3A_20 : i32
    %select_n3A_30 = arith.select %and3A_28, %add3A_29, %rem3A_21 : i32
    %c0_i32 = arith.constant 0 : i32
    %c0_i32_31 = arith.constant 0 : i32
    return %select_n3A, %select_n3A_30, %c0_i32 : i32, i32, i32
  }
  func.func @transform_1(%arg0: i32) -> (i32, i32, i32) {
    %add3A = arith.constant 12 : i32
    %add3A_0 = arith.addi %add3A, %arg0 : i32
    %jit3A = arith.constant 4 : i32
    %div3A = arith.divsi %add3A_0, %jit3A : i32
    %sign3A = arith.constant 0 : i32
    %sign3A_1 = arith.cmpi sgt, %add3A_0, %sign3A : i32
    %sign3A_2 = arith.extui %sign3A_1 : i1 to i32
    %sign3A_3 = arith.constant 0 : i32
    %sign3A_4 = arith.cmpi slt, %add3A_0, %sign3A_3 : i32
    %sign3A_5 = arith.extui %sign3A_4 : i1 to i32
    %sign3A_6 = arith.subi %sign3A_2, %sign3A_5 : i32
    %sign3A_7 = arith.constant 0 : i32
    %sign3A_8 = arith.cmpi sgt, %jit3A, %sign3A_7 : i32
    %sign3A_9 = arith.extui %sign3A_8 : i1 to i32
    %sign3A_10 = arith.constant 0 : i32
    %sign3A_11 = arith.cmpi slt, %jit3A, %sign3A_10 : i32
    %sign3A_12 = arith.extui %sign3A_11 : i1 to i32
    %sign3A_13 = arith.subi %sign3A_9, %sign3A_12 : i32
    %ne3A = arith.cmpi ne, %sign3A_6, %sign3A_13 : i32
    %rem3A = arith.remsi %add3A_0, %jit3A : i32
    %ne3A_14 = arith.constant 0 : i32
    %ne3A_15 = arith.cmpi ne, %rem3A, %ne3A_14 : i32
    %and3A = arith.andi %ne3A, %ne3A_15 : i1
    %sub3A = arith.constant 1 : i32
    %sub3A_16 = arith.subi %div3A, %sub3A : i32
    %select_n3A = arith.select %and3A, %sub3A_16, %div3A : i32
    %jit3A_17 = arith.constant 4 : i32
    %eq3A = arith.constant 0 : i32
    %eq3A_18 = arith.cmpi eq, %jit3A_17, %eq3A : i32
    %jit3A_19 = arith.constant 1 : i32
    %select_n3A_20 = arith.select %eq3A_18, %jit3A_19, %jit3A_17 : i32
    %rem3A_21 = arith.remsi %add3A_0, %select_n3A_20 : i32
    %ne3A_22 = arith.constant 0 : i32
    %ne3A_23 = arith.cmpi ne, %rem3A_21, %ne3A_22 : i32
    %lt3A = arith.constant 0 : i32
    %lt3A_24 = arith.cmpi slt, %rem3A_21, %lt3A : i32
    %lt3A_25 = arith.constant 0 : i32
    %lt3A_26 = arith.cmpi slt, %select_n3A_20, %lt3A_25 : i32
    %ne3A_27 = arith.xori %lt3A_24, %lt3A_26 : i1
    %and3A_28 = arith.andi %ne3A_27, %ne3A_23 : i1
    %add3A_29 = arith.addi %rem3A_21, %select_n3A_20 : i32
    %select_n3A_30 = arith.select %and3A_28, %add3A_29, %rem3A_21 : i32
    %c1_i32 = arith.constant 1 : i32
    %c0_i32 = arith.constant 0 : i32
    return %select_n3A, %select_n3A_30, %c1_i32 : i32, i32, i32
  }
  func.func @transform_2(%arg0: i32) -> (i32, i32, i32) {
    %add3A = arith.constant 12 : i32
    %add3A_0 = arith.addi %add3A, %arg0 : i32
    %jit3A = arith.constant 4 : i32
    %div3A = arith.divsi %add3A_0, %jit3A : i32
    %sign3A = arith.constant 0 : i32
    %sign3A_1 = arith.cmpi sgt, %add3A_0, %sign3A : i32
    %sign3A_2 = arith.extui %sign3A_1 : i1 to i32
    %sign3A_3 = arith.constant 0 : i32
    %sign3A_4 = arith.cmpi slt, %add3A_0, %sign3A_3 : i32
    %sign3A_5 = arith.extui %sign3A_4 : i1 to i32
    %sign3A_6 = arith.subi %sign3A_2, %sign3A_5 : i32
    %sign3A_7 = arith.constant 0 : i32
    %sign3A_8 = arith.cmpi sgt, %jit3A, %sign3A_7 : i32
    %sign3A_9 = arith.extui %sign3A_8 : i1 to i32
    %sign3A_10 = arith.constant 0 : i32
    %sign3A_11 = arith.cmpi slt, %jit3A, %sign3A_10 : i32
    %sign3A_12 = arith.extui %sign3A_11 : i1 to i32
    %sign3A_13 = arith.subi %sign3A_9, %sign3A_12 : i32
    %ne3A = arith.cmpi ne, %sign3A_6, %sign3A_13 : i32
    %rem3A = arith.remsi %add3A_0, %jit3A : i32
    %ne3A_14 = arith.constant 0 : i32
    %ne3A_15 = arith.cmpi ne, %rem3A, %ne3A_14 : i32
    %and3A = arith.andi %ne3A, %ne3A_15 : i1
    %sub3A = arith.constant 1 : i32
    %sub3A_16 = arith.subi %div3A, %sub3A : i32
    %select_n3A = arith.select %and3A, %sub3A_16, %div3A : i32
    %jit3A_17 = arith.constant 4 : i32
    %eq3A = arith.constant 0 : i32
    %eq3A_18 = arith.cmpi eq, %jit3A_17, %eq3A : i32
    %jit3A_19 = arith.constant 1 : i32
    %select_n3A_20 = arith.select %eq3A_18, %jit3A_19, %jit3A_17 : i32
    %rem3A_21 = arith.remsi %add3A_0, %select_n3A_20 : i32
    %ne3A_22 = arith.constant 0 : i32
    %ne3A_23 = arith.cmpi ne, %rem3A_21, %ne3A_22 : i32
    %lt3A = arith.constant 0 : i32
    %lt3A_24 = arith.cmpi slt, %rem3A_21, %lt3A : i32
    %lt3A_25 = arith.constant 0 : i32
    %lt3A_26 = arith.cmpi slt, %select_n3A_20, %lt3A_25 : i32
    %ne3A_27 = arith.xori %lt3A_24, %lt3A_26 : i1
    %and3A_28 = arith.andi %ne3A_27, %ne3A_23 : i1
    %add3A_29 = arith.addi %rem3A_21, %select_n3A_20 : i32
    %select_n3A_30 = arith.select %and3A_28, %add3A_29, %rem3A_21 : i32
    %c2_i32 = arith.constant 2 : i32
    %c0_i32 = arith.constant 0 : i32
    return %select_n3A, %select_n3A_30, %c2_i32 : i32, i32, i32
  }
  func.func @transform_3(%arg0: i32) -> (i32, i32, i32) {
    %add3A = arith.constant 12 : i32
    %add3A_0 = arith.addi %add3A, %arg0 : i32
    %jit3A = arith.constant 4 : i32
    %div3A = arith.divsi %add3A_0, %jit3A : i32
    %sign3A = arith.constant 0 : i32
    %sign3A_1 = arith.cmpi sgt, %add3A_0, %sign3A : i32
    %sign3A_2 = arith.extui %sign3A_1 : i1 to i32
    %sign3A_3 = arith.constant 0 : i32
    %sign3A_4 = arith.cmpi slt, %add3A_0, %sign3A_3 : i32
    %sign3A_5 = arith.extui %sign3A_4 : i1 to i32
    %sign3A_6 = arith.subi %sign3A_2, %sign3A_5 : i32
    %sign3A_7 = arith.constant 0 : i32
    %sign3A_8 = arith.cmpi sgt, %jit3A, %sign3A_7 : i32
    %sign3A_9 = arith.extui %sign3A_8 : i1 to i32
    %sign3A_10 = arith.constant 0 : i32
    %sign3A_11 = arith.cmpi slt, %jit3A, %sign3A_10 : i32
    %sign3A_12 = arith.extui %sign3A_11 : i1 to i32
    %sign3A_13 = arith.subi %sign3A_9, %sign3A_12 : i32
    %ne3A = arith.cmpi ne, %sign3A_6, %sign3A_13 : i32
    %rem3A = arith.remsi %add3A_0, %jit3A : i32
    %ne3A_14 = arith.constant 0 : i32
    %ne3A_15 = arith.cmpi ne, %rem3A, %ne3A_14 : i32
    %and3A = arith.andi %ne3A, %ne3A_15 : i1
    %sub3A = arith.constant 1 : i32
    %sub3A_16 = arith.subi %div3A, %sub3A : i32
    %select_n3A = arith.select %and3A, %sub3A_16, %div3A : i32
    %jit3A_17 = arith.constant 4 : i32
    %eq3A = arith.constant 0 : i32
    %eq3A_18 = arith.cmpi eq, %jit3A_17, %eq3A : i32
    %jit3A_19 = arith.constant 1 : i32
    %select_n3A_20 = arith.select %eq3A_18, %jit3A_19, %jit3A_17 : i32
    %rem3A_21 = arith.remsi %add3A_0, %select_n3A_20 : i32
    %ne3A_22 = arith.constant 0 : i32
    %ne3A_23 = arith.cmpi ne, %rem3A_21, %ne3A_22 : i32
    %lt3A = arith.constant 0 : i32
    %lt3A_24 = arith.cmpi slt, %rem3A_21, %lt3A : i32
    %lt3A_25 = arith.constant 0 : i32
    %lt3A_26 = arith.cmpi slt, %select_n3A_20, %lt3A_25 : i32
    %ne3A_27 = arith.xori %lt3A_24, %lt3A_26 : i1
    %and3A_28 = arith.andi %ne3A_27, %ne3A_23 : i1
    %add3A_29 = arith.addi %rem3A_21, %select_n3A_20 : i32
    %select_n3A_30 = arith.select %and3A_28, %add3A_29, %rem3A_21 : i32
    %c3_i32 = arith.constant 3 : i32
    %c0_i32 = arith.constant 0 : i32
    return %select_n3A, %select_n3A_30, %c3_i32 : i32, i32, i32
  }
  func.func @transform_4(%arg0: i32) -> (i32, i32, i32) {
    %add3A = arith.constant 12 : i32
    %add3A_0 = arith.addi %add3A, %arg0 : i32
    %jit3A = arith.constant 4 : i32
    %div3A = arith.divsi %add3A_0, %jit3A : i32
    %sign3A = arith.constant 0 : i32
    %sign3A_1 = arith.cmpi sgt, %add3A_0, %sign3A : i32
    %sign3A_2 = arith.extui %sign3A_1 : i1 to i32
    %sign3A_3 = arith.constant 0 : i32
    %sign3A_4 = arith.cmpi slt, %add3A_0, %sign3A_3 : i32
    %sign3A_5 = arith.extui %sign3A_4 : i1 to i32
    %sign3A_6 = arith.subi %sign3A_2, %sign3A_5 : i32
    %sign3A_7 = arith.constant 0 : i32
    %sign3A_8 = arith.cmpi sgt, %jit3A, %sign3A_7 : i32
    %sign3A_9 = arith.extui %sign3A_8 : i1 to i32
    %sign3A_10 = arith.constant 0 : i32
    %sign3A_11 = arith.cmpi slt, %jit3A, %sign3A_10 : i32
    %sign3A_12 = arith.extui %sign3A_11 : i1 to i32
    %sign3A_13 = arith.subi %sign3A_9, %sign3A_12 : i32
    %ne3A = arith.cmpi ne, %sign3A_6, %sign3A_13 : i32
    %rem3A = arith.remsi %add3A_0, %jit3A : i32
    %ne3A_14 = arith.constant 0 : i32
    %ne3A_15 = arith.cmpi ne, %rem3A, %ne3A_14 : i32
    %and3A = arith.andi %ne3A, %ne3A_15 : i1
    %sub3A = arith.constant 1 : i32
    %sub3A_16 = arith.subi %div3A, %sub3A : i32
    %select_n3A = arith.select %and3A, %sub3A_16, %div3A : i32
    %jit3A_17 = arith.constant 4 : i32
    %eq3A = arith.constant 0 : i32
    %eq3A_18 = arith.cmpi eq, %jit3A_17, %eq3A : i32
    %jit3A_19 = arith.constant 1 : i32
    %select_n3A_20 = arith.select %eq3A_18, %jit3A_19, %jit3A_17 : i32
    %rem3A_21 = arith.remsi %add3A_0, %select_n3A_20 : i32
    %ne3A_22 = arith.constant 0 : i32
    %ne3A_23 = arith.cmpi ne, %rem3A_21, %ne3A_22 : i32
    %lt3A = arith.constant 0 : i32
    %lt3A_24 = arith.cmpi slt, %rem3A_21, %lt3A : i32
    %lt3A_25 = arith.constant 0 : i32
    %lt3A_26 = arith.cmpi slt, %select_n3A_20, %lt3A_25 : i32
    %ne3A_27 = arith.xori %lt3A_24, %lt3A_26 : i1
    %and3A_28 = arith.andi %ne3A_27, %ne3A_23 : i1
    %add3A_29 = arith.addi %rem3A_21, %select_n3A_20 : i32
    %select_n3A_30 = arith.select %and3A_28, %add3A_29, %rem3A_21 : i32
    %c4_i32 = arith.constant 4 : i32
    %c0_i32 = arith.constant 0 : i32
    return %select_n3A, %select_n3A_30, %c4_i32 : i32, i32, i32
  }
  func.func @transform_5(%arg0: i32) -> (i32, i32, i32) {
    %add3A = arith.constant 12 : i32
    %add3A_0 = arith.addi %add3A, %arg0 : i32
    %jit3A = arith.constant 4 : i32
    %div3A = arith.divsi %add3A_0, %jit3A : i32
    %sign3A = arith.constant 0 : i32
    %sign3A_1 = arith.cmpi sgt, %add3A_0, %sign3A : i32
    %sign3A_2 = arith.extui %sign3A_1 : i1 to i32
    %sign3A_3 = arith.constant 0 : i32
    %sign3A_4 = arith.cmpi slt, %add3A_0, %sign3A_3 : i32
    %sign3A_5 = arith.extui %sign3A_4 : i1 to i32
    %sign3A_6 = arith.subi %sign3A_2, %sign3A_5 : i32
    %sign3A_7 = arith.constant 0 : i32
    %sign3A_8 = arith.cmpi sgt, %jit3A, %sign3A_7 : i32
    %sign3A_9 = arith.extui %sign3A_8 : i1 to i32
    %sign3A_10 = arith.constant 0 : i32
    %sign3A_11 = arith.cmpi slt, %jit3A, %sign3A_10 : i32
    %sign3A_12 = arith.extui %sign3A_11 : i1 to i32
    %sign3A_13 = arith.subi %sign3A_9, %sign3A_12 : i32
    %ne3A = arith.cmpi ne, %sign3A_6, %sign3A_13 : i32
    %rem3A = arith.remsi %add3A_0, %jit3A : i32
    %ne3A_14 = arith.constant 0 : i32
    %ne3A_15 = arith.cmpi ne, %rem3A, %ne3A_14 : i32
    %and3A = arith.andi %ne3A, %ne3A_15 : i1
    %sub3A = arith.constant 1 : i32
    %sub3A_16 = arith.subi %div3A, %sub3A : i32
    %select_n3A = arith.select %and3A, %sub3A_16, %div3A : i32
    %jit3A_17 = arith.constant 4 : i32
    %eq3A = arith.constant 0 : i32
    %eq3A_18 = arith.cmpi eq, %jit3A_17, %eq3A : i32
    %jit3A_19 = arith.constant 1 : i32
    %select_n3A_20 = arith.select %eq3A_18, %jit3A_19, %jit3A_17 : i32
    %rem3A_21 = arith.remsi %add3A_0, %select_n3A_20 : i32
    %ne3A_22 = arith.constant 0 : i32
    %ne3A_23 = arith.cmpi ne, %rem3A_21, %ne3A_22 : i32
    %lt3A = arith.constant 0 : i32
    %lt3A_24 = arith.cmpi slt, %rem3A_21, %lt3A : i32
    %lt3A_25 = arith.constant 0 : i32
    %lt3A_26 = arith.cmpi slt, %select_n3A_20, %lt3A_25 : i32
    %ne3A_27 = arith.xori %lt3A_24, %lt3A_26 : i1
    %and3A_28 = arith.andi %ne3A_27, %ne3A_23 : i1
    %add3A_29 = arith.addi %rem3A_21, %select_n3A_20 : i32
    %select_n3A_30 = arith.select %and3A_28, %add3A_29, %rem3A_21 : i32
    %c5_i32 = arith.constant 5 : i32
    %c0_i32 = arith.constant 0 : i32
    return %select_n3A, %select_n3A_30, %c5_i32 : i32, i32, i32
  }
  func.func @transform_6(%arg0: i32) -> (i32, i32, i32) {
    %add3A = arith.constant 12 : i32
    %add3A_0 = arith.addi %add3A, %arg0 : i32
    %jit3A = arith.constant 4 : i32
    %div3A = arith.divsi %add3A_0, %jit3A : i32
    %sign3A = arith.constant 0 : i32
    %sign3A_1 = arith.cmpi sgt, %add3A_0, %sign3A : i32
    %sign3A_2 = arith.extui %sign3A_1 : i1 to i32
    %sign3A_3 = arith.constant 0 : i32
    %sign3A_4 = arith.cmpi slt, %add3A_0, %sign3A_3 : i32
    %sign3A_5 = arith.extui %sign3A_4 : i1 to i32
    %sign3A_6 = arith.subi %sign3A_2, %sign3A_5 : i32
    %sign3A_7 = arith.constant 0 : i32
    %sign3A_8 = arith.cmpi sgt, %jit3A, %sign3A_7 : i32
    %sign3A_9 = arith.extui %sign3A_8 : i1 to i32
    %sign3A_10 = arith.constant 0 : i32
    %sign3A_11 = arith.cmpi slt, %jit3A, %sign3A_10 : i32
    %sign3A_12 = arith.extui %sign3A_11 : i1 to i32
    %sign3A_13 = arith.subi %sign3A_9, %sign3A_12 : i32
    %ne3A = arith.cmpi ne, %sign3A_6, %sign3A_13 : i32
    %rem3A = arith.remsi %add3A_0, %jit3A : i32
    %ne3A_14 = arith.constant 0 : i32
    %ne3A_15 = arith.cmpi ne, %rem3A, %ne3A_14 : i32
    %and3A = arith.andi %ne3A, %ne3A_15 : i1
    %sub3A = arith.constant 1 : i32
    %sub3A_16 = arith.subi %div3A, %sub3A : i32
    %select_n3A = arith.select %and3A, %sub3A_16, %div3A : i32
    %jit3A_17 = arith.constant 4 : i32
    %eq3A = arith.constant 0 : i32
    %eq3A_18 = arith.cmpi eq, %jit3A_17, %eq3A : i32
    %jit3A_19 = arith.constant 1 : i32
    %select_n3A_20 = arith.select %eq3A_18, %jit3A_19, %jit3A_17 : i32
    %rem3A_21 = arith.remsi %add3A_0, %select_n3A_20 : i32
    %ne3A_22 = arith.constant 0 : i32
    %ne3A_23 = arith.cmpi ne, %rem3A_21, %ne3A_22 : i32
    %lt3A = arith.constant 0 : i32
    %lt3A_24 = arith.cmpi slt, %rem3A_21, %lt3A : i32
    %lt3A_25 = arith.constant 0 : i32
    %lt3A_26 = arith.cmpi slt, %select_n3A_20, %lt3A_25 : i32
    %ne3A_27 = arith.xori %lt3A_24, %lt3A_26 : i1
    %and3A_28 = arith.andi %ne3A_27, %ne3A_23 : i1
    %add3A_29 = arith.addi %rem3A_21, %select_n3A_20 : i32
    %select_n3A_30 = arith.select %and3A_28, %add3A_29, %rem3A_21 : i32
    %c6_i32 = arith.constant 6 : i32
    %c0_i32 = arith.constant 0 : i32
    return %select_n3A, %select_n3A_30, %c6_i32 : i32, i32, i32
  }
  func.func @transform_7(%arg0: i32) -> (i32, i32, i32) {
    %add3A = arith.constant 12 : i32
    %add3A_0 = arith.addi %add3A, %arg0 : i32
    %jit3A = arith.constant 4 : i32
    %div3A = arith.divsi %add3A_0, %jit3A : i32
    %sign3A = arith.constant 0 : i32
    %sign3A_1 = arith.cmpi sgt, %add3A_0, %sign3A : i32
    %sign3A_2 = arith.extui %sign3A_1 : i1 to i32
    %sign3A_3 = arith.constant 0 : i32
    %sign3A_4 = arith.cmpi slt, %add3A_0, %sign3A_3 : i32
    %sign3A_5 = arith.extui %sign3A_4 : i1 to i32
    %sign3A_6 = arith.subi %sign3A_2, %sign3A_5 : i32
    %sign3A_7 = arith.constant 0 : i32
    %sign3A_8 = arith.cmpi sgt, %jit3A, %sign3A_7 : i32
    %sign3A_9 = arith.extui %sign3A_8 : i1 to i32
    %sign3A_10 = arith.constant 0 : i32
    %sign3A_11 = arith.cmpi slt, %jit3A, %sign3A_10 : i32
    %sign3A_12 = arith.extui %sign3A_11 : i1 to i32
    %sign3A_13 = arith.subi %sign3A_9, %sign3A_12 : i32
    %ne3A = arith.cmpi ne, %sign3A_6, %sign3A_13 : i32
    %rem3A = arith.remsi %add3A_0, %jit3A : i32
    %ne3A_14 = arith.constant 0 : i32
    %ne3A_15 = arith.cmpi ne, %rem3A, %ne3A_14 : i32
    %and3A = arith.andi %ne3A, %ne3A_15 : i1
    %sub3A = arith.constant 1 : i32
    %sub3A_16 = arith.subi %div3A, %sub3A : i32
    %select_n3A = arith.select %and3A, %sub3A_16, %div3A : i32
    %jit3A_17 = arith.constant 4 : i32
    %eq3A = arith.constant 0 : i32
    %eq3A_18 = arith.cmpi eq, %jit3A_17, %eq3A : i32
    %jit3A_19 = arith.constant 1 : i32
    %select_n3A_20 = arith.select %eq3A_18, %jit3A_19, %jit3A_17 : i32
    %rem3A_21 = arith.remsi %add3A_0, %select_n3A_20 : i32
    %ne3A_22 = arith.constant 0 : i32
    %ne3A_23 = arith.cmpi ne, %rem3A_21, %ne3A_22 : i32
    %lt3A = arith.constant 0 : i32
    %lt3A_24 = arith.cmpi slt, %rem3A_21, %lt3A : i32
    %lt3A_25 = arith.constant 0 : i32
    %lt3A_26 = arith.cmpi slt, %select_n3A_20, %lt3A_25 : i32
    %ne3A_27 = arith.xori %lt3A_24, %lt3A_26 : i1
    %and3A_28 = arith.andi %ne3A_27, %ne3A_23 : i1
    %add3A_29 = arith.addi %rem3A_21, %select_n3A_20 : i32
    %select_n3A_30 = arith.select %and3A_28, %add3A_29, %rem3A_21 : i32
    %c7_i32 = arith.constant 7 : i32
    %c0_i32 = arith.constant 0 : i32
    return %select_n3A, %select_n3A_30, %c7_i32 : i32, i32, i32
  }
  func.func @transform_8(%arg0: i32) -> (i32, i32) {
    %c0_i32 = arith.constant 0 : i32
    %c0_i32_0 = arith.constant 0 : i32
    %c0_i32_1 = arith.constant 0 : i32
    return %c0_i32, %c0_i32_0 : i32, i32
  }
  func.func @transform_9(%arg0: i32) -> (i32, i32) {
    %c0_i32 = arith.constant 0 : i32
    %c0_i32_0 = arith.constant 0 : i32
    %c0_i32_1 = arith.constant 0 : i32
    return %c0_i32, %c0_i32_0 : i32, i32
  }
  func.func @transform_10(%arg0: i32) -> (i32, i32) {
    %c0_i32 = arith.constant 0 : i32
    %c0_i32_0 = arith.constant 0 : i32
    %c0_i32_1 = arith.constant 0 : i32
    return %c0_i32, %c0_i32_0 : i32, i32
  }
  func.func @transform_11(%arg0: i32) -> i32 {
    %c0_i32 = arith.constant 0 : i32
    %c0_i32_0 = arith.constant 0 : i32
    return %c0_i32 : i32
  }
  func.func @transform_12(%arg0: i32) -> i32 {
    %c0_i32 = arith.constant 0 : i32
    return %arg0 : i32
  }
  func.func @transform_13(%arg0: i32) -> (i32, i32) {
    %c0_i32 = arith.constant 0 : i32
    %c0_i32_0 = arith.constant 0 : i32
    %c0_i32_1 = arith.constant 0 : i32
    return %c0_i32, %c0_i32_0 : i32, i32
  }
}

</mosaic_0001>

<sc_bundles>
// kernel: kernel.11.cloned.1.call-start
scs
__scs_entry_jumppad:
0x0: {  	(pc) =	sbr.rel $0x88, $3  }
0x1: {  	(tag) =	ssettag $0x0;
	lr =	simm.s32 $0x1  }
0x2: {  	[smem:$0x3F9B] =	sst lr;
	_ =	strace $0xD0000000  }
0x3: {  	_ = 	snop  }
0x4: {  	_ = 	snop  }
0x5: {  	_ = 	snop  }
0x6: {  	_ = 	snop  }
0x7: {  	_ = 	snop  }
__scs_overlays_trampoline_lowered:
0x8: {  	[smem:$0x3FAA] =	sst s0  }
0x9: {  	[smem:$0x3FAB] =	sst s1  }
0xa: {  	[smem:$0x3FAC] =	sst s2  }
0xb: {  	[smem:$0x3FAD] =	sst s3  }
0xc: {  	[smem:$0x3FAE] =	sst s4  }
0xd: {  	[smem:$0x3FAF] =	sst s5  }
0xe: {  	[smem:$0x3FB0] =	sst s6  }
0xf: {  	[smem:$0x3FB1] =	sst s7  }
0x10: {  	[smem:$0x3FB2] =	sst s8  }
0x11: {  	[smem:$0x3FB3] =	sst s9;
	s0 =	simm.s32 @!p0 $0x0  }
0x12: {  	s1 =	sld [smem:$0x3F99];
	s0 =	simm.s32 @p0 $0x1  }
0x13: {  	[smem:$0x3FB4] =	sst s0;
	s0 =	simm.s32 @!p1 $0x0  }
0x14: {  	s2 =	sld [smem:$0x3F98];
	s0 =	simm.s32 @p1 $0x1  }
0x15: {  	[smem:$0x3FB5] =	sst s0;
	s0 =	simm.s32 @!p2 $0x0  }
0x16: {  	s3 =	sld [smem:$0x3FDB];
	s0 =	simm.s32 @p2 $0x1  }
0x17: {  	s4 =	simm.s32 $0x1BF5;
	[smem:$0x3FB7] =	sst s0  }
0x18: {  	s0 =	sld [smem:$0x3F9A];
	_ =	swait.ge [sflag:s4], $0x0  }
0x19: {  	s7 =	sld [smem:$0x3F9B]  }
0x1a: {  	s8 =	sadd.s32 $0xFFFFE003, lr  }
0x1b: {  	s9 =	sadd.s32 $0xFFFFFEF7, lr;
	s5 =	simm.s32 $0xFFFFFFFF;
	p2 =	slt.u32 s8, $0xFFFFF086  }
0x1c: {  	p1 =	slt.u32 s9, $0xF7A;
	s5 =	simm.s32 @!p2 $0x0  }
0x1d: {  	s5 =	simm.s32 @p1 $0x1;
	p0 =	seq.s32 s7, s2  }
0x1e: {  	s7 =	smul.u32 @!p0 $0xF7A, s2;
	p2 =	seq.s32 @!p0 s5, $0x0  }
0x1f: {  	s9 =	smul.u32 $0xF7A, s1;
	s8 =	simm.s32 @!p0 $0x1BF5;
	p2 =	por !p2, p0  }
0x20: {  	[sflag:s8] =	ssyncset.s32 @!p0 $0xFFFFF086;
	s6 =	sadd.s32 @!p0 s3, s7;
	s7 =	simm.s32 @!p0 $0x108  }
0x21: {  	s3 =	sadd.s32 s3, s9;
	s6 =	sadd.s32 @!p0 $0x88, s6;
	s7 =	simm.s32 @p2 $0x1082  }
0x22: {  	[simem:s7], [sflag:s8] =	dma.local @!p0 [hbm:s6], $0xF7A  }
0x23: {  	s9 =	sor.u32 $0xD0000000, s2;
	s6 =	simm.s32 $0x108;
	_ =	swait.ge @!p0 [sflag:s8], $0x0  }
0x24: {  	s3 =	sadd.s32 $0x88, s3;
	s6 =	simm.s32 @!p1 $0x1082;
	[sflag:s4] =	ssyncset.s32 $0xFFFFF086  }
0x25: {  	[simem:s6], [sflag:s4] =	dma.local [hbm:s3], $0xF7A  }
0x26: {  	[smem:$0x3F9B] =	sst s1;
	(tag) =	ssettag s2;
	_ =	strace s9  }
0x27: {  	s1 =	sld [smem:$0x3FAB]  }
0x28: {  	s2 =	sld [smem:$0x3FAC]  }
0x29: {  	s4 =	sld [smem:$0x3FAE]  }
0x2a: {  	p0 =	seq.s32 s5, $0x0;
	s5 =	sld [smem:$0x3FAF]  }
0x2b: {  	s6 =	sld [smem:$0x3FB0]  }
0x2c: {  	s7 =	sld [smem:$0x3FB1]  }
0x2d: {  	s3 =	simm.s32 $0x108;
	s8 =	sld [smem:$0x3FB2]  }
0x2e: {  	s3 =	simm.s32 @!p0 $0x1082;
	s9 =	sld [smem:$0x3FB3]  }
0x2f: {  	lr =	sadd.s32 s0, s3;
	s0 =	sld [smem:$0x3FAA]  }
0x30: {  	s3 =	sld [smem:$0x3FAD]  }
0x31: {  	[smem:$0x3FB6] =	sst s10  }
0x32: {  	s10 =	sld [smem:$0x3FB4];
	_ =	sdelay $0x3  }
0x33: {  	p0 =	seq.s32 s10, $0x1;
	s10 =	sld [smem:$0x3FB6];
	_ =	sdelay $0x3  }
0x34: {  	[smem:$0x3FB6] =	sst s10  }
0x35: {  	s10 =	sld [smem:$0x3FB5];
	_ =	sdelay $0x3  }
0x36: {  	p1 =	seq.s32 s10, $0x1;
	s10 =	sld [smem:$0x3FB6];
	_ =	sdelay $0x3  }
0x37: {  	[smem:$0x3FB6] =	sst s10  }
0x38: {  	s10 =	sld [smem:$0x3FB7]  }
0x39: {  	_ = 	snop;
	(pc) =	sbr.ind lr, $3  }
0x3a: {  	_ = 	snop  }
0x3b: {  	_ = 	snop  }
0x3c: {  	p2 =	seq.s32 s10, $0x1;
	s10 =	sld [smem:$0x3FB6]  }
0x3d: {  	_ =	shalt  }
0x3e: {  	_ =	shalt  }
0x3f: {  	_ =	shalt  }
0x40: {  	_ =	shalt  }
0x41: {  	_ =	shalt  }
0x42: {  	_ =	shalt  }
0x43: {  	_ =	shalt  }
0x44: {  	_ =	shalt  }
0x45: {  	_ =	shalt  }
0x46: {  	_ =	shalt  }
0x47: {  	_ =	shalt  }
0x48: {  	_ =	shalt  }
0x49: {  	_ =	shalt  }
0x4a: {  	_ =	shalt  }
0x4b: {  	_ =	shalt  }
0x4c: {  	_ =	shalt  }
0x4d: {  	_ =	shalt  }
0x4e: {  	_ =	shalt  }
0x4f: {  	_ =	shalt  }
0x50: {  	_ =	shalt  }
0x51: {  	_ =	shalt  }
0x52: {  	_ =	shalt  }
0x53: {  	_ =	shalt  }
0x54: {  	_ =	shalt  }
0x55: {  	_ =	shalt  }
0x56: {  	_ =	shalt  }
0x57: {  	_ =	shalt  }
0x58: {  	_ =	shalt  }
0x59: {  	_ =	shalt  }
0x5a: {  	_ =	shalt  }
0x5b: {  	_ =	shalt  }
0x5c: {  	_ =	shalt  }
0x5d: {  	_ =	shalt  }
0x5e: {  	_ =	shalt  }
0x5f: {  	_ =	shalt  }
0x60: {  	_ =	shalt  }
0x61: {  	_ =	shalt  }
0x62: {  	_ =	shalt  }
0x63: {  	_ =	shalt  }
0x64: {  	_ =	shalt  }
0x65: {  	_ =	shalt  }
0x66: {  	_ =	shalt  }
0x67: {  	_ =	shalt  }
0x68: {  	_ =	shalt  }
0x69: {  	_ =	shalt  }
0x6a: {  	_ =	shalt  }
0x6b: {  	_ =	shalt  }
0x6c: {  	_ =	shalt  }
0x6d: {  	_ =	shalt  }
0x6e: {  	_ =	shalt  }
0x6f: {  	_ =	shalt  }
0x70: {  	_ =	shalt  }
0x71: {  	_ =	shalt  }
0x72: {  	_ =	shalt  }
0x73: {  	_ =	shalt  }
0x74: {  	_ =	shalt  }
0x75: {  	_ =	shalt  }
0x76: {  	_ =	shalt  }
0x77: {  	_ =	shalt  }
0x78: {  	_ =	shalt  }
0x79: {  	_ =	shalt  }
0x7a: {  	_ =	shalt  }
0x7b: {  	_ =	shalt  }
0x7c: {  	_ =	shalt  }
0x7d: {  	_ =	shalt  }
0x7e: {  	_ =	shalt  }
0x7f: {  	_ =	shalt  }
0x80: {  	_ =	shalt  }
0x81: {  	_ =	shalt  }
0x82: {  	_ =	shalt  }
0x83: {  	_ =	shalt  }
0x84: {  	_ =	shalt  }
0x85: {  	_ =	shalt  }
0x86: {  	_ =	shalt  }
0x87: {  	_ =	shalt  }
.Lfunc_end0:
.L_simem_size_0:
called_computation_lowered:
.L_overlay_start_0:
0x88: {  	s2 =	sld [smem:$0x3FD9]  }
0x89: {  	s3 =	sld [smem:$0x3FFE];
	_ =	sdelay $0x1  }
0x8a: {  	s1 =	srdreg.scid  }
0x8b: {  	s0 =	sand.u32 $0x1, s1  }
0x8c: {  	s14 =	sshll.u32 s0, $0xA;
	s2 =	sadd.s32 s3, s2  }
0x8d: {  	s2 =	sadd.s32 s2, s14  }
0x8e: {  	[smem:$0x3FC2] =	sst s2  }
0x8f: {  	_ = 	snop  }
0x90: {  	s2 =	sld [smem:$0x3FD0];
	_ =	sdelay $0x2  }
0x91: {  	s15 =	simm.s32 $0xA;
	s4 =	simm.s32 $0x10  }
0x92: {  	[smem:s4], [sflag:s15] =	dma.local [hbm:s2], $0x1  }
0x93: {  	_ =	swait.eq [sflag:s15], $0x1  }
0x94: {  	[sflag:s15] =	ssyncset.done $0x0  }
0x95: {  	[sflag:s15] =	ssyncadd.s32 $0xFFFFFFFF  }
0x96: {  	s16 =	sld [smem:$0x10];
	(tm) =	ssettm $0x1  }
0x97: {  	s17 =	sld [smem:$0x3FFB];
	_ =	sdelay $0x3  }
0x98: {  	_ =	strace s17  }
0x99: {  	s3 =	sld [smem:$0x3FFC];
	_ =	sdelay $0x3  }
0x9a: {  	_ =	strace s3  }
0x9b: {  	s3 =	sld [smem:$0x3FFD];
	_ =	sdelay $0x3  }
0x9c: {  	_ =	strace s3  }
0x9d: {  	_ =	strace $0x8FFFFFFF  }
0x9e: {  	s18 =	sld [smem:$0x3FDB];
	_ =	sdelay $0x1  }
0x9f: {  	s19 =	simm.s32 $_scs_section_size  }
0xa0: {  	s5 =	simm.s32 $_size__tile_overlayer_lowered;
	s6 =	simm.s32 $_tile_overlayer_lowered  }
0xa1: {  	s22 =	simm.s32 $0x1BFF;
	s21 =	sshll.u32 s6, $0x1;
	s3 =	sadd.s32 s19, s18  }
0xa2: {  	s7 =	simm.s32 $0x0;
	s20 =	sshll.u32 s5, $0x1;
	s5 =	sadd.s32 s21, s3  }
0xa3: {  	[timem:s7], [sflag:s22] =	dma.local [hbm:s5], s20  }
0xa4: {  	_ =	swait.ge [sflag:s22], s20  }
0xa5: {  	s4 =	ssub.s32 $0x0, s20;
	[sflag:s22] =	ssyncset.done $0x0  }
0xa6: {  	[sflag:s22] =	ssyncadd.s32 s4;
	_ =	sdelay $0x1  }
0xa7: {  	s23 =	simm.s32 $0x1B8B  }
0xa8: {  	_ =	swait.ge [sflag:s23], $0x1  }
0xa9: {  	[sflag:s23] =	ssyncset.done $0x0  }
0xaa: {  	s25 =	simm.s32 $0x1B8E;
	s24 =	sld [smem:$0x3FFE];
	[sflag:s23] =	ssyncadd.s32 $0xFFFFFFFF  }
0xab: {  	s26 =	simm.s32 $execute0_lowered;
	[smem:$0x3FD2] =	sst s25  }
0xac: {  	s5 =	sshll.u32 s26, $0x1;
	_ =	strace $0x80000046;
	[dreg:$0x1] =	wrdreg $0xFFFFFFFF  }
0xad: {  	s28 =	simm.s32 $_size_execute0_lowered;
	s3 =	sadd.s32 s3, s5;
	[dreg:$0x0] =	wrdreg $0x0  }
0xae: {  	s5 =	sshll.u32 s28, $0x1;
	[dreg:$0x2] =	wrdreg s3  }
0xaf: {  	[dreg:$0x3] =	wrdreg s5  }
0xb0: {  	[dreg:$0x4] =	wrdreg $0xC0  }
0xb1: {  	_ =	task [dreg:s7], $0x5FFFF  }
0xb2: {  	[dreg:$0x1] =	wrdreg $0xFFFFFFFF  }
0xb3: {  	[dreg:$0x0] =	wrdreg $0x60  }
0xb4: {  	[dreg:$0x2] =	wrdreg s24  }
0xb5: {  	[dreg:$0x3] =	wrdreg s16  }
0xb6: {  	[dreg:$0x4] =	wrdreg $0x9  }
0xb7: {  	_ =	task.clear_ibuf [dreg:s7], $0x5FFFF;
	_ =	strace $0x90000046  }
0xb8: {  	s29 =	simm.s32 $0x9;
	_ =	strace $0x80000048  }
0xb9: {  	_ =	swait.ge [sflag:s29], $0x1  }
0xba: {  	[sflag:s29] =	ssyncadd.s32 $0xFFFFFFFF  }
0xbb: {  	_ =	strace $0x90000048  }
0xbc: {  	_ =	sfence  }
0xbd: {  	s30 =	sld [smem:$0x0];
	_ =	sdelay $0x2  }
0xbe: {  	s31 =	sshll.u32 s1, $0xD;
	s1 =	sshrl.u32 s1, $0x2  }
0xbf: {  	s3 =	sand.u32 $0x4000, s31;
	s1 =	sadd.s32 s1, s30  }
0xc0: {  	s0 =	sor.u32 s3, s0;
	s1 =	sshll.u32 s1, $0x11  }
0xc1: {  	s0 =	sor.u32 s1, s0  }
0xc2: {  	s0 =	sadd.s32 $0x8F2B, s0  }
0xc3: {  	[sflag:s0] =	ssyncadd.remote.s32 $0x1  }
0xc4: {  	_ =	sfence.sel $0xFFFF  }
0xc5: {  	[dreg:$0x0] =	wrdreg $0xFFFFFFFF;
	(pc) =	sbr.abs _section_cstart, $3  }
0xc6: {  	[dreg:$0x1] =	wrdreg $0xFFFFFFFF  }
0xc7: {  	_ =	task.clear_ibuf [dreg:s7], $0x2FFFF;
	_ =	strace $0x9FFFFFFF  }
0xc8: {  	(tm) =	ssettm $0x7FFFFFFF  }
0xc9: {  	_ =	shalt  }
tec
execute0_lowered:
.L_overlay_start_1:
0x0: {  	(tag) =	ssettag $0x1  }
0x1: {  	s0 =	rddreg [dreg:$0x0]  }
0x2: {  	s24 =	rddreg [dreg:$0x1];
	s2 =	simm.s32 $0x0;
	s1 =	srdreg.scid  }
0x3: {  	s5 =	stileid.u32;
	s11 =	simm.s32 $0x2;
	s12 =	simm.s32 $0x80  }
0x4: {  	s28 =	simm.s32 $0x7880;
	s29 =	simm.s32 $0x8080;
	s30 =	simm.s32 $0x8880  }
0x5: {  	s31 =	simm.s32 $0x9080;
	s10 =	simm.s32 $0xA880;
	s13 =	simm.s32 $0xB880  }
0x6: {  	s14 =	simm.s32 $0xC080;
	s15 =	simm.s32 $0xC880;
	s16 =	simm.s32 $0xD080  }
0x7: {  	s17 =	simm.s32 $0xD880;
	s18 =	simm.s32 $0xE080;
	s19 =	simm.s32 $0xE880  }
0x8: {  	s20 =	simm.s32 $0xF080;
	s21 =	simm.s32 $0xF880;
	s22 =	simm.s32 $0x1  }
0x9: {  	s25 =	simm.s32 $0x0;
	[smem:$0x7FF] =	sst s2;
	s1 =	sand.u32 $0x1, s1  }
0xa: {  	s4 =	sadd.s32 $0x2C00, s0;
	s7 =	sshll.u32 s5, $0x8;
	s5 =	sadd.s32 $0x42E00, s0  }
0xb: {  	s8 =	sadd.s32 $0x2E00, s0;
	s9 =	sadd.s32 $0x2F00, s0;
	s3 =	ssub.s32 $0x2, s1  }
0xc: {  	_ =	strace $0x80000047;
	s1 =	sshll.u32 s1, $0x7;
	s6 =	sshrl.u32 s3, $0x1  }
0xd: {  	v2 =	vlaneseq.u32;
	s3 =	ssub.s32 s3, s6;
	s6 =	sor.u32 s1, s7;
	s7 =	sadd.s32 $0x2D00, s0  }
0xe: {  	vm0 =	vmmov $0xffff;
	v1 =	vshrl.u32 v2, $0x3;
	s0 =	simm.s32 $0x9880;
	s1 =	simm.s32 $0xB080;
	s26 =	smax.u32 s3, $0x1  }
0xf: {  	v0 =	vand.u32 $0x7, v2;
	v2 =	vor.u32 $0x8, v2;
	v1 =	vmul.u32 $0x8, v1;
	s3 =	simm.s32 $0xA080;
	[dreg:$0x3] =	wrdreg s26;
	s26 =	simm.s32 $0x7080  }
.LBB2_1:
0x10: {  	[dreg:$0x4] =	wrdreg s25;
	p0 =	por $0x1, $0x1;
	s23 =	simm.s32 $0x0  }
.LBB2_2:
0x11: {  	s23 =	sor.u32 s6, s23  }
0x12: {  	s25 =	smov.u32 s24;
	s24 =	sshrl.u32 s23, $0x3  }
0x13: {  	s24 =	sadd.s32 s5, s24  }
0x14: {  	[tilespmem:s2], [sflag:$0x2] =	stream.linear.gather [hbm4b:s24+s2], $0x40, $0x38;
	[tilespmem:$0x10080] =	vst v63  }
0x15: {  	_ =	swait.ge [sflag:s11], $0x40  }
0x16: {  	[sflag:s11] =	ssyncset.done $0x0  }
0x17: {  	[sflag:s11] =	ssyncadd.s32 $0xFFFFFFC0  }
0x18: {  	v3 =	vld [tilespmem:$0x0];
	_ =	sdelay $0x4  }
0x19: {  	v4 =	vshll.u32 v3, $0x3  }
0x1a: {  	v3 =	vand.u32 $0x7, v3;
	v4 =	vand.u32 $0xFFFFFFC0, v4  }
0x1b: {  	v3 =	vor.u32 v3, v4  }
0x1c: {  	v4 =	vperm.xlane v3, v0;
	_ =	sdelay $0x1  }
0x1d: {  	v4 =	vadd.s32 v1, v4;
	_ =	sdelay $0x4  }
0x1e: {  	[tilespmem:s12], [sflag:$0x1] =	stream.indirect_vreg.gather [hbm4b:s4+s2], $0x80, v4, vm0, $0xb8;
	[tilespmem:$0x10080] =	vst v63  }
0x1f: {  	s24 =	smov.u32 s25;
	s25 =	simm.s32 $0x880;
	v3 =	vperm.xlane v3, v2  }
0x20: {  	[tilespmem:s25], [sflag:$0x1] =	stream.indirect_vreg.gather [hbm4b:s7+s2], $0x80, v4, vm0, $0xb8;
	[tilespmem:$0x10080] =	vst v63  }
0x21: {  	v3 =	vadd.s32 v1, v3;
	s25 =	simm.s32 $0x1080  }
0x22: {  	[tilespmem:s25], [sflag:$0x1] =	stream.indirect_vreg.gather [hbm4b:s8+s2], $0x80, v4, vm0, $0xb8;
	[tilespmem:$0x10080] =	vst v63  }
0x23: {  	s25 =	simm.s32 $0x1880  }
0x24: {  	[tilespmem:s25], [sflag:$0x1] =	stream.indirect_vreg.gather [hbm4b:s9+s2], $0x80, v4, vm0, $0xb8;
	[tilespmem:$0x10080] =	vst v63  }
0x25: {  	s25 =	simm.s32 $0x2080  }
0x26: {  	[tilespmem:s25], [sflag:$0x1] =	stream.indirect_vreg.gather [hbm4b:s4+s2], $0x80, v3, vm0, $0xb8;
	[tilespmem:$0x10080] =	vst v63  }
0x27: {  	s25 =	simm.s32 $0x2880  }
0x28: {  	[tilespmem:s25], [sflag:$0x1] =	stream.indirect_vreg.gather [hbm4b:s7+s2], $0x80, v3, vm0, $0xb8;
	[tilespmem:$0x10080] =	vst v63  }
0x29: {  	s25 =	simm.s32 $0x3080  }
0x2a: {  	[tilespmem:s25], [sflag:$0x1] =	stream.indirect_vreg.gather [hbm4b:s8+s2], $0x80, v3, vm0, $0xb8;
	[tilespmem:$0x10080] =	vst v63  }
0x2b: {  	s25 =	simm.s32 $0x3880  }
0x2c: {  	[tilespmem:s25], [sflag:$0x1] =	stream.indirect_vreg.gather [hbm4b:s9+s2], $0x80, v3, vm0, $0xb8;
	[tilespmem:$0x10080] =	vst v63  }
0x2d: {  	v3 =	vld [tilespmem:$0x10];
	_ =	sdelay $0x4  }
0x2e: {  	v61 =	vshll.u32 v3, $0x3  }
0x2f: {  	v3 =	vand.u32 $0x7, v3;
	v4 =	vand.u32 $0xFFFFFFC0, v61  }
0x30: {  	v3 =	vor.u32 v3, v4  }
0x31: {  	v4 =	vperm.xlane v3, v0;
	_ =	sdelay $0x1  }
0x32: {  	v4 =	vadd.s32 v1, v4;
	_ =	sdelay $0x3  }
0x33: {  	s25 =	simm.s32 $0x4080  }
0x34: {  	[tilespmem:s25], [sflag:$0x1] =	stream.indirect_vreg.gather [hbm4b:s4+s2], $0x80, v4, vm0, $0xb8;
	[tilespmem:$0x10080] =	vst v63  }
0x35: {  	v3 =	vperm.xlane v3, v2;
	s25 =	simm.s32 $0x4880  }
0x36: {  	[tilespmem:s25], [sflag:$0x1] =	stream.indirect_vreg.gather [hbm4b:s7+s2], $0x80, v4, vm0, $0xb8;
	[tilespmem:$0x10080] =	vst v63  }
0x37: {  	v3 =	vadd.s32 v1, v3;
	s25 =	simm.s32 $0x5080  }
0x38: {  	[tilespmem:s25], [sflag:$0x1] =	stream.indirect_vreg.gather [hbm4b:s8+s2], $0x80, v4, vm0, $0xb8;
	[tilespmem:$0x10080] =	vst v63  }
0x39: {  	s25 =	simm.s32 $0x5880  }
0x3a: {  	[tilespmem:s25], [sflag:$0x1] =	stream.indirect_vreg.gather [hbm4b:s9+s2], $0x80, v4, vm0, $0xb8;
	[tilespmem:$0x10080] =	vst v63  }
0x3b: {  	s25 =	simm.s32 $0x6080  }
0x3c: {  	[tilespmem:s25], [sflag:$0x1] =	stream.indirect_vreg.gather [hbm4b:s4+s2], $0x80, v3, vm0, $0xb8;
	[tilespmem:$0x10080] =	vst v63  }
0x3d: {  	s25 =	simm.s32 $0x6880  }
0x3e: {  	[tilespmem:s25], [sflag:$0x1] =	stream.indirect_vreg.gather [hbm4b:s7+s2], $0x80, v3, vm0, $0xb8;
	[tilespmem:$0x10080] =	vst v63  }
0x3f: {  	_ = 	snop  }
0x40: {  	[tilespmem:s26], [sflag:$0x1] =	stream.indirect_vreg.gather [hbm4b:s8+s2], $0x80, v3, vm0, $0xb8;
	[tilespmem:$0x10080] =	vst v63  }
0x41: {  	_ = 	snop  }
0x42: {  	[tilespmem:s28], [sflag:$0x1] =	stream.indirect_vreg.gather [hbm4b:s9+s2], $0x80, v3, vm0, $0xb8;
	[tilespmem:$0x10080] =	vst v63  }
0x43: {  	v3 =	vld [tilespmem:$0x20];
	_ =	sdelay $0x4  }
0x44: {  	v62 =	vshll.u32 v3, $0x3  }
0x45: {  	v3 =	vand.u32 $0x7, v3;
	v4 =	vand.u32 $0xFFFFFFC0, v62  }
0x46: {  	v3 =	vor.u32 v3, v4  }
0x47: {  	v4 =	vperm.xlane v3, v0;
	_ =	sdelay $0x1  }
0x48: {  	v4 =	vadd.s32 v1, v4;
	_ =	sdelay $0x4  }
0x49: {  	[tilespmem:s29], [sflag:$0x1] =	stream.indirect_vreg.gather [hbm4b:s4+s2], $0x80, v4, vm0, $0xb8;
	[tilespmem:$0x10080] =	vst v63  }
0x4a: {  	v3 =	vperm.xlane v3, v2  }
0x4b: {  	[tilespmem:s30], [sflag:$0x1] =	stream.indirect_vreg.gather [hbm4b:s7+s2], $0x80, v4, vm0, $0xb8;
	[tilespmem:$0x10080] =	vst v63  }
0x4c: {  	v3 =	vadd.s32 v1, v3  }
0x4d: {  	[tilespmem:s31], [sflag:$0x1] =	stream.indirect_vreg.gather [hbm4b:s8+s2], $0x80, v4, vm0, $0xb8;
	[tilespmem:$0x10080] =	vst v63  }
0x4e: {  	_ = 	snop  }
0x4f: {  	[tilespmem:s0], [sflag:$0x1] =	stream.indirect_vreg.gather [hbm4b:s9+s2], $0x80, v4, vm0, $0xb8;
	[tilespmem:$0x10080] =	vst v63  }
0x50: {  	_ = 	snop  }
0x51: {  	[tilespmem:s3], [sflag:$0x1] =	stream.indirect_vreg.gather [hbm4b:s4+s2], $0x80, v3, vm0, $0xb8;
	[tilespmem:$0x10080] =	vst v63  }
0x52: {  	_ = 	snop  }
0x53: {  	[tilespmem:s10], [sflag:$0x1] =	stream.indirect_vreg.gather [hbm4b:s7+s2], $0x80, v3, vm0, $0xb8;
	[tilespmem:$0x10080] =	vst v63  }
0x54: {  	_ = 	snop  }
0x55: {  	[tilespmem:s1], [sflag:$0x1] =	stream.indirect_vreg.gather [hbm4b:s8+s2], $0x80, v3, vm0, $0xb8;
	[tilespmem:$0x10080] =	vst v63  }
0x56: {  	_ = 	snop  }
0x57: {  	[tilespmem:s13], [sflag:$0x1] =	stream.indirect_vreg.gather [hbm4b:s9+s2], $0x80, v3, vm0, $0xb8;
	[tilespmem:$0x10080] =	vst v63  }
0x58: {  	v3 =	vld [tilespmem:$0x30];
	_ =	sdelay $0x4  }
0x59: {  	v63 =	vshll.u32 v3, $0x3  }
0x5a: {  	v3 =	vand.u32 $0x7, v3;
	v4 =	vand.u32 $0xFFFFFFC0, v63  }
0x5b: {  	v3 =	vor.u32 v3, v4  }
0x5c: {  	v4 =	vperm.xlane v3, v0;
	_ =	sdelay $0x1  }
0x5d: {  	v4 =	vadd.s32 v1, v4;
	_ =	sdelay $0x4  }
0x5e: {  	[tilespmem:s14], [sflag:$0x1] =	stream.indirect_vreg.gather [hbm4b:s4+s2], $0x80, v4, vm0, $0xb8;
	[tilespmem:$0x10080] =	vst v63  }
0x5f: {  	v3 =	vperm.xlane v3, v2  }
0x60: {  	[tilespmem:s15], [sflag:$0x1] =	stream.indirect_vreg.gather [hbm4b:s7+s2], $0x80, v4, vm0, $0xb8;
	[tilespmem:$0x10080] =	vst v63  }
0x61: {  	v3 =	vadd.s32 v1, v3  }
0x62: {  	[tilespmem:s16], [sflag:$0x1] =	stream.indirect_vreg.gather [hbm4b:s8+s2], $0x80, v4, vm0, $0xb8;
	[tilespmem:$0x10080] =	vst v63  }
0x63: {  	_ = 	snop  }
0x64: {  	[tilespmem:s17], [sflag:$0x1] =	stream.indirect_vreg.gather [hbm4b:s9+s2], $0x80, v4, vm0, $0xb8;
	[tilespmem:$0x10080] =	vst v63  }
0x65: {  	_ = 	snop  }
0x66: {  	[tilespmem:s18], [sflag:$0x1] =	stream.indirect_vreg.gather [hbm4b:s4+s2], $0x80, v3, vm0, $0xb8;
	[tilespmem:$0x10080] =	vst v63  }
0x67: {  	_ = 	snop  }
0x68: {  	[tilespmem:s19], [sflag:$0x1] =	stream.indirect_vreg.gather [hbm4b:s7+s2], $0x80, v3, vm0, $0xb8;
	[tilespmem:$0x10080] =	vst v63  }
0x69: {  	_ = 	snop  }
0x6a: {  	[tilespmem:s20], [sflag:$0x1] =	stream.indirect_vreg.gather [hbm4b:s8+s2], $0x80, v3, vm0, $0xb8;
	[tilespmem:$0x10080] =	vst v63  }
0x6b: {  	_ = 	snop  }
0x6c: {  	[tilespmem:s21], [sflag:$0x1] =	stream.indirect_vreg.gather [hbm4b:s9+s2], $0x80, v3, vm0, $0xb8;
	[tilespmem:$0x10080] =	vst v63  }
0x6d: {  	_ =	swait.ge [sflag:s22], $0x10000  }
0x6e: {  	p1 =	por p0, p0;
	s23 =	sshll.u32 s23, $0x7;
	[sflag:s22] =	ssyncset.done $0x0  }
.Ltmp0:
0x6f: {  	s23 =	sadd.s32 s24, s23;
	[sflag:s22] =	ssyncadd.s32 $0xFFFF0000;
	(pc) =	sbr.rel @p1 .LBB2_2-.Ltmp0, $4  }
0x70: {  	[hbm4b:s23+s2] =	stream.linear.scatter [tilespmem:s12], [sflag:$0x2], $0x10000, $0x38;
	[tilespmem:$0x10080] =	vst v63  }
0x71: {  	_ =	swait.ge [sflag:s11], $0x10000  }
0x72: {  	[sflag:s11] =	ssyncset.done $0x0  }
0x73: {  	p0 =	por $0x0, $0x0;
	s23 =	simm.s32 $0x40;
	[sflag:s11] =	ssyncadd.s32 $0xFFFF0000  }
0x74: {  	s25 =	rddreg [dreg:$0x4]  }
0x75: {  	s23 =	rddreg [dreg:$0x3];
	s25 =	sadd.s32 $0x1, s25  }
0x76: {  	p0 =	sne.s32 s25, s23  }
.Ltmp1:
0x77: {  	_ = 	snop;
	(pc) =	sbr.rel @p0 .LBB2_1-.Ltmp1, $1  }
0x78: {  	_ =	sdelay $0x3  }
0x79: {  	_ =	sfence.sel $0x180000  }
0x7a: {  	[bflag:$0x0] =	sbarrier.arrive $0xFFFF  }
0x7b: {  	_ =	strace $0x90000047  }
0x7c: {  	s0 =	stileid.u32;
	[bflag:$0x2] =	sbarrier.arrive $0xFFFF  }
0x7d: {  	p0 =	sne.s32 s0, $0x0;
	s0 =	rddreg [dreg:$0x2]  }
0x7e: {  	s0 =	sadd.s32 @!p0 $0x100000, s0  }
0x7f: {  	[sflag:s0] =	ssyncadd.tile.s32 @!p0 $0x1;
	_ =	shalt  }
.Lfunc_end2:
_tile_overlayer_lowered:
.L_overlay_start_2:
0x80: {  	(tag) =	ssettag $0x2  }
0x81: {  	s0 =	rddreg [dreg:$0x0];
	s2 =	stileid.u32  }
0x82: {  	s1 =	rddreg [dreg:$0x1];
	p0 =	sne.s32 s2, $0x0  }
0x83: {  	s3 =	rddreg [dreg:$0x2];
	[bflag:$0x3] =	sbarrier.arrive $0xFFFF;
	s2 =	simm.s32 @!p0 $0x1C02  }
0x84: {  	[timem:s3], [sflag:s2] =	dma.local @!p0 [hbm:s0], s1  }
0x85: {  	s0 =	simm.s32 @!p0 $0x2  }
0x86: {  	_ =	swait.ge @!p0 [sflag:s0], s1  }
0x87: {  	s1 =	ssub.s32 @!p0 $0x0, s1;
	[sflag:s0] =	ssyncset.done @!p0 $0x0  }
0x88: {  	[sflag:s0] =	ssyncadd.s32 @!p0 s1  }
0x89: {  	[bflag:$0x3] =	sbarrier.arrive $0xFFFF  }
0x8a: {  	_ =	shalt  }

// kernel: kernel.14.cloned.1.call-start
scs
__scs_entry_jumppad:
0x0: {  	(pc) =	sbr.rel $0x88, $3  }
0x1: {  	(tag) =	ssettag $0x0;
	lr =	simm.s32 $0x1  }
0x2: {  	[smem:$0x3F9B] =	sst lr;
	_ =	strace $0xD0000000  }
0x3: {  	_ = 	snop  }
0x4: {  	_ = 	snop  }
0x5: {  	_ = 	snop  }
0x6: {  	_ = 	snop  }
0x7: {  	_ = 	snop  }
__scs_overlays_trampoline_lowered:
0x8: {  	[smem:$0x3FAA] =	sst s0  }
0x9: {  	[smem:$0x3FAB] =	sst s1  }
0xa: {  	[smem:$0x3FAC] =	sst s2  }
0xb: {  	[smem:$0x3FAD] =	sst s3  }
0xc: {  	[smem:$0x3FAE] =	sst s4  }
0xd: {  	[smem:$0x3FAF] =	sst s5  }
0xe: {  	[smem:$0x3FB0] =	sst s6  }
0xf: {  	[smem:$0x3FB1] =	sst s7  }
0x10: {  	[smem:$0x3FB2] =	sst s8  }
0x11: {  	[smem:$0x3FB3] =	sst s9;
	s0 =	simm.s32 @!p0 $0x0  }
0x12: {  	s1 =	sld [smem:$0x3F99];
	s0 =	simm.s32 @p0 $0x1  }
0x13: {  	[smem:$0x3FB4] =	sst s0;
	s0 =	simm.s32 @!p1 $0x0  }
0x14: {  	s2 =	sld [smem:$0x3F98];
	s0 =	simm.s32 @p1 $0x1  }
0x15: {  	[smem:$0x3FB5] =	sst s0;
	s0 =	simm.s32 @!p2 $0x0  }
0x16: {  	s3 =	sld [smem:$0x3FDB];
	s0 =	simm.s32 @p2 $0x1  }
0x17: {  	s4 =	simm.s32 $0x1BF5;
	[smem:$0x3FB7] =	sst s0  }
0x18: {  	s0 =	sld [smem:$0x3F9A];
	_ =	swait.ge [sflag:s4], $0x0  }
0x19: {  	s7 =	sld [smem:$0x3F9B]  }
0x1a: {  	s8 =	sadd.s32 $0xFFFFE003, lr  }
0x1b: {  	s9 =	sadd.s32 $0xFFFFFEF7, lr;
	s5 =	simm.s32 $0xFFFFFFFF;
	p2 =	slt.u32 s8, $0xFFFFF086  }
0x1c: {  	p1 =	slt.u32 s9, $0xF7A;
	s5 =	simm.s32 @!p2 $0x0  }
0x1d: {  	s5 =	simm.s32 @p1 $0x1;
	p0 =	seq.s32 s7, s2  }
0x1e: {  	s7 =	smul.u32 @!p0 $0xF7A, s2;
	p2 =	seq.s32 @!p0 s5, $0x0  }
0x1f: {  	s9 =	smul.u32 $0xF7A, s1;
	s8 =	simm.s32 @!p0 $0x1BF5;
	p2 =	por !p2, p0  }
0x20: {  	[sflag:s8] =	ssyncset.s32 @!p0 $0xFFFFF086;
	s6 =	sadd.s32 @!p0 s3, s7;
	s7 =	simm.s32 @!p0 $0x108  }
0x21: {  	s3 =	sadd.s32 s3, s9;
	s6 =	sadd.s32 @!p0 $0x88, s6;
	s7 =	simm.s32 @p2 $0x1082  }
0x22: {  	[simem:s7], [sflag:s8] =	dma.local @!p0 [hbm:s6], $0xF7A  }
0x23: {  	s9 =	sor.u32 $0xD0000000, s2;
	s6 =	simm.s32 $0x108;
	_ =	swait.ge @!p0 [sflag:s8], $0x0  }
0x24: {  	s3 =	sadd.s32 $0x88, s3;
	s6 =	simm.s32 @!p1 $0x1082;
	[sflag:s4] =	ssyncset.s32 $0xFFFFF086  }
0x25: {  	[simem:s6], [sflag:s4] =	dma.local [hbm:s3], $0xF7A  }
0x26: {  	[smem:$0x3F9B] =	sst s1;
	(tag) =	ssettag s2;
	_ =	strace s9  }
0x27: {  	s1 =	sld [smem:$0x3FAB]  }
0x28: {  	s2 =	sld [smem:$0x3FAC]  }
0x29: {  	s4 =	sld [smem:$0x3FAE]  }
0x2a: {  	p0 =	seq.s32 s5, $0x0;
	s5 =	sld [smem:$0x3FAF]  }
0x2b: {  	s6 =	sld [smem:$0x3FB0]  }
0x2c: {  	s7 =	sld [smem:$0x3FB1]  }
0x2d: {  	s3 =	simm.s32 $0x108;
	s8 =	sld [smem:$0x3FB2]  }
0x2e: {  	s3 =	simm.s32 @!p0 $0x1082;
	s9 =	sld [smem:$0x3FB3]  }
0x2f: {  	lr =	sadd.s32 s0, s3;
	s0 =	sld [smem:$0x3FAA]  }
0x30: {  	s3 =	sld [smem:$0x3FAD]  }
0x31: {  	[smem:$0x3FB6] =	sst s10  }
0x32: {  	s10 =	sld [smem:$0x3FB4];
	_ =	sdelay $0x3  }
0x33: {  	p0 =	seq.s32 s10, $0x1;
	s10 =	sld [smem:$0x3FB6];
	_ =	sdelay $0x3  }
0x34: {  	[smem:$0x3FB6] =	sst s10  }
0x35: {  	s10 =	sld [smem:$0x3FB5];
	_ =	sdelay $0x3  }
0x36: {  	p1 =	seq.s32 s10, $0x1;
	s10 =	sld [smem:$0x3FB6];
	_ =	sdelay $0x3  }
0x37: {  	[smem:$0x3FB6] =	sst s10  }
0x38: {  	s10 =	sld [smem:$0x3FB7]  }
0x39: {  	_ = 	snop;
	(pc) =	sbr.ind lr, $3  }
0x3a: {  	_ = 	snop  }
0x3b: {  	_ = 	snop  }
0x3c: {  	p2 =	seq.s32 s10, $0x1;
	s10 =	sld [smem:$0x3FB6]  }
0x3d: {  	_ =	shalt  }
0x3e: {  	_ =	shalt  }
0x3f: {  	_ =	shalt  }
0x40: {  	_ =	shalt  }
0x41: {  	_ =	shalt  }
0x42: {  	_ =	shalt  }
0x43: {  	_ =	shalt  }
0x44: {  	_ =	shalt  }
0x45: {  	_ =	shalt  }
0x46: {  	_ =	shalt  }
0x47: {  	_ =	shalt  }
0x48: {  	_ =	shalt  }
0x49: {  	_ =	shalt  }
0x4a: {  	_ =	shalt  }
0x4b: {  	_ =	shalt  }
0x4c: {  	_ =	shalt  }
0x4d: {  	_ =	shalt  }
0x4e: {  	_ =	shalt  }
0x4f: {  	_ =	shalt  }
0x50: {  	_ =	shalt  }
0x51: {  	_ =	shalt  }
0x52: {  	_ =	shalt  }
0x53: {  	_ =	shalt  }
0x54: {  	_ =	shalt  }
0x55: {  	_ =	shalt  }
0x56: {  	_ =	shalt  }
0x57: {  	_ =	shalt  }
0x58: {  	_ =	shalt  }
0x59: {  	_ =	shalt  }
0x5a: {  	_ =	shalt  }
0x5b: {  	_ =	shalt  }
0x5c: {  	_ =	shalt  }
0x5d: {  	_ =	shalt  }
0x5e: {  	_ =	shalt  }
0x5f: {  	_ =	shalt  }
0x60: {  	_ =	shalt  }
0x61: {  	_ =	shalt  }
0x62: {  	_ =	shalt  }
0x63: {  	_ =	shalt  }
0x64: {  	_ =	shalt  }
0x65: {  	_ =	shalt  }
0x66: {  	_ =	shalt  }
0x67: {  	_ =	shalt  }
0x68: {  	_ =	shalt  }
0x69: {  	_ =	shalt  }
0x6a: {  	_ =	shalt  }
0x6b: {  	_ =	shalt  }
0x6c: {  	_ =	shalt  }
0x6d: {  	_ =	shalt  }
0x6e: {  	_ =	shalt  }
0x6f: {  	_ =	shalt  }
0x70: {  	_ =	shalt  }
0x71: {  	_ =	shalt  }
0x72: {  	_ =	shalt  }
0x73: {  	_ =	shalt  }
0x74: {  	_ =	shalt  }
0x75: {  	_ =	shalt  }
0x76: {  	_ =	shalt  }
0x77: {  	_ =	shalt  }
0x78: {  	_ =	shalt  }
0x79: {  	_ =	shalt  }
0x7a: {  	_ =	shalt  }
0x7b: {  	_ =	shalt  }
0x7c: {  	_ =	shalt  }
0x7d: {  	_ =	shalt  }
0x7e: {  	_ =	shalt  }
0x7f: {  	_ =	shalt  }
0x80: {  	_ =	shalt  }
0x81: {  	_ =	shalt  }
0x82: {  	_ =	shalt  }
0x83: {  	_ =	shalt  }
0x84: {  	_ =	shalt  }
0x85: {  	_ =	shalt  }
0x86: {  	_ =	shalt  }
0x87: {  	_ =	shalt  }
.Lfunc_end0:
.L_simem_size_0:
called_computation.1_lowered:
.L_overlay_start_0:
0x88: {  	s2 =	sld [smem:$0x3FD9]  }
0x89: {  	s3 =	sld [smem:$0x3FFE];
	_ =	sdelay $0x1  }
0x8a: {  	s1 =	srdreg.scid  }
0x8b: {  	s0 =	sand.u32 $0x1, s1  }
0x8c: {  	s14 =	sshll.u32 s0, $0xA;
	s2 =	sadd.s32 s3, s2  }
0x8d: {  	s2 =	sadd.s32 s2, s14  }
0x8e: {  	[smem:$0x3FC2] =	sst s2  }
0x8f: {  	_ = 	snop  }
0x90: {  	s2 =	sld [smem:$0x3FD0];
	_ =	sdelay $0x2  }
0x91: {  	s15 =	simm.s32 $0xA;
	s4 =	simm.s32 $0x10  }
0x92: {  	[smem:s4], [sflag:s15] =	dma.local [hbm:s2], $0x1  }
0x93: {  	_ =	swait.eq [sflag:s15], $0x1  }
0x94: {  	[sflag:s15] =	ssyncset.done $0x0  }
0x95: {  	[sflag:s15] =	ssyncadd.s32 $0xFFFFFFFF  }
0x96: {  	s16 =	sld [smem:$0x10];
	(tm) =	ssettm $0x1  }
0x97: {  	s17 =	sld [smem:$0x3FFB];
	_ =	sdelay $0x3  }
0x98: {  	_ =	strace s17  }
0x99: {  	s3 =	sld [smem:$0x3FFC];
	_ =	sdelay $0x3  }
0x9a: {  	_ =	strace s3  }
0x9b: {  	s3 =	sld [smem:$0x3FFD];
	_ =	sdelay $0x3  }
0x9c: {  	_ =	strace s3  }
0x9d: {  	_ =	strace $0x8FFFFFFF  }
0x9e: {  	s18 =	sld [smem:$0x3FDB];
	_ =	sdelay $0x1  }
0x9f: {  	s19 =	simm.s32 $_scs_section_size  }
0xa0: {  	s5 =	simm.s32 $_size__tile_overlayer_lowered;
	s6 =	simm.s32 $_tile_overlayer_lowered  }
0xa1: {  	s22 =	simm.s32 $0x1BFF;
	s21 =	sshll.u32 s6, $0x1;
	s3 =	sadd.s32 s19, s18  }
0xa2: {  	s7 =	simm.s32 $0x0;
	s20 =	sshll.u32 s5, $0x1;
	s5 =	sadd.s32 s21, s3  }
0xa3: {  	[timem:s7], [sflag:s22] =	dma.local [hbm:s5], s20  }
0xa4: {  	_ =	swait.ge [sflag:s22], s20  }
0xa5: {  	s4 =	ssub.s32 $0x0, s20;
	[sflag:s22] =	ssyncset.done $0x0  }
0xa6: {  	[sflag:s22] =	ssyncadd.s32 s4;
	_ =	sdelay $0x1  }
0xa7: {  	s23 =	simm.s32 $0x1B8B  }
0xa8: {  	_ =	swait.ge [sflag:s23], $0x1  }
0xa9: {  	[sflag:s23] =	ssyncset.done $0x0  }
0xaa: {  	s25 =	simm.s32 $0x1B8E;
	s24 =	sld [smem:$0x3FFE];
	[sflag:s23] =	ssyncadd.s32 $0xFFFFFFFF  }
0xab: {  	s26 =	simm.s32 $execute0_lowered;
	[smem:$0x3FD2] =	sst s25  }
0xac: {  	s5 =	sshll.u32 s26, $0x1;
	_ =	strace $0x80000049;
	[dreg:$0x1] =	wrdreg $0xFFFFFFFF  }
0xad: {  	s28 =	simm.s32 $_size_execute0_lowered;
	s3 =	sadd.s32 s3, s5;
	[dreg:$0x0] =	wrdreg $0x0  }
0xae: {  	s5 =	sshll.u32 s28, $0x1;
	[dreg:$0x2] =	wrdreg s3  }
0xaf: {  	[dreg:$0x3] =	wrdreg s5  }
0xb0: {  	[dreg:$0x4] =	wrdreg $0xC0  }
0xb1: {  	_ =	task [dreg:s7], $0x5FFFF  }
0xb2: {  	[dreg:$0x1] =	wrdreg $0xFFFFFFFF  }
0xb3: {  	[dreg:$0x0] =	wrdreg $0x60  }
0xb4: {  	[dreg:$0x2] =	wrdreg s24  }
0xb5: {  	[dreg:$0x3] =	wrdreg s16  }
0xb6: {  	[dreg:$0x4] =	wrdreg $0x9  }
0xb7: {  	_ =	task.clear_ibuf [dreg:s7], $0x5FFFF;
	_ =	strace $0x90000049  }
0xb8: {  	s29 =	simm.s32 $0x9;
	_ =	strace $0x8000004B  }
0xb9: {  	_ =	swait.ge [sflag:s29], $0x1  }
0xba: {  	[sflag:s29] =	ssyncadd.s32 $0xFFFFFFFF  }
0xbb: {  	_ =	strace $0x9000004B  }
0xbc: {  	_ =	sfence  }
0xbd: {  	s30 =	sld [smem:$0x0];
	_ =	sdelay $0x2  }
0xbe: {  	s31 =	sshll.u32 s1, $0xD;
	s1 =	sshrl.u32 s1, $0x2  }
0xbf: {  	s3 =	sand.u32 $0x4000, s31;
	s1 =	sadd.s32 s1, s30  }
0xc0: {  	s0 =	sor.u32 s3, s0;
	s1 =	sshll.u32 s1, $0x11  }
0xc1: {  	s0 =	sor.u32 s1, s0  }
0xc2: {  	s0 =	sadd.s32 $0x8F2B, s0  }
0xc3: {  	[sflag:s0] =	ssyncadd.remote.s32 $0x1  }
0xc4: {  	_ =	sfence.sel $0xFFFF  }
0xc5: {  	[dreg:$0x0] =	wrdreg $0xFFFFFFFF;
	(pc) =	sbr.abs _section_cstart, $3  }
0xc6: {  	[dreg:$0x1] =	wrdreg $0xFFFFFFFF  }
0xc7: {  	_ =	task.clear_ibuf [dreg:s7], $0x2FFFF;
	_ =	strace $0x9FFFFFFF  }
0xc8: {  	(tm) =	ssettm $0x7FFFFFFF  }
0xc9: {  	_ =	shalt  }
tec
execute0_lowered:
.L_overlay_start_1:
0x0: {  	(tag) =	ssettag $0x1  }
0x1: {  	s0 =	rddreg [dreg:$0x0]  }
0x2: {  	s2 =	rddreg [dreg:$0x1]  }
0x3: {  	s1 =	simm.s32 $0x0;
	s4 =	srdreg.scid;
	s8 =	stileid.u32  }
0x4: {  	s11 =	simm.s32 $0x2;
	s12 =	simm.s32 $0x80;
	s28 =	simm.s32 $0x7880  }
0x5: {  	s29 =	simm.s32 $0x8080;
	s30 =	simm.s32 $0x8880;
	s31 =	simm.s32 $0x9080  }
0x6: {  	s13 =	simm.s32 $0xB080;
	s14 =	simm.s32 $0xB880;
	s15 =	simm.s32 $0xC080  }
0x7: {  	s16 =	simm.s32 $0xC880;
	s17 =	simm.s32 $0xD080;
	s18 =	simm.s32 $0xD880  }
0x8: {  	s19 =	simm.s32 $0xE080;
	s20 =	simm.s32 $0xE880;
	s21 =	simm.s32 $0xF080  }
0x9: {  	s22 =	simm.s32 $0xF880;
	s23 =	simm.s32 $0x1;
	s25 =	simm.s32 $0x0  }
0xa: {  	[smem:$0x7FF] =	sst s1;
	s3 =	sadd.s32 $0x2C00, s0;
	s5 =	sand.u32 $0x1, s4  }
0xb: {  	s4 =	sadd.s32 $0x43200, s0;
	s8 =	sshll.u32 s8, $0x8;
	s9 =	sadd.s32 $0x80000, s2  }
0xc: {  	s2 =	simm.s32 $0xA080;
	s6 =	ssub.s32 $0x2, s5;
	s5 =	sshll.u32 s5, $0x7  }
0xd: {  	_ =	strace $0x8000004A;
	s7 =	sshrl.u32 s6, $0x1;
	s5 =	sor.u32 s5, s8  }
0xe: {  	v2 =	vlaneseq.u32;
	s8 =	sadd.s32 $0x2F00, s0;
	s10 =	ssub.s32 s6, s7;
	s6 =	sadd.s32 $0x2D00, s0  }
0xf: {  	vm0 =	vmmov $0xffff;
	v1 =	vshrl.u32 v2, $0x3;
	s7 =	sadd.s32 $0x2E00, s0;
	s0 =	simm.s32 $0x9880;
	s26 =	smax.u32 s10, $0x1  }
0x10: {  	v0 =	vand.u32 $0x7, v2;
	v2 =	vor.u32 $0x8, v2;
	v1 =	vmul.u32 $0x8, v1;
	s10 =	simm.s32 $0xA880;
	[dreg:$0x3] =	wrdreg s26;
	s26 =	simm.s32 $0x7080  }
.LBB2_1:
0x11: {  	[dreg:$0x4] =	wrdreg s25;
	p0 =	por $0x1, $0x1;
	s24 =	simm.s32 $0x0  }
.LBB2_2:
0x12: {  	s24 =	sor.u32 s5, s24  }
0x13: {  	s25 =	sshrl.u32 s24, $0x3  }
0x14: {  	s25 =	sadd.s32 s4, s25  }
0x15: {  	[tilespmem:s1], [sflag:$0x2] =	stream.linear.gather [hbm4b:s25+s1], $0x40, $0x38;
	[tilespmem:$0x10080] =	vst v63  }
0x16: {  	_ =	swait.ge [sflag:s11], $0x40  }
0x17: {  	[sflag:s11] =	ssyncset.done $0x0  }
0x18: {  	[sflag:s11] =	ssyncadd.s32 $0xFFFFFFC0  }
0x19: {  	v3 =	vld [tilespmem:$0x0];
	_ =	sdelay $0x4  }
0x1a: {  	v4 =	vshll.u32 v3, $0x3  }
0x1b: {  	v3 =	vand.u32 $0x7, v3;
	v4 =	vand.u32 $0xFFFFFFC0, v4  }
0x1c: {  	v3 =	vor.u32 v3, v4  }
0x1d: {  	v4 =	vperm.xlane v3, v0;
	_ =	sdelay $0x1  }
0x1e: {  	v4 =	vadd.s32 v1, v4;
	_ =	sdelay $0x4  }
0x1f: {  	[tilespmem:s12], [sflag:$0x1] =	stream.indirect_vreg.gather [hbm4b:s3+s1], $0x80, v4, vm0, $0xb8;
	[tilespmem:$0x10080] =	vst v63  }
0x20: {  	s25 =	simm.s32 $0x880;
	v3 =	vperm.xlane v3, v2  }
0x21: {  	[tilespmem:s25], [sflag:$0x1] =	stream.indirect_vreg.gather [hbm4b:s6+s1], $0x80, v4, vm0, $0xb8;
	[tilespmem:$0x10080] =	vst v63  }
0x22: {  	v3 =	vadd.s32 v1, v3;
	s25 =	simm.s32 $0x1080  }
0x23: {  	[tilespmem:s25], [sflag:$0x1] =	stream.indirect_vreg.gather [hbm4b:s7+s1], $0x80, v4, vm0, $0xb8;
	[tilespmem:$0x10080] =	vst v63  }
0x24: {  	s25 =	simm.s32 $0x1880  }
0x25: {  	[tilespmem:s25], [sflag:$0x1] =	stream.indirect_vreg.gather [hbm4b:s8+s1], $0x80, v4, vm0, $0xb8;
	[tilespmem:$0x10080] =	vst v63  }
0x26: {  	s25 =	simm.s32 $0x2080  }
0x27: {  	[tilespmem:s25], [sflag:$0x1] =	stream.indirect_vreg.gather [hbm4b:s3+s1], $0x80, v3, vm0, $0xb8;
	[tilespmem:$0x10080] =	vst v63  }
0x28: {  	s25 =	simm.s32 $0x2880  }
0x29: {  	[tilespmem:s25], [sflag:$0x1] =	stream.indirect_vreg.gather [hbm4b:s6+s1], $0x80, v3, vm0, $0xb8;
	[tilespmem:$0x10080] =	vst v63  }
0x2a: {  	s25 =	simm.s32 $0x3080  }
0x2b: {  	[tilespmem:s25], [sflag:$0x1] =	stream.indirect_vreg.gather [hbm4b:s7+s1], $0x80, v3, vm0, $0xb8;
	[tilespmem:$0x10080] =	vst v63  }
0x2c: {  	s25 =	simm.s32 $0x3880  }
0x2d: {  	[tilespmem:s25], [sflag:$0x1] =	stream.indirect_vreg.gather [hbm4b:s8+s1], $0x80, v3, vm0, $0xb8;
	[tilespmem:$0x10080] =	vst v63  }
0x2e: {  	v3 =	vld [tilespmem:$0x10];
	_ =	sdelay $0x4  }
0x2f: {  	v61 =	vshll.u32 v3, $0x3  }
0x30: {  	v3 =	vand.u32 $0x7, v3;
	v4 =	vand.u32 $0xFFFFFFC0, v61  }
0x31: {  	v3 =	vor.u32 v3, v4  }
0x32: {  	v4 =	vperm.xlane v3, v0;
	_ =	sdelay $0x1  }
0x33: {  	v4 =	vadd.s32 v1, v4;
	_ =	sdelay $0x3  }
0x34: {  	s25 =	simm.s32 $0x4080  }
0x35: {  	[tilespmem:s25], [sflag:$0x1] =	stream.indirect_vreg.gather [hbm4b:s3+s1], $0x80, v4, vm0, $0xb8;
	[tilespmem:$0x10080] =	vst v63  }
0x36: {  	v3 =	vperm.xlane v3, v2;
	s25 =	simm.s32 $0x4880  }
0x37: {  	[tilespmem:s25], [sflag:$0x1] =	stream.indirect_vreg.gather [hbm4b:s6+s1], $0x80, v4, vm0, $0xb8;
	[tilespmem:$0x10080] =	vst v63  }
0x38: {  	v3 =	vadd.s32 v1, v3;
	s25 =	simm.s32 $0x5080  }
0x39: {  	[tilespmem:s25], [sflag:$0x1] =	stream.indirect_vreg.gather [hbm4b:s7+s1], $0x80, v4, vm0, $0xb8;
	[tilespmem:$0x10080] =	vst v63  }
0x3a: {  	s25 =	simm.s32 $0x5880  }
0x3b: {  	[tilespmem:s25], [sflag:$0x1] =	stream.indirect_vreg.gather [hbm4b:s8+s1], $0x80, v4, vm0, $0xb8;
	[tilespmem:$0x10080] =	vst v63  }
0x3c: {  	s25 =	simm.s32 $0x6080  }
0x3d: {  	[tilespmem:s25], [sflag:$0x1] =	stream.indirect_vreg.gather [hbm4b:s3+s1], $0x80, v3, vm0, $0xb8;
	[tilespmem:$0x10080] =	vst v63  }
0x3e: {  	s25 =	simm.s32 $0x6880  }
0x3f: {  	[tilespmem:s25], [sflag:$0x1] =	stream.indirect_vreg.gather [hbm4b:s6+s1], $0x80, v3, vm0, $0xb8;
	[tilespmem:$0x10080] =	vst v63  }
0x40: {  	_ = 	snop  }
0x41: {  	[tilespmem:s26], [sflag:$0x1] =	stream.indirect_vreg.gather [hbm4b:s7+s1], $0x80, v3, vm0, $0xb8;
	[tilespmem:$0x10080] =	vst v63  }
0x42: {  	_ = 	snop  }
0x43: {  	[tilespmem:s28], [sflag:$0x1] =	stream.indirect_vreg.gather [hbm4b:s8+s1], $0x80, v3, vm0, $0xb8;
	[tilespmem:$0x10080] =	vst v63  }
0x44: {  	v3 =	vld [tilespmem:$0x20];
	_ =	sdelay $0x4  }
0x45: {  	v62 =	vshll.u32 v3, $0x3  }
0x46: {  	v3 =	vand.u32 $0x7, v3;
	v4 =	vand.u32 $0xFFFFFFC0, v62  }
0x47: {  	v3 =	vor.u32 v3, v4  }
0x48: {  	v4 =	vperm.xlane v3, v0;
	_ =	sdelay $0x1  }
0x49: {  	v4 =	vadd.s32 v1, v4;
	_ =	sdelay $0x4  }
0x4a: {  	[tilespmem:s29], [sflag:$0x1] =	stream.indirect_vreg.gather [hbm4b:s3+s1], $0x80, v4, vm0, $0xb8;
	[tilespmem:$0x10080] =	vst v63  }
0x4b: {  	v3 =	vperm.xlane v3, v2  }
0x4c: {  	[tilespmem:s30], [sflag:$0x1] =	stream.indirect_vreg.gather [hbm4b:s6+s1], $0x80, v4, vm0, $0xb8;
	[tilespmem:$0x10080] =	vst v63  }
0x4d: {  	v3 =	vadd.s32 v1, v3  }
0x4e: {  	[tilespmem:s31], [sflag:$0x1] =	stream.indirect_vreg.gather [hbm4b:s7+s1], $0x80, v4, vm0, $0xb8;
	[tilespmem:$0x10080] =	vst v63  }
0x4f: {  	_ = 	snop  }
0x50: {  	[tilespmem:s0], [sflag:$0x1] =	stream.indirect_vreg.gather [hbm4b:s8+s1], $0x80, v4, vm0, $0xb8;
	[tilespmem:$0x10080] =	vst v63  }
0x51: {  	_ = 	snop  }
0x52: {  	[tilespmem:s2], [sflag:$0x1] =	stream.indirect_vreg.gather [hbm4b:s3+s1], $0x80, v3, vm0, $0xb8;
	[tilespmem:$0x10080] =	vst v63  }
0x53: {  	_ = 	snop  }
0x54: {  	[tilespmem:s10], [sflag:$0x1] =	stream.indirect_vreg.gather [hbm4b:s6+s1], $0x80, v3, vm0, $0xb8;
	[tilespmem:$0x10080] =	vst v63  }
0x55: {  	_ = 	snop  }
0x56: {  	[tilespmem:s13], [sflag:$0x1] =	stream.indirect_vreg.gather [hbm4b:s7+s1], $0x80, v3, vm0, $0xb8;
	[tilespmem:$0x10080] =	vst v63  }
0x57: {  	_ = 	snop  }
0x58: {  	[tilespmem:s14], [sflag:$0x1] =	stream.indirect_vreg.gather [hbm4b:s8+s1], $0x80, v3, vm0, $0xb8;
	[tilespmem:$0x10080] =	vst v63  }
0x59: {  	v3 =	vld [tilespmem:$0x30];
	_ =	sdelay $0x4  }
0x5a: {  	v63 =	vshll.u32 v3, $0x3  }
0x5b: {  	v3 =	vand.u32 $0x7, v3;
	v4 =	vand.u32 $0xFFFFFFC0, v63  }
0x5c: {  	v3 =	vor.u32 v3, v4  }
0x5d: {  	v4 =	vperm.xlane v3, v0;
	_ =	sdelay $0x1  }
0x5e: {  	v4 =	vadd.s32 v1, v4;
	_ =	sdelay $0x4  }
0x5f: {  	[tilespmem:s15], [sflag:$0x1] =	stream.indirect_vreg.gather [hbm4b:s3+s1], $0x80, v4, vm0, $0xb8;
	[tilespmem:$0x10080] =	vst v63  }
0x60: {  	v3 =	vperm.xlane v3, v2  }
0x61: {  	[tilespmem:s16], [sflag:$0x1] =	stream.indirect_vreg.gather [hbm4b:s6+s1], $0x80, v4, vm0, $0xb8;
	[tilespmem:$0x10080] =	vst v63  }
0x62: {  	v3 =	vadd.s32 v1, v3  }
0x63: {  	[tilespmem:s17], [sflag:$0x1] =	stream.indirect_vreg.gather [hbm4b:s7+s1], $0x80, v4, vm0, $0xb8;
	[tilespmem:$0x10080] =	vst v63  }
0x64: {  	_ = 	snop  }
0x65: {  	[tilespmem:s18], [sflag:$0x1] =	stream.indirect_vreg.gather [hbm4b:s8+s1], $0x80, v4, vm0, $0xb8;
	[tilespmem:$0x10080] =	vst v63  }
0x66: {  	_ = 	snop  }
0x67: {  	[tilespmem:s19], [sflag:$0x1] =	stream.indirect_vreg.gather [hbm4b:s3+s1], $0x80, v3, vm0, $0xb8;
	[tilespmem:$0x10080] =	vst v63  }
0x68: {  	_ = 	snop  }
0x69: {  	[tilespmem:s20], [sflag:$0x1] =	stream.indirect_vreg.gather [hbm4b:s6+s1], $0x80, v3, vm0, $0xb8;
	[tilespmem:$0x10080] =	vst v63  }
0x6a: {  	_ = 	snop  }
0x6b: {  	[tilespmem:s21], [sflag:$0x1] =	stream.indirect_vreg.gather [hbm4b:s7+s1], $0x80, v3, vm0, $0xb8;
	[tilespmem:$0x10080] =	vst v63  }
0x6c: {  	_ = 	snop  }
0x6d: {  	[tilespmem:s22], [sflag:$0x1] =	stream.indirect_vreg.gather [hbm4b:s8+s1], $0x80, v3, vm0, $0xb8;
	[tilespmem:$0x10080] =	vst v63  }
0x6e: {  	_ =	swait.ge [sflag:s23], $0x10000  }
0x6f: {  	p1 =	por p0, p0;
	s24 =	sshll.u32 s24, $0x7;
	[sflag:s23] =	ssyncset.done $0x0  }
.Ltmp0:
0x70: {  	s24 =	sadd.s32 s24, s9;
	[sflag:s23] =	ssyncadd.s32 $0xFFFF0000;
	(pc) =	sbr.rel @p1 .LBB2_2-.Ltmp0, $4  }
0x71: {  	[hbm4b:s24+s1] =	stream.linear.scatter [tilespmem:s12], [sflag:$0x2], $0x10000, $0x38;
	[tilespmem:$0x10080] =	vst v63  }
0x72: {  	_ =	swait.ge [sflag:s11], $0x10000  }
0x73: {  	[sflag:s11] =	ssyncset.done $0x0  }
0x74: {  	p0 =	por $0x0, $0x0;
	s24 =	simm.s32 $0x40;
	[sflag:s11] =	ssyncadd.s32 $0xFFFF0000  }
0x75: {  	s25 =	rddreg [dreg:$0x4]  }
0x76: {  	s24 =	rddreg [dreg:$0x3];
	s25 =	sadd.s32 $0x1, s25  }
0x77: {  	p0 =	sne.s32 s25, s24  }
.Ltmp1:
0x78: {  	_ = 	snop;
	(pc) =	sbr.rel @p0 .LBB2_1-.Ltmp1, $1  }
0x79: {  	_ =	sdelay $0x3  }
0x7a: {  	_ =	sfence.sel $0x180000  }
0x7b: {  	[bflag:$0x0] =	sbarrier.arrive $0xFFFF  }
0x7c: {  	_ =	strace $0x9000004A  }
0x7d: {  	s0 =	stileid.u32;
	[bflag:$0x2] =	sbarrier.arrive $0xFFFF  }
0x7e: {  	p0 =	sne.s32 s0, $0x0;
	s0 =	rddreg [dreg:$0x2]  }
0x7f: {  	s0 =	sadd.s32 @!p0 $0x100000, s0  }
0x80: {  	[sflag:s0] =	ssyncadd.tile.s32 @!p0 $0x1;
	_ =	shalt  }
.Lfunc_end2:
_tile_overlayer_lowered:
.L_overlay_start_2:
0x81: {  	(tag) =	ssettag $0x2  }
0x82: {  	s0 =	rddreg [dreg:$0x0];
	s2 =	stileid.u32  }
0x83: {  	s1 =	rddreg [dreg:$0x1];
	p0 =	sne.s32 s2, $0x0  }
0x84: {  	s3 =	rddreg [dreg:$0x2];
	[bflag:$0x3] =	sbarrier.arrive $0xFFFF;
	s2 =	simm.s32 @!p0 $0x1C02  }
0x85: {  	[timem:s3], [sflag:s2] =	dma.local @!p0 [hbm:s0], s1  }
0x86: {  	s0 =	simm.s32 @!p0 $0x2  }
0x87: {  	_ =	swait.ge @!p0 [sflag:s0], s1  }
0x88: {  	s1 =	ssub.s32 @!p0 $0x0, s1;
	[sflag:s0] =	ssyncset.done @!p0 $0x0  }
0x89: {  	[sflag:s0] =	ssyncadd.s32 @!p0 s1  }
0x8a: {  	[bflag:$0x3] =	sbarrier.arrive $0xFFFF  }
0x8b: {  	_ =	shalt  }

// kernel: kernel.17.cloned.1.call-start
scs
__scs_entry_jumppad:
0x0: {  	(pc) =	sbr.rel $0x88, $3  }
0x1: {  	(tag) =	ssettag $0x0;
	lr =	simm.s32 $0x1  }
0x2: {  	[smem:$0x3F9B] =	sst lr;
	_ =	strace $0xD0000000  }
0x3: {  	_ = 	snop  }
0x4: {  	_ = 	snop  }
0x5: {  	_ = 	snop  }
0x6: {  	_ = 	snop  }
0x7: {  	_ = 	snop  }
__scs_overlays_trampoline_lowered:
0x8: {  	[smem:$0x3FAA] =	sst s0  }
0x9: {  	[smem:$0x3FAB] =	sst s1  }
0xa: {  	[smem:$0x3FAC] =	sst s2  }
0xb: {  	[smem:$0x3FAD] =	sst s3  }
0xc: {  	[smem:$0x3FAE] =	sst s4  }
0xd: {  	[smem:$0x3FAF] =	sst s5  }
0xe: {  	[smem:$0x3FB0] =	sst s6  }
0xf: {  	[smem:$0x3FB1] =	sst s7  }
0x10: {  	[smem:$0x3FB2] =	sst s8  }
0x11: {  	[smem:$0x3FB3] =	sst s9;
	s0 =	simm.s32 @!p0 $0x0  }
0x12: {  	s1 =	sld [smem:$0x3F99];
	s0 =	simm.s32 @p0 $0x1  }
0x13: {  	[smem:$0x3FB4] =	sst s0;
	s0 =	simm.s32 @!p1 $0x0  }
0x14: {  	s2 =	sld [smem:$0x3F98];
	s0 =	simm.s32 @p1 $0x1  }
0x15: {  	[smem:$0x3FB5] =	sst s0;
	s0 =	simm.s32 @!p2 $0x0  }
0x16: {  	s3 =	sld [smem:$0x3FDB];
	s0 =	simm.s32 @p2 $0x1  }
0x17: {  	s4 =	simm.s32 $0x1BF5;
	[smem:$0x3FB7] =	sst s0  }
0x18: {  	s0 =	sld [smem:$0x3F9A];
	_ =	swait.ge [sflag:s4], $0x0  }
0x19: {  	s7 =	sld [smem:$0x3F9B]  }
0x1a: {  	s8 =	sadd.s32 $0xFFFFE003, lr  }
0x1b: {  	s9 =	sadd.s32 $0xFFFFFEF7, lr;
	s5 =	simm.s32 $0xFFFFFFFF;
	p2 =	slt.u32 s8, $0xFFFFF086  }
0x1c: {  	p1 =	slt.u32 s9, $0xF7A;
	s5 =	simm.s32 @!p2 $0x0  }
0x1d: {  	s5 =	simm.s32 @p1 $0x1;
	p0 =	seq.s32 s7, s2  }
0x1e: {  	s7 =	smul.u32 @!p0 $0xF7A, s2;
	p2 =	seq.s32 @!p0 s5, $0x0  }
0x1f: {  	s9 =	smul.u32 $0xF7A, s1;
	s8 =	simm.s32 @!p0 $0x1BF5;
	p2 =	por !p2, p0  }
0x20: {  	[sflag:s8] =	ssyncset.s32 @!p0 $0xFFFFF086;
	s6 =	sadd.s32 @!p0 s3, s7;
	s7 =	simm.s32 @!p0 $0x108  }
0x21: {  	s3 =	sadd.s32 s3, s9;
	s6 =	sadd.s32 @!p0 $0x88, s6;
	s7 =	simm.s32 @p2 $0x1082  }
0x22: {  	[simem:s7], [sflag:s8] =	dma.local @!p0 [hbm:s6], $0xF7A  }
0x23: {  	s9 =	sor.u32 $0xD0000000, s2;
	s6 =	simm.s32 $0x108;
	_ =	swait.ge @!p0 [sflag:s8], $0x0  }
0x24: {  	s3 =	sadd.s32 $0x88, s3;
	s6 =	simm.s32 @!p1 $0x1082;
	[sflag:s4] =	ssyncset.s32 $0xFFFFF086  }
0x25: {  	[simem:s6], [sflag:s4] =	dma.local [hbm:s3], $0xF7A  }
0x26: {  	[smem:$0x3F9B] =	sst s1;
	(tag) =	ssettag s2;
	_ =	strace s9  }
0x27: {  	s1 =	sld [smem:$0x3FAB]  }
0x28: {  	s2 =	sld [smem:$0x3FAC]  }
0x29: {  	s4 =	sld [smem:$0x3FAE]  }
0x2a: {  	p0 =	seq.s32 s5, $0x0;
	s5 =	sld [smem:$0x3FAF]  }
0x2b: {  	s6 =	sld [smem:$0x3FB0]  }
0x2c: {  	s7 =	sld [smem:$0x3FB1]  }
0x2d: {  	s3 =	simm.s32 $0x108;
	s8 =	sld [smem:$0x3FB2]  }
0x2e: {  	s3 =	simm.s32 @!p0 $0x1082;
	s9 =	sld [smem:$0x3FB3]  }
0x2f: {  	lr =	sadd.s32 s0, s3;
	s0 =	sld [smem:$0x3FAA]  }
0x30: {  	s3 =	sld [smem:$0x3FAD]  }
0x31: {  	[smem:$0x3FB6] =	sst s10  }
0x32: {  	s10 =	sld [smem:$0x3FB4];
	_ =	sdelay $0x3  }
0x33: {  	p0 =	seq.s32 s10, $0x1;
	s10 =	sld [smem:$0x3FB6];
	_ =	sdelay $0x3  }
0x34: {  	[smem:$0x3FB6] =	sst s10  }
0x35: {  	s10 =	sld [smem:$0x3FB5];
	_ =	sdelay $0x3  }
0x36: {  	p1 =	seq.s32 s10, $0x1;
	s10 =	sld [smem:$0x3FB6];
	_ =	sdelay $0x3  }
0x37: {  	[smem:$0x3FB6] =	sst s10  }
0x38: {  	s10 =	sld [smem:$0x3FB7]  }
0x39: {  	_ = 	snop;
	(pc) =	sbr.ind lr, $3  }
0x3a: {  	_ = 	snop  }
0x3b: {  	_ = 	snop  }
0x3c: {  	p2 =	seq.s32 s10, $0x1;
	s10 =	sld [smem:$0x3FB6]  }
0x3d: {  	_ =	shalt  }
0x3e: {  	_ =	shalt  }
0x3f: {  	_ =	shalt  }
0x40: {  	_ =	shalt  }
0x41: {  	_ =	shalt  }
0x42: {  	_ =	shalt  }
0x43: {  	_ =	shalt  }
0x44: {  	_ =	shalt  }
0x45: {  	_ =	shalt  }
0x46: {  	_ =	shalt  }
0x47: {  	_ =	shalt  }
0x48: {  	_ =	shalt  }
0x49: {  	_ =	shalt  }
0x4a: {  	_ =	shalt  }
0x4b: {  	_ =	shalt  }
0x4c: {  	_ =	shalt  }
0x4d: {  	_ =	shalt  }
0x4e: {  	_ =	shalt  }
0x4f: {  	_ =	shalt  }
0x50: {  	_ =	shalt  }
0x51: {  	_ =	shalt  }
0x52: {  	_ =	shalt  }
0x53: {  	_ =	shalt  }
0x54: {  	_ =	shalt  }
0x55: {  	_ =	shalt  }
0x56: {  	_ =	shalt  }
0x57: {  	_ =	shalt  }
0x58: {  	_ =	shalt  }
0x59: {  	_ =	shalt  }
0x5a: {  	_ =	shalt  }
0x5b: {  	_ =	shalt  }
0x5c: {  	_ =	shalt  }
0x5d: {  	_ =	shalt  }
0x5e: {  	_ =	shalt  }
0x5f: {  	_ =	shalt  }
0x60: {  	_ =	shalt  }
0x61: {  	_ =	shalt  }
0x62: {  	_ =	shalt  }
0x63: {  	_ =	shalt  }
0x64: {  	_ =	shalt  }
0x65: {  	_ =	shalt  }
0x66: {  	_ =	shalt  }
0x67: {  	_ =	shalt  }
0x68: {  	_ =	shalt  }
0x69: {  	_ =	shalt  }
0x6a: {  	_ =	shalt  }
0x6b: {  	_ =	shalt  }
0x6c: {  	_ =	shalt  }
0x6d: {  	_ =	shalt  }
0x6e: {  	_ =	shalt  }
0x6f: {  	_ =	shalt  }
0x70: {  	_ =	shalt  }
0x71: {  	_ =	shalt  }
0x72: {  	_ =	shalt  }
0x73: {  	_ =	shalt  }
0x74: {  	_ =	shalt  }
0x75: {  	_ =	shalt  }
0x76: {  	_ =	shalt  }
0x77: {  	_ =	shalt  }
0x78: {  	_ =	shalt  }
0x79: {  	_ =	shalt  }
0x7a: {  	_ =	shalt  }
0x7b: {  	_ =	shalt  }
0x7c: {  	_ =	shalt  }
0x7d: {  	_ =	shalt  }
0x7e: {  	_ =	shalt  }
0x7f: {  	_ =	shalt  }
0x80: {  	_ =	shalt  }
0x81: {  	_ =	shalt  }
0x82: {  	_ =	shalt  }
0x83: {  	_ =	shalt  }
0x84: {  	_ =	shalt  }
0x85: {  	_ =	shalt  }
0x86: {  	_ =	shalt  }
0x87: {  	_ =	shalt  }
.Lfunc_end0:
.L_simem_size_0:
called_computation.2_lowered:
.L_overlay_start_0:
0x88: {  	s2 =	sld [smem:$0x3FD9]  }
0x89: {  	s3 =	sld [smem:$0x3FFE];
	_ =	sdelay $0x1  }
0x8a: {  	s1 =	srdreg.scid  }
0x8b: {  	s0 =	sand.u32 $0x1, s1  }
0x8c: {  	s14 =	sshll.u32 s0, $0xA;
	s2 =	sadd.s32 s3, s2  }
0x8d: {  	s2 =	sadd.s32 s2, s14  }
0x8e: {  	[smem:$0x3FC2] =	sst s2  }
0x8f: {  	_ = 	snop  }
0x90: {  	s2 =	sld [smem:$0x3FD0];
	_ =	sdelay $0x2  }
0x91: {  	s15 =	simm.s32 $0xA;
	s4 =	simm.s32 $0x10  }
0x92: {  	[smem:s4], [sflag:s15] =	dma.local [hbm:s2], $0x1  }
0x93: {  	_ =	swait.eq [sflag:s15], $0x1  }
0x94: {  	[sflag:s15] =	ssyncset.done $0x0  }
0x95: {  	[sflag:s15] =	ssyncadd.s32 $0xFFFFFFFF  }
0x96: {  	s16 =	sld [smem:$0x10];
	(tm) =	ssettm $0x1  }
0x97: {  	s17 =	sld [smem:$0x3FFB];
	_ =	sdelay $0x3  }
0x98: {  	_ =	strace s17  }
0x99: {  	s3 =	sld [smem:$0x3FFC];
	_ =	sdelay $0x3  }
0x9a: {  	_ =	strace s3  }
0x9b: {  	s3 =	sld [smem:$0x3FFD];
	_ =	sdelay $0x3  }
0x9c: {  	_ =	strace s3  }
0x9d: {  	_ =	strace $0x8FFFFFFF  }
0x9e: {  	s18 =	sld [smem:$0x3FDB];
	_ =	sdelay $0x1  }
0x9f: {  	s19 =	simm.s32 $_scs_section_size  }
0xa0: {  	s5 =	simm.s32 $_size__tile_overlayer_lowered;
	s6 =	simm.s32 $_tile_overlayer_lowered  }
0xa1: {  	s22 =	simm.s32 $0x1BFF;
	s21 =	sshll.u32 s6, $0x1;
	s3 =	sadd.s32 s19, s18  }
0xa2: {  	s7 =	simm.s32 $0x0;
	s20 =	sshll.u32 s5, $0x1;
	s5 =	sadd.s32 s21, s3  }
0xa3: {  	[timem:s7], [sflag:s22] =	dma.local [hbm:s5], s20  }
0xa4: {  	_ =	swait.ge [sflag:s22], s20  }
0xa5: {  	s4 =	ssub.s32 $0x0, s20;
	[sflag:s22] =	ssyncset.done $0x0  }
0xa6: {  	[sflag:s22] =	ssyncadd.s32 s4;
	_ =	sdelay $0x1  }
0xa7: {  	s23 =	simm.s32 $0x1B8B  }
0xa8: {  	_ =	swait.ge [sflag:s23], $0x1  }
0xa9: {  	[sflag:s23] =	ssyncset.done $0x0  }
0xaa: {  	s25 =	simm.s32 $0x1B8E;
	s24 =	sld [smem:$0x3FFE];
	[sflag:s23] =	ssyncadd.s32 $0xFFFFFFFF  }
0xab: {  	s26 =	simm.s32 $execute0_lowered;
	[smem:$0x3FD2] =	sst s25  }
0xac: {  	s5 =	sshll.u32 s26, $0x1;
	_ =	strace $0x8000004C;
	[dreg:$0x1] =	wrdreg $0xFFFFFFFF  }
0xad: {  	s28 =	simm.s32 $_size_execute0_lowered;
	s3 =	sadd.s32 s3, s5;
	[dreg:$0x0] =	wrdreg $0x0  }
0xae: {  	s5 =	sshll.u32 s28, $0x1;
	[dreg:$0x2] =	wrdreg s3  }
0xaf: {  	[dreg:$0x3] =	wrdreg s5  }
0xb0: {  	[dreg:$0x4] =	wrdreg $0xC0  }
0xb1: {  	_ =	task [dreg:s7], $0x5FFFF  }
0xb2: {  	[dreg:$0x1] =	wrdreg $0xFFFFFFFF  }
0xb3: {  	[dreg:$0x0] =	wrdreg $0x60  }
0xb4: {  	[dreg:$0x2] =	wrdreg s24  }
0xb5: {  	[dreg:$0x3] =	wrdreg s16  }
0xb6: {  	[dreg:$0x4] =	wrdreg $0x9  }
0xb7: {  	_ =	task.clear_ibuf [dreg:s7], $0x5FFFF;
	_ =	strace $0x9000004C  }
0xb8: {  	s29 =	simm.s32 $0x9;
	_ =	strace $0x8000004E  }
0xb9: {  	_ =	swait.ge [sflag:s29], $0x1  }
0xba: {  	[sflag:s29] =	ssyncadd.s32 $0xFFFFFFFF  }
0xbb: {  	_ =	strace $0x9000004E  }
0xbc: {  	_ =	sfence  }
0xbd: {  	s30 =	sld [smem:$0x0];
	_ =	sdelay $0x2  }
0xbe: {  	s31 =	sshll.u32 s1, $0xD;
	s1 =	sshrl.u32 s1, $0x2  }
0xbf: {  	s3 =	sand.u32 $0x4000, s31;
	s1 =	sadd.s32 s1, s30  }
0xc0: {  	s0 =	sor.u32 s3, s0;
	s1 =	sshll.u32 s1, $0x11  }
0xc1: {  	s0 =	sor.u32 s1, s0  }
0xc2: {  	s0 =	sadd.s32 $0x8F2B, s0  }
0xc3: {  	[sflag:s0] =	ssyncadd.remote.s32 $0x1  }
0xc4: {  	_ =	sfence.sel $0xFFFF  }
0xc5: {  	[dreg:$0x0] =	wrdreg $0xFFFFFFFF;
	(pc) =	sbr.abs _section_cstart, $3  }
0xc6: {  	[dreg:$0x1] =	wrdreg $0xFFFFFFFF  }
0xc7: {  	_ =	task.clear_ibuf [dreg:s7], $0x2FFFF;
	_ =	strace $0x9FFFFFFF  }
0xc8: {  	(tm) =	ssettm $0x7FFFFFFF  }
0xc9: {  	_ =	shalt  }
tec
execute0_lowered:
.L_overlay_start_1:
0x0: {  	(tag) =	ssettag $0x1  }
0x1: {  	s0 =	rddreg [dreg:$0x0]  }
0x2: {  	s2 =	rddreg [dreg:$0x1]  }
0x3: {  	s1 =	simm.s32 $0x0;
	s4 =	srdreg.scid;
	s8 =	stileid.u32  }
0x4: {  	s11 =	simm.s32 $0x2;
	s12 =	simm.s32 $0x80;
	s28 =	simm.s32 $0x7880  }
0x5: {  	s29 =	simm.s32 $0x8080;
	s30 =	simm.s32 $0x8880;
	s31 =	simm.s32 $0x9080  }
0x6: {  	s13 =	simm.s32 $0xB080;
	s14 =	simm.s32 $0xB880;
	s15 =	simm.s32 $0xC080  }
0x7: {  	s16 =	simm.s32 $0xC880;
	s17 =	simm.s32 $0xD080;
	s18 =	simm.s32 $0xD880  }
0x8: {  	s19 =	simm.s32 $0xE080;
	s20 =	simm.s32 $0xE880;
	s21 =	simm.s32 $0xF080  }
0x9: {  	s22 =	simm.s32 $0xF880;
	s23 =	simm.s32 $0x1;
	s25 =	simm.s32 $0x0  }
0xa: {  	[smem:$0x7FF] =	sst s1;
	s3 =	sadd.s32 $0x2C00, s0;
	s5 =	sand.u32 $0x1, s4  }
0xb: {  	s4 =	sadd.s32 $0x43400, s0;
	s8 =	sshll.u32 s8, $0x8;
	s9 =	sadd.s32 $0x100000, s2  }
0xc: {  	s2 =	simm.s32 $0xA080;
	s6 =	ssub.s32 $0x2, s5;
	s5 =	sshll.u32 s5, $0x7  }
0xd: {  	_ =	strace $0x8000004D;
	s7 =	sshrl.u32 s6, $0x1;
	s5 =	sor.u32 s5, s8  }
0xe: {  	v2 =	vlaneseq.u32;
	s8 =	sadd.s32 $0x2F00, s0;
	s10 =	ssub.s32 s6, s7;
	s6 =	sadd.s32 $0x2D00, s0  }
0xf: {  	vm0 =	vmmov $0xffff;
	v1 =	vshrl.u32 v2, $0x3;
	s7 =	sadd.s32 $0x2E00, s0;
	s0 =	simm.s32 $0x9880;
	s26 =	smax.u32 s10, $0x1  }
0x10: {  	v0 =	vand.u32 $0x7, v2;
	v2 =	vor.u32 $0x8, v2;
	v1 =	vmul.u32 $0x8, v1;
	s10 =	simm.s32 $0xA880;
	[dreg:$0x3] =	wrdreg s26;
	s26 =	simm.s32 $0x7080  }
.LBB2_1:
0x11: {  	[dreg:$0x4] =	wrdreg s25;
	p0 =	por $0x1, $0x1;
	s24 =	simm.s32 $0x0  }
.LBB2_2:
0x12: {  	s24 =	sor.u32 s5, s24  }
0x13: {  	s25 =	sshrl.u32 s24, $0x3  }
0x14: {  	s25 =	sadd.s32 s4, s25  }
0x15: {  	[tilespmem:s1], [sflag:$0x2] =	stream.linear.gather [hbm4b:s25+s1], $0x40, $0x38;
	[tilespmem:$0x10080] =	vst v63  }
0x16: {  	_ =	swait.ge [sflag:s11], $0x40  }
0x17: {  	[sflag:s11] =	ssyncset.done $0x0  }
0x18: {  	[sflag:s11] =	ssyncadd.s32 $0xFFFFFFC0  }
0x19: {  	v3 =	vld [tilespmem:$0x0];
	_ =	sdelay $0x4  }
0x1a: {  	v4 =	vshll.u32 v3, $0x3  }
0x1b: {  	v3 =	vand.u32 $0x7, v3;
	v4 =	vand.u32 $0xFFFFFFC0, v4  }
0x1c: {  	v3 =	vor.u32 v3, v4  }
0x1d: {  	v4 =	vperm.xlane v3, v0;
	_ =	sdelay $0x1  }
0x1e: {  	v4 =	vadd.s32 v1, v4;
	_ =	sdelay $0x4  }
0x1f: {  	[tilespmem:s12], [sflag:$0x1] =	stream.indirect_vreg.gather [hbm4b:s3+s1], $0x80, v4, vm0, $0xb8;
	[tilespmem:$0x10080] =	vst v63  }
0x20: {  	s25 =	simm.s32 $0x880;
	v3 =	vperm.xlane v3, v2  }
0x21: {  	[tilespmem:s25], [sflag:$0x1] =	stream.indirect_vreg.gather [hbm4b:s6+s1], $0x80, v4, vm0, $0xb8;
	[tilespmem:$0x10080] =	vst v63  }
0x22: {  	v3 =	vadd.s32 v1, v3;
	s25 =	simm.s32 $0x1080  }
0x23: {  	[tilespmem:s25], [sflag:$0x1] =	stream.indirect_vreg.gather [hbm4b:s7+s1], $0x80, v4, vm0, $0xb8;
	[tilespmem:$0x10080] =	vst v63  }
0x24: {  	s25 =	simm.s32 $0x1880  }
0x25: {  	[tilespmem:s25], [sflag:$0x1] =	stream.indirect_vreg.gather [hbm4b:s8+s1], $0x80, v4, vm0, $0xb8;
	[tilespmem:$0x10080] =	vst v63  }
0x26: {  	s25 =	simm.s32 $0x2080  }
0x27: {  	[tilespmem:s25], [sflag:$0x1] =	stream.indirect_vreg.gather [hbm4b:s3+s1], $0x80, v3, vm0, $0xb8;
	[tilespmem:$0x10080] =	vst v63  }
0x28: {  	s25 =	simm.s32 $0x2880  }
0x29: {  	[tilespmem:s25], [sflag:$0x1] =	stream.indirect_vreg.gather [hbm4b:s6+s1], $0x80, v3, vm0, $0xb8;
	[tilespmem:$0x10080] =	vst v63  }
0x2a: {  	s25 =	simm.s32 $0x3080  }
0x2b: {  	[tilespmem:s25], [sflag:$0x1] =	stream.indirect_vreg.gather [hbm4b:s7+s1], $0x80, v3, vm0, $0xb8;
	[tilespmem:$0x10080] =	vst v63  }
0x2c: {  	s25 =	simm.s32 $0x3880  }
0x2d: {  	[tilespmem:s25], [sflag:$0x1] =	stream.indirect_vreg.gather [hbm4b:s8+s1], $0x80, v3, vm0, $0xb8;
	[tilespmem:$0x10080] =	vst v63  }
0x2e: {  	v3 =	vld [tilespmem:$0x10];
	_ =	sdelay $0x4  }
0x2f: {  	v61 =	vshll.u32 v3, $0x3  }
0x30: {  	v3 =	vand.u32 $0x7, v3;
	v4 =	vand.u32 $0xFFFFFFC0, v61  }
0x31: {  	v3 =	vor.u32 v3, v4  }
0x32: {  	v4 =	vperm.xlane v3, v0;
	_ =	sdelay $0x1  }
0x33: {  	v4 =	vadd.s32 v1, v4;
	_ =	sdelay $0x3  }
0x34: {  	s25 =	simm.s32 $0x4080  }
0x35: {  	[tilespmem:s25], [sflag:$0x1] =	stream.indirect_vreg.gather [hbm4b:s3+s1], $0x80, v4, vm0, $0xb8;
	[tilespmem:$0x10080] =	vst v63  }
0x36: {  	v3 =	vperm.xlane v3, v2;
	s25 =	simm.s32 $0x4880  }
0x37: {  	[tilespmem:s25], [sflag:$0x1] =	stream.indirect_vreg.gather [hbm4b:s6+s1], $0x80, v4, vm0, $0xb8;
	[tilespmem:$0x10080] =	vst v63  }
0x38: {  	v3 =	vadd.s32 v1, v3;
	s25 =	simm.s32 $0x5080  }
0x39: {  	[tilespmem:s25], [sflag:$0x1] =	stream.indirect_vreg.gather [hbm4b:s7+s1], $0x80, v4, vm0, $0xb8;
	[tilespmem:$0x10080] =	vst v63  }
0x3a: {  	s25 =	simm.s32 $0x5880  }
0x3b: {  	[tilespmem:s25], [sflag:$0x1] =	stream.indirect_vreg.gather [hbm4b:s8+s1], $0x80, v4, vm0, $0xb8;
	[tilespmem:$0x10080] =	vst v63  }
0x3c: {  	s25 =	simm.s32 $0x6080  }
0x3d: {  	[tilespmem:s25], [sflag:$0x1] =	stream.indirect_vreg.gather [hbm4b:s3+s1], $0x80, v3, vm0, $0xb8;
	[tilespmem:$0x10080] =	vst v63  }
0x3e: {  	s25 =	simm.s32 $0x6880  }
0x3f: {  	[tilespmem:s25], [sflag:$0x1] =	stream.indirect_vreg.gather [hbm4b:s6+s1], $0x80, v3, vm0, $0xb8;
	[tilespmem:$0x10080] =	vst v63  }
0x40: {  	_ = 	snop  }
0x41: {  	[tilespmem:s26], [sflag:$0x1] =	stream.indirect_vreg.gather [hbm4b:s7+s1], $0x80, v3, vm0, $0xb8;
	[tilespmem:$0x10080] =	vst v63  }
0x42: {  	_ = 	snop  }
0x43: {  	[tilespmem:s28], [sflag:$0x1] =	stream.indirect_vreg.gather [hbm4b:s8+s1], $0x80, v3, vm0, $0xb8;
	[tilespmem:$0x10080] =	vst v63  }
0x44: {  	v3 =	vld [tilespmem:$0x20];
	_ =	sdelay $0x4  }
0x45: {  	v62 =	vshll.u32 v3, $0x3  }
0x46: {  	v3 =	vand.u32 $0x7, v3;
	v4 =	vand.u32 $0xFFFFFFC0, v62  }
0x47: {  	v3 =	vor.u32 v3, v4  }
0x48: {  	v4 =	vperm.xlane v3, v0;
	_ =	sdelay $0x1  }
0x49: {  	v4 =	vadd.s32 v1, v4;
	_ =	sdelay $0x4  }
0x4a: {  	[tilespmem:s29], [sflag:$0x1] =	stream.indirect_vreg.gather [hbm4b:s3+s1], $0x80, v4, vm0, $0xb8;
	[tilespmem:$0x10080] =	vst v63  }
0x4b: {  	v3 =	vperm.xlane v3, v2  }
0x4c: {  	[tilespmem:s30], [sflag:$0x1] =	stream.indirect_vreg.gather [hbm4b:s6+s1], $0x80, v4, vm0, $0xb8;
	[tilespmem:$0x10080] =	vst v63  }
0x4d: {  	v3 =	vadd.s32 v1, v3  }
0x4e: {  	[tilespmem:s31], [sflag:$0x1] =	stream.indirect_vreg.gather [hbm4b:s7+s1], $0x80, v4, vm0, $0xb8;
	[tilespmem:$0x10080] =	vst v63  }
0x4f: {  	_ = 	snop  }
0x50: {  	[tilespmem:s0], [sflag:$0x1] =	stream.indirect_vreg.gather [hbm4b:s8+s1], $0x80, v4, vm0, $0xb8;
	[tilespmem:$0x10080] =	vst v63  }
0x51: {  	_ = 	snop  }
0x52: {  	[tilespmem:s2], [sflag:$0x1] =	stream.indirect_vreg.gather [hbm4b:s3+s1], $0x80, v3, vm0, $0xb8;
	[tilespmem:$0x10080] =	vst v63  }
0x53: {  	_ = 	snop  }
0x54: {  	[tilespmem:s10], [sflag:$0x1] =	stream.indirect_vreg.gather [hbm4b:s6+s1], $0x80, v3, vm0, $0xb8;
	[tilespmem:$0x10080] =	vst v63  }
0x55: {  	_ = 	snop  }
0x56: {  	[tilespmem:s13], [sflag:$0x1] =	stream.indirect_vreg.gather [hbm4b:s7+s1], $0x80, v3, vm0, $0xb8;
	[tilespmem:$0x10080] =	vst v63  }
0x57: {  	_ = 	snop  }
0x58: {  	[tilespmem:s14], [sflag:$0x1] =	stream.indirect_vreg.gather [hbm4b:s8+s1], $0x80, v3, vm0, $0xb8;
	[tilespmem:$0x10080] =	vst v63  }
0x59: {  	v3 =	vld [tilespmem:$0x30];
	_ =	sdelay $0x4  }
0x5a: {  	v63 =	vshll.u32 v3, $0x3  }
0x5b: {  	v3 =	vand.u32 $0x7, v3;
	v4 =	vand.u32 $0xFFFFFFC0, v63  }
0x5c: {  	v3 =	vor.u32 v3, v4  }
0x5d: {  	v4 =	vperm.xlane v3, v0;
	_ =	sdelay $0x1  }
0x5e: {  	v4 =	vadd.s32 v1, v4;
	_ =	sdelay $0x4  }
0x5f: {  	[tilespmem:s15], [sflag:$0x1] =	stream.indirect_vreg.gather [hbm4b:s3+s1], $0x80, v4, vm0, $0xb8;
	[tilespmem:$0x10080] =	vst v63  }
0x60: {  	v3 =	vperm.xlane v3, v2  }
0x61: {  	[tilespmem:s16], [sflag:$0x1] =	stream.indirect_vreg.gather [hbm4b:s6+s1], $0x80, v4, vm0, $0xb8;
	[tilespmem:$0x10080] =	vst v63  }
0x62: {  	v3 =	vadd.s32 v1, v3  }
0x63: {  	[tilespmem:s17], [sflag:$0x1] =	stream.indirect_vreg.gather [hbm4b:s7+s1], $0x80, v4, vm0, $0xb8;
	[tilespmem:$0x10080] =	vst v63  }
0x64: {  	_ = 	snop  }
0x65: {  	[tilespmem:s18], [sflag:$0x1] =	stream.indirect_vreg.gather [hbm4b:s8+s1], $0x80, v4, vm0, $0xb8;
	[tilespmem:$0x10080] =	vst v63  }
0x66: {  	_ = 	snop  }
0x67: {  	[tilespmem:s19], [sflag:$0x1] =	stream.indirect_vreg.gather [hbm4b:s3+s1], $0x80, v3, vm0, $0xb8;
	[tilespmem:$0x10080] =	vst v63  }
0x68: {  	_ = 	snop  }
0x69: {  	[tilespmem:s20], [sflag:$0x1] =	stream.indirect_vreg.gather [hbm4b:s6+s1], $0x80, v3, vm0, $0xb8;
	[tilespmem:$0x10080] =	vst v63  }
0x6a: {  	_ = 	snop  }
0x6b: {  	[tilespmem:s21], [sflag:$0x1] =	stream.indirect_vreg.gather [hbm4b:s7+s1], $0x80, v3, vm0, $0xb8;
	[tilespmem:$0x10080] =	vst v63  }
0x6c: {  	_ = 	snop  }
0x6d: {  	[tilespmem:s22], [sflag:$0x1] =	stream.indirect_vreg.gather [hbm4b:s8+s1], $0x80, v3, vm0, $0xb8;
	[tilespmem:$0x10080] =	vst v63  }
0x6e: {  	_ =	swait.ge [sflag:s23], $0x10000  }
0x6f: {  	p1 =	por p0, p0;
	s24 =	sshll.u32 s24, $0x7;
	[sflag:s23] =	ssyncset.done $0x0  }
.Ltmp0:
0x70: {  	s24 =	sadd.s32 s24, s9;
	[sflag:s23] =	ssyncadd.s32 $0xFFFF0000;
	(pc) =	sbr.rel @p1 .LBB2_2-.Ltmp0, $4  }
0x71: {  	[hbm4b:s24+s1] =	stream.linear.scatter [tilespmem:s12], [sflag:$0x2], $0x10000, $0x38;
	[tilespmem:$0x10080] =	vst v63  }
0x72: {  	_ =	swait.ge [sflag:s11], $0x10000  }
0x73: {  	[sflag:s11] =	ssyncset.done $0x0  }
0x74: {  	p0 =	por $0x0, $0x0;
	s24 =	simm.s32 $0x40;
	[sflag:s11] =	ssyncadd.s32 $0xFFFF0000  }
0x75: {  	s25 =	rddreg [dreg:$0x4]  }
0x76: {  	s24 =	rddreg [dreg:$0x3];
	s25 =	sadd.s32 $0x1, s25  }
0x77: {  	p0 =	sne.s32 s25, s24  }
.Ltmp1:
0x78: {  	_ = 	snop;
	(pc) =	sbr.rel @p0 .LBB2_1-.Ltmp1, $1  }
0x79: {  	_ =	sdelay $0x3  }
0x7a: {  	_ =	sfence.sel $0x180000  }
0x7b: {  	[bflag:$0x0] =	sbarrier.arrive $0xFFFF  }
0x7c: {  	_ =	strace $0x9000004D  }
0x7d: {  	s0 =	stileid.u32;
	[bflag:$0x2] =	sbarrier.arrive $0xFFFF  }
0x7e: {  	p0 =	sne.s32 s0, $0x0;
	s0 =	rddreg [dreg:$0x2]  }
0x7f: {  	s0 =	sadd.s32 @!p0 $0x100000, s0  }
0x80: {  	[sflag:s0] =	ssyncadd.tile.s32 @!p0 $0x1;
	_ =	shalt  }
.Lfunc_end2:
_tile_overlayer_lowered:
.L_overlay_start_2:
0x81: {  	(tag) =	ssettag $0x2  }
0x82: {  	s0 =	rddreg [dreg:$0x0];
	s2 =	stileid.u32  }
0x83: {  	s1 =	rddreg [dreg:$0x1];
	p0 =	sne.s32 s2, $0x0  }
0x84: {  	s3 =	rddreg [dreg:$0x2];
	[bflag:$0x3] =	sbarrier.arrive $0xFFFF;
	s2 =	simm.s32 @!p0 $0x1C02  }
0x85: {  	[timem:s3], [sflag:s2] =	dma.local @!p0 [hbm:s0], s1  }
0x86: {  	s0 =	simm.s32 @!p0 $0x2  }
0x87: {  	_ =	swait.ge @!p0 [sflag:s0], s1  }
0x88: {  	s1 =	ssub.s32 @!p0 $0x0, s1;
	[sflag:s0] =	ssyncset.done @!p0 $0x0  }
0x89: {  	[sflag:s0] =	ssyncadd.s32 @!p0 s1  }
0x8a: {  	[bflag:$0x3] =	sbarrier.arrive $0xFFFF  }
0x8b: {  	_ =	shalt  }

// kernel: kernel.20.cloned.1.call-start
scs
__scs_entry_jumppad:
0x0: {  	(pc) =	sbr.rel $0x88, $3  }
0x1: {  	(tag) =	ssettag $0x0;
	lr =	simm.s32 $0x1  }
0x2: {  	[smem:$0x3F9B] =	sst lr;
	_ =	strace $0xD0000000  }
0x3: {  	_ = 	snop  }
0x4: {  	_ = 	snop  }
0x5: {  	_ = 	snop  }
0x6: {  	_ = 	snop  }
0x7: {  	_ = 	snop  }
__scs_overlays_trampoline_lowered:
0x8: {  	[smem:$0x3FAA] =	sst s0  }
0x9: {  	[smem:$0x3FAB] =	sst s1  }
0xa: {  	[smem:$0x3FAC] =	sst s2  }
0xb: {  	[smem:$0x3FAD] =	sst s3  }
0xc: {  	[smem:$0x3FAE] =	sst s4  }
0xd: {  	[smem:$0x3FAF] =	sst s5  }
0xe: {  	[smem:$0x3FB0] =	sst s6  }
0xf: {  	[smem:$0x3FB1] =	sst s7  }
0x10: {  	[smem:$0x3FB2] =	sst s8  }
0x11: {  	[smem:$0x3FB3] =	sst s9;
	s0 =	simm.s32 @!p0 $0x0  }
0x12: {  	s1 =	sld [smem:$0x3F99];
	s0 =	simm.s32 @p0 $0x1  }
0x13: {  	[smem:$0x3FB4] =	sst s0;
	s0 =	simm.s32 @!p1 $0x0  }
0x14: {  	s2 =	sld [smem:$0x3F98];
	s0 =	simm.s32 @p1 $0x1  }
0x15: {  	[smem:$0x3FB5] =	sst s0;
	s0 =	simm.s32 @!p2 $0x0  }
0x16: {  	s3 =	sld [smem:$0x3FDB];
	s0 =	simm.s32 @p2 $0x1  }
0x17: {  	s4 =	simm.s32 $0x1BF5;
	[smem:$0x3FB7] =	sst s0  }
0x18: {  	s0 =	sld [smem:$0x3F9A];
	_ =	swait.ge [sflag:s4], $0x0  }
0x19: {  	s7 =	sld [smem:$0x3F9B]  }
0x1a: {  	s8 =	sadd.s32 $0xFFFFE003, lr  }
0x1b: {  	s9 =	sadd.s32 $0xFFFFFEF7, lr;
	s5 =	simm.s32 $0xFFFFFFFF;
	p2 =	slt.u32 s8, $0xFFFFF086  }
0x1c: {  	p1 =	slt.u32 s9, $0xF7A;
	s5 =	simm.s32 @!p2 $0x0  }
0x1d: {  	s5 =	simm.s32 @p1 $0x1;
	p0 =	seq.s32 s7, s2  }
0x1e: {  	s7 =	smul.u32 @!p0 $0xF7A, s2;
	p2 =	seq.s32 @!p0 s5, $0x0  }
0x1f: {  	s9 =	smul.u32 $0xF7A, s1;
	s8 =	simm.s32 @!p0 $0x1BF5;
	p2 =	por !p2, p0  }
0x20: {  	[sflag:s8] =	ssyncset.s32 @!p0 $0xFFFFF086;
	s6 =	sadd.s32 @!p0 s3, s7;
	s7 =	simm.s32 @!p0 $0x108  }
0x21: {  	s3 =	sadd.s32 s3, s9;
	s6 =	sadd.s32 @!p0 $0x88, s6;
	s7 =	simm.s32 @p2 $0x1082  }
0x22: {  	[simem:s7], [sflag:s8] =	dma.local @!p0 [hbm:s6], $0xF7A  }
0x23: {  	s9 =	sor.u32 $0xD0000000, s2;
	s6 =	simm.s32 $0x108;
	_ =	swait.ge @!p0 [sflag:s8], $0x0  }
0x24: {  	s3 =	sadd.s32 $0x88, s3;
	s6 =	simm.s32 @!p1 $0x1082;
	[sflag:s4] =	ssyncset.s32 $0xFFFFF086  }
0x25: {  	[simem:s6], [sflag:s4] =	dma.local [hbm:s3], $0xF7A  }
0x26: {  	[smem:$0x3F9B] =	sst s1;
	(tag) =	ssettag s2;
	_ =	strace s9  }
0x27: {  	s1 =	sld [smem:$0x3FAB]  }
0x28: {  	s2 =	sld [smem:$0x3FAC]  }
0x29: {  	s4 =	sld [smem:$0x3FAE]  }
0x2a: {  	p0 =	seq.s32 s5, $0x0;
	s5 =	sld [smem:$0x3FAF]  }
0x2b: {  	s6 =	sld [smem:$0x3FB0]  }
0x2c: {  	s7 =	sld [smem:$0x3FB1]  }
0x2d: {  	s3 =	simm.s32 $0x108;
	s8 =	sld [smem:$0x3FB2]  }
0x2e: {  	s3 =	simm.s32 @!p0 $0x1082;
	s9 =	sld [smem:$0x3FB3]  }
0x2f: {  	lr =	sadd.s32 s0, s3;
	s0 =	sld [smem:$0x3FAA]  }
0x30: {  	s3 =	sld [smem:$0x3FAD]  }
0x31: {  	[smem:$0x3FB6] =	sst s10  }
0x32: {  	s10 =	sld [smem:$0x3FB4];
	_ =	sdelay $0x3  }
0x33: {  	p0 =	seq.s32 s10, $0x1;
	s10 =	sld [smem:$0x3FB6];
	_ =	sdelay $0x3  }
0x34: {  	[smem:$0x3FB6] =	sst s10  }
0x35: {  	s10 =	sld [smem:$0x3FB5];
	_ =	sdelay $0x3  }
0x36: {  	p1 =	seq.s32 s10, $0x1;
	s10 =	sld [smem:$0x3FB6];
	_ =	sdelay $0x3  }
0x37: {  	[smem:$0x3FB6] =	sst s10  }
0x38: {  	s10 =	sld [smem:$0x3FB7]  }
0x39: {  	_ = 	snop;
	(pc) =	sbr.ind lr, $3  }
0x3a: {  	_ = 	snop  }
0x3b: {  	_ = 	snop  }
0x3c: {  	p2 =	seq.s32 s10, $0x1;
	s10 =	sld [smem:$0x3FB6]  }
0x3d: {  	_ =	shalt  }
0x3e: {  	_ =	shalt  }
0x3f: {  	_ =	shalt  }
0x40: {  	_ =	shalt  }
0x41: {  	_ =	shalt  }
0x42: {  	_ =	shalt  }
0x43: {  	_ =	shalt  }
0x44: {  	_ =	shalt  }
0x45: {  	_ =	shalt  }
0x46: {  	_ =	shalt  }
0x47: {  	_ =	shalt  }
0x48: {  	_ =	shalt  }
0x49: {  	_ =	shalt  }
0x4a: {  	_ =	shalt  }
0x4b: {  	_ =	shalt  }
0x4c: {  	_ =	shalt  }
0x4d: {  	_ =	shalt  }
0x4e: {  	_ =	shalt  }
0x4f: {  	_ =	shalt  }
0x50: {  	_ =	shalt  }
0x51: {  	_ =	shalt  }
0x52: {  	_ =	shalt  }
0x53: {  	_ =	shalt  }
0x54: {  	_ =	shalt  }
0x55: {  	_ =	shalt  }
0x56: {  	_ =	shalt  }
0x57: {  	_ =	shalt  }
0x58: {  	_ =	shalt  }
0x59: {  	_ =	shalt  }
0x5a: {  	_ =	shalt  }
0x5b: {  	_ =	shalt  }
0x5c: {  	_ =	shalt  }
0x5d: {  	_ =	shalt  }
0x5e: {  	_ =	shalt  }
0x5f: {  	_ =	shalt  }
0x60: {  	_ =	shalt  }
0x61: {  	_ =	shalt  }
0x62: {  	_ =	shalt  }
0x63: {  	_ =	shalt  }
0x64: {  	_ =	shalt  }
0x65: {  	_ =	shalt  }
0x66: {  	_ =	shalt  }
0x67: {  	_ =	shalt  }
0x68: {  	_ =	shalt  }
0x69: {  	_ =	shalt  }
0x6a: {  	_ =	shalt  }
0x6b: {  	_ =	shalt  }
0x6c: {  	_ =	shalt  }
0x6d: {  	_ =	shalt  }
0x6e: {  	_ =	shalt  }
0x6f: {  	_ =	shalt  }
0x70: {  	_ =	shalt  }
0x71: {  	_ =	shalt  }
0x72: {  	_ =	shalt  }
0x73: {  	_ =	shalt  }
0x74: {  	_ =	shalt  }
0x75: {  	_ =	shalt  }
0x76: {  	_ =	shalt  }
0x77: {  	_ =	shalt  }
0x78: {  	_ =	shalt  }
0x79: {  	_ =	shalt  }
0x7a: {  	_ =	shalt  }
0x7b: {  	_ =	shalt  }
0x7c: {  	_ =	shalt  }
0x7d: {  	_ =	shalt  }
0x7e: {  	_ =	shalt  }
0x7f: {  	_ =	shalt  }
0x80: {  	_ =	shalt  }
0x81: {  	_ =	shalt  }
0x82: {  	_ =	shalt  }
0x83: {  	_ =	shalt  }
0x84: {  	_ =	shalt  }
0x85: {  	_ =	shalt  }
0x86: {  	_ =	shalt  }
0x87: {  	_ =	shalt  }
.Lfunc_end0:
.L_simem_size_0:
called_computation.3_lowered:
.L_overlay_start_0:
0x88: {  	s2 =	sld [smem:$0x3FD9]  }
0x89: {  	s3 =	sld [smem:$0x3FFE];
	_ =	sdelay $0x1  }
0x8a: {  	s1 =	srdreg.scid  }
0x8b: {  	s0 =	sand.u32 $0x1, s1  }
0x8c: {  	s14 =	sshll.u32 s0, $0xA;
	s2 =	sadd.s32 s3, s2  }
0x8d: {  	s2 =	sadd.s32 s2, s14  }
0x8e: {  	[smem:$0x3FC2] =	sst s2  }
0x8f: {  	_ = 	snop  }
0x90: {  	s2 =	sld [smem:$0x3FD0];
	_ =	sdelay $0x2  }
0x91: {  	s15 =	simm.s32 $0xA;
	s4 =	simm.s32 $0x10  }
0x92: {  	[smem:s4], [sflag:s15] =	dma.local [hbm:s2], $0x1  }
0x93: {  	_ =	swait.eq [sflag:s15], $0x1  }
0x94: {  	[sflag:s15] =	ssyncset.done $0x0  }
0x95: {  	[sflag:s15] =	ssyncadd.s32 $0xFFFFFFFF  }
0x96: {  	s16 =	sld [smem:$0x10];
	(tm) =	ssettm $0x1  }
0x97: {  	s17 =	sld [smem:$0x3FFB];
	_ =	sdelay $0x3  }
0x98: {  	_ =	strace s17  }
0x99: {  	s3 =	sld [smem:$0x3FFC];
	_ =	sdelay $0x3  }
0x9a: {  	_ =	strace s3  }
0x9b: {  	s3 =	sld [smem:$0x3FFD];
	_ =	sdelay $0x3  }
0x9c: {  	_ =	strace s3  }
0x9d: {  	_ =	strace $0x8FFFFFFF  }
0x9e: {  	s18 =	sld [smem:$0x3FDB];
	_ =	sdelay $0x1  }
0x9f: {  	s19 =	simm.s32 $_scs_section_size  }
0xa0: {  	s5 =	simm.s32 $_size__tile_overlayer_lowered;
	s6 =	simm.s32 $_tile_overlayer_lowered  }
0xa1: {  	s22 =	simm.s32 $0x1BFF;
	s21 =	sshll.u32 s6, $0x1;
	s3 =	sadd.s32 s19, s18  }
0xa2: {  	s7 =	simm.s32 $0x0;
	s20 =	sshll.u32 s5, $0x1;
	s5 =	sadd.s32 s21, s3  }
0xa3: {  	[timem:s7], [sflag:s22] =	dma.local [hbm:s5], s20  }
0xa4: {  	_ =	swait.ge [sflag:s22], s20  }
0xa5: {  	s4 =	ssub.s32 $0x0, s20;
	[sflag:s22] =	ssyncset.done $0x0  }
0xa6: {  	[sflag:s22] =	ssyncadd.s32 s4;
	_ =	sdelay $0x1  }
0xa7: {  	s23 =	simm.s32 $0x1B8B  }
0xa8: {  	_ =	swait.ge [sflag:s23], $0x1  }
0xa9: {  	[sflag:s23] =	ssyncset.done $0x0  }
0xaa: {  	s25 =	simm.s32 $0x1B8E;
	s24 =	sld [smem:$0x3FFE];
	[sflag:s23] =	ssyncadd.s32 $0xFFFFFFFF  }
0xab: {  	s26 =	simm.s32 $execute0_lowered;
	[smem:$0x3FD2] =	sst s25  }
0xac: {  	s5 =	sshll.u32 s26, $0x1;
	_ =	strace $0x8000004F;
	[dreg:$0x1] =	wrdreg $0xFFFFFFFF  }
0xad: {  	s28 =	simm.s32 $_size_execute0_lowered;
	s3 =	sadd.s32 s3, s5;
	[dreg:$0x0] =	wrdreg $0x0  }
0xae: {  	s5 =	sshll.u32 s28, $0x1;
	[dreg:$0x2] =	wrdreg s3  }
0xaf: {  	[dreg:$0x3] =	wrdreg s5  }
0xb0: {  	[dreg:$0x4] =	wrdreg $0xC0  }
0xb1: {  	_ =	task [dreg:s7], $0x5FFFF  }
0xb2: {  	[dreg:$0x1] =	wrdreg $0xFFFFFFFF  }
0xb3: {  	[dreg:$0x0] =	wrdreg $0x60  }
0xb4: {  	[dreg:$0x2] =	wrdreg s24  }
0xb5: {  	[dreg:$0x3] =	wrdreg s16  }
0xb6: {  	[dreg:$0x4] =	wrdreg $0x9  }
0xb7: {  	_ =	task.clear_ibuf [dreg:s7], $0x5FFFF;
	_ =	strace $0x9000004F  }
0xb8: {  	s29 =	simm.s32 $0x9;
	_ =	strace $0x80000051  }
0xb9: {  	_ =	swait.ge [sflag:s29], $0x1  }
0xba: {  	[sflag:s29] =	ssyncadd.s32 $0xFFFFFFFF  }
0xbb: {  	_ =	strace $0x90000051  }
0xbc: {  	_ =	sfence  }
0xbd: {  	s30 =	sld [smem:$0x0];
	_ =	sdelay $0x2  }
0xbe: {  	s31 =	sshll.u32 s1, $0xD;
	s1 =	sshrl.u32 s1, $0x2  }
0xbf: {  	s3 =	sand.u32 $0x4000, s31;
	s1 =	sadd.s32 s1, s30  }
0xc0: {  	s0 =	sor.u32 s3, s0;
	s1 =	sshll.u32 s1, $0x11  }
0xc1: {  	s0 =	sor.u32 s1, s0  }
0xc2: {  	s0 =	sadd.s32 $0x8F2B, s0  }
0xc3: {  	[sflag:s0] =	ssyncadd.remote.s32 $0x1  }
0xc4: {  	_ =	sfence.sel $0xFFFF  }
0xc5: {  	[dreg:$0x0] =	wrdreg $0xFFFFFFFF;
	(pc) =	sbr.abs _section_cstart, $3  }
0xc6: {  	[dreg:$0x1] =	wrdreg $0xFFFFFFFF  }
0xc7: {  	_ =	task.clear_ibuf [dreg:s7], $0x2FFFF;
	_ =	strace $0x9FFFFFFF  }
0xc8: {  	(tm) =	ssettm $0x7FFFFFFF  }
0xc9: {  	_ =	shalt  }
tec
execute0_lowered:
.L_overlay_start_1:
0x0: {  	(tag) =	ssettag $0x1  }
0x1: {  	s0 =	rddreg [dreg:$0x0]  }
0x2: {  	s2 =	rddreg [dreg:$0x1]  }
0x3: {  	s1 =	simm.s32 $0x0;
	s4 =	srdreg.scid;
	s8 =	stileid.u32  }
0x4: {  	s11 =	simm.s32 $0x2;
	s12 =	simm.s32 $0x80;
	s28 =	simm.s32 $0x7880  }
0x5: {  	s29 =	simm.s32 $0x8080;
	s30 =	simm.s32 $0x8880;
	s31 =	simm.s32 $0x9080  }
0x6: {  	s13 =	simm.s32 $0xB080;
	s14 =	simm.s32 $0xB880;
	s15 =	simm.s32 $0xC080  }
0x7: {  	s16 =	simm.s32 $0xC880;
	s17 =	simm.s32 $0xD080;
	s18 =	simm.s32 $0xD880  }
0x8: {  	s19 =	simm.s32 $0xE080;
	s20 =	simm.s32 $0xE880;
	s21 =	simm.s32 $0xF080  }
0x9: {  	s22 =	simm.s32 $0xF880;
	s23 =	simm.s32 $0x1;
	s25 =	simm.s32 $0x0  }
0xa: {  	[smem:$0x7FF] =	sst s1;
	s3 =	sadd.s32 $0x2C00, s0;
	s5 =	sand.u32 $0x1, s4  }
0xb: {  	s4 =	sadd.s32 $0x43200, s0;
	s8 =	sshll.u32 s8, $0x8;
	s9 =	sadd.s32 $0x180000, s2  }
0xc: {  	s2 =	simm.s32 $0xA080;
	s6 =	ssub.s32 $0x2, s5;
	s5 =	sshll.u32 s5, $0x7  }
0xd: {  	_ =	strace $0x80000050;
	s7 =	sshrl.u32 s6, $0x1;
	s5 =	sor.u32 s5, s8  }
0xe: {  	v2 =	vlaneseq.u32;
	s8 =	sadd.s32 $0x2F00, s0;
	s10 =	ssub.s32 s6, s7;
	s6 =	sadd.s32 $0x2D00, s0  }
0xf: {  	vm0 =	vmmov $0xffff;
	v1 =	vshrl.u32 v2, $0x3;
	s7 =	sadd.s32 $0x2E00, s0;
	s0 =	simm.s32 $0x9880;
	s26 =	smax.u32 s10, $0x1  }
0x10: {  	v0 =	vand.u32 $0x7, v2;
	v2 =	vor.u32 $0x8, v2;
	v1 =	vmul.u32 $0x8, v1;
	s10 =	simm.s32 $0xA880;
	[dreg:$0x3] =	wrdreg s26;
	s26 =	simm.s32 $0x7080  }
.LBB2_1:
0x11: {  	[dreg:$0x4] =	wrdreg s25;
	p0 =	por $0x1, $0x1;
	s24 =	simm.s32 $0x0  }
.LBB2_2:
0x12: {  	s24 =	sor.u32 s5, s24  }
0x13: {  	s25 =	sshrl.u32 s24, $0x3  }
0x14: {  	s25 =	sadd.s32 s4, s25  }
0x15: {  	[tilespmem:s1], [sflag:$0x2] =	stream.linear.gather [hbm4b:s25+s1], $0x40, $0x38;
	[tilespmem:$0x10080] =	vst v63  }
0x16: {  	_ =	swait.ge [sflag:s11], $0x40  }
0x17: {  	[sflag:s11] =	ssyncset.done $0x0  }
0x18: {  	[sflag:s11] =	ssyncadd.s32 $0xFFFFFFC0  }
0x19: {  	v3 =	vld [tilespmem:$0x0];
	_ =	sdelay $0x4  }
0x1a: {  	v4 =	vshll.u32 v3, $0x3  }
0x1b: {  	v3 =	vand.u32 $0x7, v3;
	v4 =	vand.u32 $0xFFFFFFC0, v4  }
0x1c: {  	v3 =	vor.u32 v3, v4  }
0x1d: {  	v4 =	vperm.xlane v3, v0;
	_ =	sdelay $0x1  }
0x1e: {  	v4 =	vadd.s32 v1, v4;
	_ =	sdelay $0x4  }
0x1f: {  	[tilespmem:s12], [sflag:$0x1] =	stream.indirect_vreg.gather [hbm4b:s3+s1], $0x80, v4, vm0, $0xb8;
	[tilespmem:$0x10080] =	vst v63  }
0x20: {  	s25 =	simm.s32 $0x880;
	v3 =	vperm.xlane v3, v2  }
0x21: {  	[tilespmem:s25], [sflag:$0x1] =	stream.indirect_vreg.gather [hbm4b:s6+s1], $0x80, v4, vm0, $0xb8;
	[tilespmem:$0x10080] =	vst v63  }
0x22: {  	v3 =	vadd.s32 v1, v3;
	s25 =	simm.s32 $0x1080  }
0x23: {  	[tilespmem:s25], [sflag:$0x1] =	stream.indirect_vreg.gather [hbm4b:s7+s1], $0x80, v4, vm0, $0xb8;
	[tilespmem:$0x10080] =	vst v63  }
0x24: {  	s25 =	simm.s32 $0x1880  }
0x25: {  	[tilespmem:s25], [sflag:$0x1] =	stream.indirect_vreg.gather [hbm4b:s8+s1], $0x80, v4, vm0, $0xb8;
	[tilespmem:$0x10080] =	vst v63  }
0x26: {  	s25 =	simm.s32 $0x2080  }
0x27: {  	[tilespmem:s25], [sflag:$0x1] =	stream.indirect_vreg.gather [hbm4b:s3+s1], $0x80, v3, vm0, $0xb8;
	[tilespmem:$0x10080] =	vst v63  }
0x28: {  	s25 =	simm.s32 $0x2880  }
0x29: {  	[tilespmem:s25], [sflag:$0x1] =	stream.indirect_vreg.gather [hbm4b:s6+s1], $0x80, v3, vm0, $0xb8;
	[tilespmem:$0x10080] =	vst v63  }
0x2a: {  	s25 =	simm.s32 $0x3080  }
0x2b: {  	[tilespmem:s25], [sflag:$0x1] =	stream.indirect_vreg.gather [hbm4b:s7+s1], $0x80, v3, vm0, $0xb8;
	[tilespmem:$0x10080] =	vst v63  }
0x2c: {  	s25 =	simm.s32 $0x3880  }
0x2d: {  	[tilespmem:s25], [sflag:$0x1] =	stream.indirect_vreg.gather [hbm4b:s8+s1], $0x80, v3, vm0, $0xb8;
	[tilespmem:$0x10080] =	vst v63  }
0x2e: {  	v3 =	vld [tilespmem:$0x10];
	_ =	sdelay $0x4  }
0x2f: {  	v61 =	vshll.u32 v3, $0x3  }
0x30: {  	v3 =	vand.u32 $0x7, v3;
	v4 =	vand.u32 $0xFFFFFFC0, v61  }
0x31: {  	v3 =	vor.u32 v3, v4  }
0x32: {  	v4 =	vperm.xlane v3, v0;
	_ =	sdelay $0x1  }
0x33: {  	v4 =	vadd.s32 v1, v4;
	_ =	sdelay $0x3  }
0x34: {  	s25 =	simm.s32 $0x4080  }
0x35: {  	[tilespmem:s25], [sflag:$0x1] =	stream.indirect_vreg.gather [hbm4b:s3+s1], $0x80, v4, vm0, $0xb8;
	[tilespmem:$0x10080] =	vst v63  }
0x36: {  	v3 =	vperm.xlane v3, v2;
	s25 =	simm.s32 $0x4880  }
0x37: {  	[tilespmem:s25], [sflag:$0x1] =	stream.indirect_vreg.gather [hbm4b:s6+s1], $0x80, v4, vm0, $0xb8;
	[tilespmem:$0x10080] =	vst v63  }
0x38: {  	v3 =	vadd.s32 v1, v3;
	s25 =	simm.s32 $0x5080  }
0x39: {  	[tilespmem:s25], [sflag:$0x1] =	stream.indirect_vreg.gather [hbm4b:s7+s1], $0x80, v4, vm0, $0xb8;
	[tilespmem:$0x10080] =	vst v63  }
0x3a: {  	s25 =	simm.s32 $0x5880  }
0x3b: {  	[tilespmem:s25], [sflag:$0x1] =	stream.indirect_vreg.gather [hbm4b:s8+s1], $0x80, v4, vm0, $0xb8;
	[tilespmem:$0x10080] =	vst v63  }
0x3c: {  	s25 =	simm.s32 $0x6080  }
0x3d: {  	[tilespmem:s25], [sflag:$0x1] =	stream.indirect_vreg.gather [hbm4b:s3+s1], $0x80, v3, vm0, $0xb8;
	[tilespmem:$0x10080] =	vst v63  }
0x3e: {  	s25 =	simm.s32 $0x6880  }
0x3f: {  	[tilespmem:s25], [sflag:$0x1] =	stream.indirect_vreg.gather [hbm4b:s6+s1], $0x80, v3, vm0, $0xb8;
	[tilespmem:$0x10080] =	vst v63  }
0x40: {  	_ = 	snop  }
0x41: {  	[tilespmem:s26], [sflag:$0x1] =	stream.indirect_vreg.gather [hbm4b:s7+s1], $0x80, v3, vm0, $0xb8;
	[tilespmem:$0x10080] =	vst v63  }
0x42: {  	_ = 	snop  }
0x43: {  	[tilespmem:s28], [sflag:$0x1] =	stream.indirect_vreg.gather [hbm4b:s8+s1], $0x80, v3, vm0, $0xb8;
	[tilespmem:$0x10080] =	vst v63  }
0x44: {  	v3 =	vld [tilespmem:$0x20];
	_ =	sdelay $0x4  }
0x45: {  	v62 =	vshll.u32 v3, $0x3  }
0x46: {  	v3 =	vand.u32 $0x7, v3;
	v4 =	vand.u32 $0xFFFFFFC0, v62  }
0x47: {  	v3 =	vor.u32 v3, v4  }
0x48: {  	v4 =	vperm.xlane v3, v0;
	_ =	sdelay $0x1  }
0x49: {  	v4 =	vadd.s32 v1, v4;
	_ =	sdelay $0x4  }
0x4a: {  	[tilespmem:s29], [sflag:$0x1] =	stream.indirect_vreg.gather [hbm4b:s3+s1], $0x80, v4, vm0, $0xb8;
	[tilespmem:$0x10080] =	vst v63  }
0x4b: {  	v3 =	vperm.xlane v3, v2  }
0x4c: {  	[tilespmem:s30], [sflag:$0x1] =	stream.indirect_vreg.gather [hbm4b:s6+s1], $0x80, v4, vm0, $0xb8;
	[tilespmem:$0x10080] =	vst v63  }
0x4d: {  	v3 =	vadd.s32 v1, v3  }
0x4e: {  	[tilespmem:s31], [sflag:$0x1] =	stream.indirect_vreg.gather [hbm4b:s7+s1], $0x80, v4, vm0, $0xb8;
	[tilespmem:$0x10080] =	vst v63  }
0x4f: {  	_ = 	snop  }
0x50: {  	[tilespmem:s0], [sflag:$0x1] =	stream.indirect_vreg.gather [hbm4b:s8+s1], $0x80, v4, vm0, $0xb8;
	[tilespmem:$0x10080] =	vst v63  }
0x51: {  	_ = 	snop  }
0x52: {  	[tilespmem:s2], [sflag:$0x1] =	stream.indirect_vreg.gather [hbm4b:s3+s1], $0x80, v3, vm0, $0xb8;
	[tilespmem:$0x10080] =	vst v63  }
0x53: {  	_ = 	snop  }
0x54: {  	[tilespmem:s10], [sflag:$0x1] =	stream.indirect_vreg.gather [hbm4b:s6+s1], $0x80, v3, vm0, $0xb8;
	[tilespmem:$0x10080] =	vst v63  }
0x55: {  	_ = 	snop  }
0x56: {  	[tilespmem:s13], [sflag:$0x1] =	stream.indirect_vreg.gather [hbm4b:s7+s1], $0x80, v3, vm0, $0xb8;
	[tilespmem:$0x10080] =	vst v63  }
0x57: {  	_ = 	snop  }
0x58: {  	[tilespmem:s14], [sflag:$0x1] =	stream.indirect_vreg.gather [hbm4b:s8+s1], $0x80, v3, vm0, $0xb8;
	[tilespmem:$0x10080] =	vst v63  }
0x59: {  	v3 =	vld [tilespmem:$0x30];
	_ =	sdelay $0x4  }
0x5a: {  	v63 =	vshll.u32 v3, $0x3  }
0x5b: {  	v3 =	vand.u32 $0x7, v3;
	v4 =	vand.u32 $0xFFFFFFC0, v63  }
0x5c: {  	v3 =	vor.u32 v3, v4  }
0x5d: {  	v4 =	vperm.xlane v3, v0;
	_ =	sdelay $0x1  }
0x5e: {  	v4 =	vadd.s32 v1, v4;
	_ =	sdelay $0x4  }
0x5f: {  	[tilespmem:s15], [sflag:$0x1] =	stream.indirect_vreg.gather [hbm4b:s3+s1], $0x80, v4, vm0, $0xb8;
	[tilespmem:$0x10080] =	vst v63  }
0x60: {  	v3 =	vperm.xlane v3, v2  }
0x61: {  	[tilespmem:s16], [sflag:$0x1] =	stream.indirect_vreg.gather [hbm4b:s6+s1], $0x80, v4, vm0, $0xb8;
	[tilespmem:$0x10080] =	vst v63  }
0x62: {  	v3 =	vadd.s32 v1, v3  }
0x63: {  	[tilespmem:s17], [sflag:$0x1] =	stream.indirect_vreg.gather [hbm4b:s7+s1], $0x80, v4, vm0, $0xb8;
	[tilespmem:$0x10080] =	vst v63  }
0x64: {  	_ = 	snop  }
0x65: {  	[tilespmem:s18], [sflag:$0x1] =	stream.indirect_vreg.gather [hbm4b:s8+s1], $0x80, v4, vm0, $0xb8;
	[tilespmem:$0x10080] =	vst v63  }
0x66: {  	_ = 	snop  }
0x67: {  	[tilespmem:s19], [sflag:$0x1] =	stream.indirect_vreg.gather [hbm4b:s3+s1], $0x80, v3, vm0, $0xb8;
	[tilespmem:$0x10080] =	vst v63  }
0x68: {  	_ = 	snop  }
0x69: {  	[tilespmem:s20], [sflag:$0x1] =	stream.indirect_vreg.gather [hbm4b:s6+s1], $0x80, v3, vm0, $0xb8;
	[tilespmem:$0x10080] =	vst v63  }
0x6a: {  	_ = 	snop  }
0x6b: {  	[tilespmem:s21], [sflag:$0x1] =	stream.indirect_vreg.gather [hbm4b:s7+s1], $0x80, v3, vm0, $0xb8;
	[tilespmem:$0x10080] =	vst v63  }
0x6c: {  	_ = 	snop  }
0x6d: {  	[tilespmem:s22], [sflag:$0x1] =	stream.indirect_vreg.gather [hbm4b:s8+s1], $0x80, v3, vm0, $0xb8;
	[tilespmem:$0x10080] =	vst v63  }
0x6e: {  	_ =	swait.ge [sflag:s23], $0x10000  }
0x6f: {  	p1 =	por p0, p0;
	s24 =	sshll.u32 s24, $0x7;
	[sflag:s23] =	ssyncset.done $0x0  }
.Ltmp0:
0x70: {  	s24 =	sadd.s32 s24, s9;
	[sflag:s23] =	ssyncadd.s32 $0xFFFF0000;
	(pc) =	sbr.rel @p1 .LBB2_2-.Ltmp0, $4  }
0x71: {  	[hbm4b:s24+s1] =	stream.linear.scatter [tilespmem:s12], [sflag:$0x2], $0x10000, $0x38;
	[tilespmem:$0x10080] =	vst v63  }
0x72: {  	_ =	swait.ge [sflag:s11], $0x10000  }
0x73: {  	[sflag:s11] =	ssyncset.done $0x0  }
0x74: {  	p0 =	por $0x0, $0x0;
	s24 =	simm.s32 $0x40;
	[sflag:s11] =	ssyncadd.s32 $0xFFFF0000  }
0x75: {  	s25 =	rddreg [dreg:$0x4]  }
0x76: {  	s24 =	rddreg [dreg:$0x3];
	s25 =	sadd.s32 $0x1, s25  }
0x77: {  	p0 =	sne.s32 s25, s24  }
.Ltmp1:
0x78: {  	_ = 	snop;
	(pc) =	sbr.rel @p0 .LBB2_1-.Ltmp1, $1  }
0x79: {  	_ =	sdelay $0x3  }
0x7a: {  	_ =	sfence.sel $0x180000  }
0x7b: {  	[bflag:$0x0] =	sbarrier.arrive $0xFFFF  }
0x7c: {  	_ =	strace $0x90000050  }
0x7d: {  	s0 =	stileid.u32;
	[bflag:$0x2] =	sbarrier.arrive $0xFFFF  }
0x7e: {  	p0 =	sne.s32 s0, $0x0;
	s0 =	rddreg [dreg:$0x2]  }
0x7f: {  	s0 =	sadd.s32 @!p0 $0x100000, s0  }
0x80: {  	[sflag:s0] =	ssyncadd.tile.s32 @!p0 $0x1;
	_ =	shalt  }
.Lfunc_end2:
_tile_overlayer_lowered:
.L_overlay_start_2:
0x81: {  	(tag) =	ssettag $0x2  }
0x82: {  	s0 =	rddreg [dreg:$0x0];
	s2 =	stileid.u32  }
0x83: {  	s1 =	rddreg [dreg:$0x1];
	p0 =	sne.s32 s2, $0x0  }
0x84: {  	s3 =	rddreg [dreg:$0x2];
	[bflag:$0x3] =	sbarrier.arrive $0xFFFF;
	s2 =	simm.s32 @!p0 $0x1C02  }
0x85: {  	[timem:s3], [sflag:s2] =	dma.local @!p0 [hbm:s0], s1  }
0x86: {  	s0 =	simm.s32 @!p0 $0x2  }
0x87: {  	_ =	swait.ge @!p0 [sflag:s0], s1  }
0x88: {  	s1 =	ssub.s32 @!p0 $0x0, s1;
	[sflag:s0] =	ssyncset.done @!p0 $0x0  }
0x89: {  	[sflag:s0] =	ssyncadd.s32 @!p0 s1  }
0x8a: {  	[bflag:$0x3] =	sbarrier.arrive $0xFFFF  }
0x8b: {  	_ =	shalt  }

</sc_bundles>
